<compile_context>
chip_gen: v7x
topology: tpu7x:2x2x1
jax: 0.10.2.dev20260603
libtpu: 0.0.44.dev20260713+nightly
codegen_flags: <defaults>
</compile_context>

<pallas_src>
import functools

import jax
import jax.numpy as jnp
from jax import lax
from jax.experimental import pallas as pl
from jax.experimental.pallas import tpu as pltpu
from jax.experimental.pallas import tpu_sc as plsc

V = 100000
E = 300
EP = 320
EW = EP // 2
EWP = 256
NCH = EW // 16
B = 4096
L = 200
NC, NS = 2, 16
NW = NC * NS
SEQ_PER_W = B // NW
NBUF = 2


def _augment(table_t):
    vb = 2048

    def body(t_ref, o_ref):
        x = t_ref[...].T
        flag = (jnp.max(jnp.abs(x), axis=1, keepdims=True) > 0.0)
        flag = flag.astype(jnp.float32)
        pad = jnp.zeros((vb, EP - E - 1), jnp.float32)
        aug = jnp.concatenate([x, flag, pad], axis=1)
        lo = lax.bitcast_convert_type(
            aug[:, :EW].astype(jnp.bfloat16), jnp.uint16
        ).astype(jnp.uint32)
        hi = lax.bitcast_convert_type(
            aug[:, EW:].astype(jnp.bfloat16), jnp.uint16
        ).astype(jnp.uint32)
        zpad = jnp.zeros((vb, EWP - EW), jnp.uint32)
        o_ref[...] = jnp.concatenate([lo | (hi << 16), zpad], axis=1)

    return pl.pallas_call(
        body,
        grid=((V + vb - 1) // vb,),
        in_specs=[pl.BlockSpec((E, vb), lambda i: (0, i))],
        out_specs=pl.BlockSpec((vb, EWP), lambda i: (i, 0)),
        out_shape=jax.ShapeDtypeStruct((V, EWP), jnp.uint32),
    )(table_t)


def _bag(aug, idx):
    mesh = plsc.VectorSubcoreMesh(core_axis_name="c", subcore_axis_name="s")

    @functools.partial(
        pl.kernel,
        out_type=jax.ShapeDtypeStruct((B, EP), jnp.float32),
        mesh=mesh,
        compiler_params=pltpu.CompilerParams(
            use_tc_tiling_on_sc=True, needs_layout_passes=False
        ),
        scratch_types=[
            pltpu.VMEM((NBUF, L), jnp.int32),
            pltpu.VMEM((NBUF, L, EWP), jnp.uint32),
            pltpu.VMEM((NBUF, EP), jnp.float32),
            pltpu.SemaphoreType.DMA,
            pltpu.SemaphoreType.DMA,
            pltpu.SemaphoreType.DMA,
            pltpu.SemaphoreType.DMA,
        ],
    )
    def k(aug_hbm, idx_hbm, out_hbm, idx_v, rows_v, res_v,
          sem0, sem1, osem0, osem1):
        wid = lax.axis_index("s") * NC + lax.axis_index("c")
        base = wid * SEQ_PER_W
        sems = (sem0, sem1)
        osems = (osem0, osem1)
        himask = jnp.full((16,), 0xFFFF0000, jnp.uint32)

        def start(kb, b):
            pltpu.sync_copy(idx_hbm.at[b], idx_v.at[kb])
            pltpu.async_copy(
                aug_hbm.at[idx_v.at[kb, pl.ds(0, 128)]],
                rows_v.at[kb, pl.ds(0, 128)], sems[kb])
            pltpu.async_copy(
                aug_hbm.at[idx_v.at[kb, pl.ds(128, 72)]],
                rows_v.at[kb, pl.ds(128, 72)], sems[kb])

        def finish(kb, b):
            pltpu.make_async_copy(
                aug_hbm.at[idx_v.at[kb, pl.ds(0, 128)]],
                rows_v.at[kb, pl.ds(0, 128)], sems[kb]
            ).wait()
            pltpu.make_async_copy(
                aug_hbm.at[idx_v.at[kb, pl.ds(128, 72)]],
                rows_v.at[kb, pl.ds(128, 72)], sems[kb]
            ).wait()
            buf = rows_v.at[kb]

            def body(jp, accs):
                new = []
                for c in range(NCH):
                    w0 = buf[2 * jp, pl.ds(c * 16, 16)]
                    w1 = buf[2 * jp + 1, pl.ds(c * 16, 16)]
                    s = plsc.bitcast(w0, jnp.bfloat16) + plsc.bitcast(w1, jnp.bfloat16)
                    w = plsc.bitcast(s, jnp.uint32)
                    fe = plsc.bitcast(w << 16, jnp.float32)
                    fo = plsc.bitcast(w & himask, jnp.float32)
                    new.append(accs[2 * c] + fe)
                    new.append(accs[2 * c + 1] + fo)
                return tuple(new)

            zero = jnp.zeros((16,), jnp.float32)
            accs = lax.fori_loop(
                0, L // 2, body, tuple(zero for _ in range(2 * NCH)), unroll=2
            )
            cnt = accs[2 * 8 + 1][12]
            inv = 1.0 / jnp.maximum(jnp.full((16,), cnt), 1.0)

            @pl.when(b - base >= NBUF)
            def _():
                pltpu.make_async_copy(
                    res_v.at[kb], out_hbm.at[b - NBUF], osems[kb]
                ).wait()

            for c in range(NCH):
                res_v[kb, pl.ds(c * 16, 16)] = accs[2 * c] * inv
                res_v[kb, pl.ds(EW + c * 16, 16)] = accs[2 * c + 1] * inv
            pltpu.async_copy(res_v.at[kb], out_hbm.at[b], osems[kb])

        for kb in range(NBUF):
            start(kb, base + kb)

        @pl.loop(0, SEQ_PER_W, step=NBUF)
        def _(i):
            for kb in range(NBUF):
                b = base + i + kb
                finish(kb, b)

                @pl.when(i + kb + NBUF < SEQ_PER_W)
                def _():
                    start(kb, b + NBUF)

        for kb in range(NBUF):
            pltpu.make_async_copy(
                res_v.at[kb], out_hbm.at[base + SEQ_PER_W - NBUF + kb], osems[kb]
            ).wait()

    return k(aug, idx)


def kernel(input, table):
    idx = input.astype(jnp.int32)
    aug = _augment(table.T)
    out = _bag(aug, idx)
    return out[:, :E]

# --- scband reference (transcript-rebuilt; emitter-appended) ---
"""Pipeline reference for scband-word-process-25099788878135 (READ-ONLY COPY).

The authoritative reference and input builder live on the scoring server;
editing this copy changes nothing except your own understanding.
"""

import jax, jax.numpy as jnp
import numpy as np

VOCAB = 100000
EMB = 300
B = 4096
L = 200


def setup_inputs(seed: int = 0) -> dict:
    key = jax.random.key(seed)
    k1, k2 = jax.random.split(key)
    indices = jax.random.randint(k1, (B, L), 0, VOCAB, dtype=jnp.int64 if jax.config.jax_enable_x64 else jnp.int32)
    table = jax.random.normal(k2, (VOCAB, EMB), dtype=jnp.float32) * 0.02
    # row 0 is the padding row (all zeros), which the module masks out
    table = table.at[0].set(0.0)
    return {"input": indices, "table": table}


def reference(input, table):
    # Embedding lookup (gather)
    word = jnp.take(table, input, axis=0)  # [B, L, EMB]
    remove = jnp.zeros((EMB,), dtype=jnp.float32)
    # mask rows whose embedding is the all-zero vector
    word_mask = jnp.all(word == remove, axis=-1)  # [B, L] True where padding
    keep = ~word_mask
    # ragged boolean_mask + mean over ragged dim == masked sum / kept count
    masked = jnp.where(keep[..., None], word, 0.0)
    counts = jnp.sum(keep, axis=1).astype(jnp.float32)  # [B]
    word_output = jnp.sum(masked, axis=1) / counts[:, None]  # [B, EMB] (nan if count==0)
    word_output = jnp.where(jnp.isnan(word_output), jnp.zeros_like(word_output), word_output)
    return word_output

if __name__ == "__main__":
    import jax
    _d = setup_inputs()
    print(jax.jit(kernel)(*tuple(_d.values())))

</pallas_src>

<mosaic_0001>
#map = affine_map<(d0, d1) -> (0, 0)>
module attributes {stable_mosaic.version = 14 : i64} {
  func.func @k(%arg0: i32, %arg1: i32, %arg2: memref<100000x256xi32, #tpu.memory_space<hbm>>, %arg3: memref<4096x200xi32, #tpu.memory_space<hbm>>, %arg4: memref<4096x320xf32, #tpu.memory_space<hbm>>, %arg5: memref<2x200xi32, #tpu.memory_space<vmem>>, %arg6: memref<2x200x256xi32, #tpu.memory_space<vmem>>, %arg7: memref<2x320xf32, #tpu.memory_space<vmem>>, %arg8: memref<!tpu.dma_semaphore, #tpu.memory_space<semaphore_mem>>, %arg9: memref<!tpu.dma_semaphore, #tpu.memory_space<semaphore_mem>>, %arg10: memref<!tpu.dma_semaphore, #tpu.memory_space<semaphore_mem>>, %arg11: memref<!tpu.dma_semaphore, #tpu.memory_space<semaphore_mem>>) attributes {dimension_semantics = [#tpu.dimension_semantics<core_parallel>, #tpu.dimension_semantics<subcore_parallel>], iteration_bounds = array<i64: 2, 16>, scalar_prefetch = 0 : i64, scratch_operands = 7 : i64, tpu.core_type = #tpu.core_type<sc_vector_subcore>, window_params = [{transform_indices = #map}, {transform_indices = #map}, {transform_indices = #map}]} {
    %mul3A = arith.constant 2 : i32
    %mul3A_0 = arith.muli %arg1, %mul3A : i32
    %add3A = arith.addi %mul3A_0, %arg0 : i32
    %mul3A_1 = arith.constant 128 : i32
    %mul3A_2 = arith.muli %add3A, %mul3A_1 : i32
    %broadcast_in_dim3A = arith.constant -65536 : i32
    %broadcast_in_dim3A_3 = vector.broadcast %broadcast_in_dim3A : i32 to vector<16xi32>
    %add3A_4 = arith.constant 0 : i32
    %add3A_5 = arith.addi %mul3A_2, %add3A_4 : i32
    %run_scoped3A = arith.constant 0 : i32
    "tpu.region"() ({
      %run_scoped3A_96 = tpu.sem_alloc : memref<!tpu.dma_semaphore, #tpu.memory_space<semaphore_mem>>
      %dma_start3A_97 = arith.constant 0 : i32
      %dma_start3A_98 = tpu.memref_slice %arg5[%run_scoped3A, %dma_start3A_97] : memref<2x200xi32, #tpu.memory_space<vmem>> -> memref<1x200xi32, #tpu.memory_space<vmem>>
      %dma_start3A_99 = tpu.memref_squeeze %dma_start3A_98 : memref<1x200xi32, #tpu.memory_space<vmem>> -> memref<200xi32, #tpu.memory_space<vmem>>
      %dma_start3A_100 = arith.constant 0 : i32
      %dma_start3A_101 = tpu.memref_slice %arg3[%add3A_5, %dma_start3A_100] : memref<4096x200xi32, #tpu.memory_space<hbm>> -> memref<1x200xi32, #tpu.memory_space<hbm>>
      %dma_start3A_102 = tpu.memref_squeeze %dma_start3A_101 : memref<1x200xi32, #tpu.memory_space<hbm>> -> memref<200xi32, #tpu.memory_space<hbm>>
      %dma_start3A_103 = arith.constant 0 : i32
      %dma_start3A_104 = tpu.memref_slice %arg5[%run_scoped3A, %dma_start3A_103] : memref<2x200xi32, #tpu.memory_space<vmem>> -> memref<1x200xi32, #tpu.memory_space<vmem>>
      %dma_start3A_105 = tpu.memref_squeeze %dma_start3A_104 : memref<1x200xi32, #tpu.memory_space<vmem>> -> memref<200xi32, #tpu.memory_space<vmem>>
      %dma_start3A_106 = arith.constant 0 : i32
      %dma_start3A_107 = tpu.memref_slice %arg3[%add3A_5, %dma_start3A_106] : memref<4096x200xi32, #tpu.memory_space<hbm>> -> memref<1x200xi32, #tpu.memory_space<hbm>>
      %dma_start3A_108 = tpu.memref_squeeze %dma_start3A_107 : memref<1x200xi32, #tpu.memory_space<hbm>> -> memref<200xi32, #tpu.memory_space<hbm>>
      tpu.enqueue_dma source(%dma_start3A_108 : memref<200xi32, #tpu.memory_space<hbm>>) target(%dma_start3A_105 : memref<200xi32, #tpu.memory_space<vmem>>) target_semaphore(%run_scoped3A_96 : memref<!tpu.dma_semaphore, #tpu.memory_space<semaphore_mem>>)
      %dma_wait3A_109 = arith.constant 0 : i32
      %dma_wait3A_110 = tpu.memref_slice %arg5[%run_scoped3A, %dma_wait3A_109] : memref<2x200xi32, #tpu.memory_space<vmem>> -> memref<1x200xi32, #tpu.memory_space<vmem>>
      %dma_wait3A_111 = tpu.memref_squeeze %dma_wait3A_110 : memref<1x200xi32, #tpu.memory_space<vmem>> -> memref<200xi32, #tpu.memory_space<vmem>>
      %dma_wait3A_112 = arith.constant 0 : i32
      %dma_wait3A_113 = tpu.memref_slice %arg3[%add3A_5, %dma_wait3A_112] : memref<4096x200xi32, #tpu.memory_space<hbm>> -> memref<1x200xi32, #tpu.memory_space<hbm>>
      %dma_wait3A_114 = tpu.memref_squeeze %dma_wait3A_113 : memref<1x200xi32, #tpu.memory_space<hbm>> -> memref<200xi32, #tpu.memory_space<hbm>>
      %dma_wait3A_115 = arith.constant 0 : i32
      %dma_wait3A_116 = tpu.memref_slice %arg5[%run_scoped3A, %dma_wait3A_115] : memref<2x200xi32, #tpu.memory_space<vmem>> -> memref<1x200xi32, #tpu.memory_space<vmem>>
      %dma_wait3A_117 = tpu.memref_squeeze %dma_wait3A_116 : memref<1x200xi32, #tpu.memory_space<vmem>> -> memref<200xi32, #tpu.memory_space<vmem>>
      %dma_wait3A_118 = arith.constant 0 : i32
      %dma_wait3A_119 = tpu.memref_slice %arg3[%add3A_5, %dma_wait3A_118] : memref<4096x200xi32, #tpu.memory_space<hbm>> -> memref<1x200xi32, #tpu.memory_space<hbm>>
      %dma_wait3A_120 = tpu.memref_squeeze %dma_wait3A_119 : memref<1x200xi32, #tpu.memory_space<hbm>> -> memref<200xi32, #tpu.memory_space<hbm>>
      tpu.wait_dma2 semaphore(%run_scoped3A_96 : memref<!tpu.dma_semaphore, #tpu.memory_space<semaphore_mem>>) src(%dma_wait3A_120 : memref<200xi32, #tpu.memory_space<hbm>>) dst(%dma_wait3A_117 : memref<200xi32, #tpu.memory_space<vmem>>)
      tpu.yield
    }) : () -> ()
    %dma_start3A = arith.constant 0 : i32
    %dma_start3A_6 = arith.constant 0 : i32
    %dma_start3A_7 = arith.constant 0 : i32
    %dma_start3A_8 = arith.constant 0 : i32
    %dma_start3A_9 = tpu.memref_slice %arg6[%dma_start3A_6, %dma_start3A_7, %dma_start3A_8] : memref<2x200x256xi32, #tpu.memory_space<vmem>> -> memref<1x128x256xi32, #tpu.memory_space<vmem>>
    %dma_start3A_10 = tpu.memref_squeeze %dma_start3A_9 : memref<1x128x256xi32, #tpu.memory_space<vmem>> -> memref<128x256xi32, #tpu.memory_space<vmem>>
    %dma_start3A_11 = arith.constant 0 : i32
    %dma_start3A_12 = tpu.memref_slice %arg5[%dma_start3A, %dma_start3A_11] : memref<2x200xi32, #tpu.memory_space<vmem>> -> memref<1x128xi32, #tpu.memory_space<vmem>>
    %dma_start3A_13 = tpu.memref_squeeze %dma_start3A_12 : memref<1x128xi32, #tpu.memory_space<vmem>> -> memref<128xi32, #tpu.memory_space<vmem>>
    %dma_start3A_14 = arith.constant 0 : i32
    %dma_start3A_15 = arith.constant 0 : i32
    %dma_start3A_16 = tpu.memref_slice %arg2[%dma_start3A_14, %dma_start3A_15] : memref<100000x256xi32, #tpu.memory_space<hbm>> -> memref<100000x256xi32, #tpu.memory_space<hbm>>
    tpu.enqueue_indirect_dma source(%dma_start3A_16 : memref<100000x256xi32, #tpu.memory_space<hbm>>) target(%dma_start3A_10 : memref<128x256xi32, #tpu.memory_space<vmem>>) offsets(%dma_start3A_13 : memref<128xi32, #tpu.memory_space<vmem>>) semaphore(%arg8 : memref<!tpu.dma_semaphore, #tpu.memory_space<semaphore_mem>>)
    %dma_start3A_17 = arith.constant 0 : i32
    %dma_start3A_18 = arith.constant 0 : i32
    %dma_start3A_19 = arith.constant 128 : i32
    %dma_start3A_20 = arith.constant 0 : i32
    %dma_start3A_21 = tpu.memref_slice %arg6[%dma_start3A_18, %dma_start3A_19, %dma_start3A_20] : memref<2x200x256xi32, #tpu.memory_space<vmem>> -> memref<1x72x256xi32, #tpu.memory_space<vmem>>
    %dma_start3A_22 = tpu.memref_squeeze %dma_start3A_21 : memref<1x72x256xi32, #tpu.memory_space<vmem>> -> memref<72x256xi32, #tpu.memory_space<vmem>>
    %dma_start3A_23 = arith.constant 128 : i32
    %dma_start3A_24 = tpu.memref_slice %arg5[%dma_start3A_17, %dma_start3A_23] : memref<2x200xi32, #tpu.memory_space<vmem>> -> memref<1x72xi32, #tpu.memory_space<vmem>>
    %dma_start3A_25 = tpu.memref_squeeze %dma_start3A_24 : memref<1x72xi32, #tpu.memory_space<vmem>> -> memref<72xi32, #tpu.memory_space<vmem>>
    %dma_start3A_26 = arith.constant 0 : i32
    %dma_start3A_27 = arith.constant 0 : i32
    %dma_start3A_28 = tpu.memref_slice %arg2[%dma_start3A_26, %dma_start3A_27] : memref<100000x256xi32, #tpu.memory_space<hbm>> -> memref<100000x256xi32, #tpu.memory_space<hbm>>
    tpu.enqueue_indirect_dma source(%dma_start3A_28 : memref<100000x256xi32, #tpu.memory_space<hbm>>) target(%dma_start3A_22 : memref<72x256xi32, #tpu.memory_space<vmem>>) offsets(%dma_start3A_25 : memref<72xi32, #tpu.memory_space<vmem>>) semaphore(%arg8 : memref<!tpu.dma_semaphore, #tpu.memory_space<semaphore_mem>>)
    %add3A_29 = arith.constant 1 : i32
    %add3A_30 = arith.addi %mul3A_2, %add3A_29 : i32
    %run_scoped3A_31 = arith.constant 1 : i32
    "tpu.region"() ({
      %run_scoped3A_96 = tpu.sem_alloc : memref<!tpu.dma_semaphore, #tpu.memory_space<semaphore_mem>>
      %dma_start3A_97 = arith.constant 0 : i32
      %dma_start3A_98 = tpu.memref_slice %arg5[%run_scoped3A_31, %dma_start3A_97] : memref<2x200xi32, #tpu.memory_space<vmem>> -> memref<1x200xi32, #tpu.memory_space<vmem>>
      %dma_start3A_99 = tpu.memref_squeeze %dma_start3A_98 : memref<1x200xi32, #tpu.memory_space<vmem>> -> memref<200xi32, #tpu.memory_space<vmem>>
      %dma_start3A_100 = arith.constant 0 : i32
      %dma_start3A_101 = tpu.memref_slice %arg3[%add3A_30, %dma_start3A_100] : memref<4096x200xi32, #tpu.memory_space<hbm>> -> memref<1x200xi32, #tpu.memory_space<hbm>>
      %dma_start3A_102 = tpu.memref_squeeze %dma_start3A_101 : memref<1x200xi32, #tpu.memory_space<hbm>> -> memref<200xi32, #tpu.memory_space<hbm>>
      %dma_start3A_103 = arith.constant 0 : i32
      %dma_start3A_104 = tpu.memref_slice %arg5[%run_scoped3A_31, %dma_start3A_103] : memref<2x200xi32, #tpu.memory_space<vmem>> -> memref<1x200xi32, #tpu.memory_space<vmem>>
      %dma_start3A_105 = tpu.memref_squeeze %dma_start3A_104 : memref<1x200xi32, #tpu.memory_space<vmem>> -> memref<200xi32, #tpu.memory_space<vmem>>
      %dma_start3A_106 = arith.constant 0 : i32
      %dma_start3A_107 = tpu.memref_slice %arg3[%add3A_30, %dma_start3A_106] : memref<4096x200xi32, #tpu.memory_space<hbm>> -> memref<1x200xi32, #tpu.memory_space<hbm>>
      %dma_start3A_108 = tpu.memref_squeeze %dma_start3A_107 : memref<1x200xi32, #tpu.memory_space<hbm>> -> memref<200xi32, #tpu.memory_space<hbm>>
      tpu.enqueue_dma source(%dma_start3A_108 : memref<200xi32, #tpu.memory_space<hbm>>) target(%dma_start3A_105 : memref<200xi32, #tpu.memory_space<vmem>>) target_semaphore(%run_scoped3A_96 : memref<!tpu.dma_semaphore, #tpu.memory_space<semaphore_mem>>)
      %dma_wait3A_109 = arith.constant 0 : i32
      %dma_wait3A_110 = tpu.memref_slice %arg5[%run_scoped3A_31, %dma_wait3A_109] : memref<2x200xi32, #tpu.memory_space<vmem>> -> memref<1x200xi32, #tpu.memory_space<vmem>>
      %dma_wait3A_111 = tpu.memref_squeeze %dma_wait3A_110 : memref<1x200xi32, #tpu.memory_space<vmem>> -> memref<200xi32, #tpu.memory_space<vmem>>
      %dma_wait3A_112 = arith.constant 0 : i32
      %dma_wait3A_113 = tpu.memref_slice %arg3[%add3A_30, %dma_wait3A_112] : memref<4096x200xi32, #tpu.memory_space<hbm>> -> memref<1x200xi32, #tpu.memory_space<hbm>>
      %dma_wait3A_114 = tpu.memref_squeeze %dma_wait3A_113 : memref<1x200xi32, #tpu.memory_space<hbm>> -> memref<200xi32, #tpu.memory_space<hbm>>
      %dma_wait3A_115 = arith.constant 0 : i32
      %dma_wait3A_116 = tpu.memref_slice %arg5[%run_scoped3A_31, %dma_wait3A_115] : memref<2x200xi32, #tpu.memory_space<vmem>> -> memref<1x200xi32, #tpu.memory_space<vmem>>
      %dma_wait3A_117 = tpu.memref_squeeze %dma_wait3A_116 : memref<1x200xi32, #tpu.memory_space<vmem>> -> memref<200xi32, #tpu.memory_space<vmem>>
      %dma_wait3A_118 = arith.constant 0 : i32
      %dma_wait3A_119 = tpu.memref_slice %arg3[%add3A_30, %dma_wait3A_118] : memref<4096x200xi32, #tpu.memory_space<hbm>> -> memref<1x200xi32, #tpu.memory_space<hbm>>
      %dma_wait3A_120 = tpu.memref_squeeze %dma_wait3A_119 : memref<1x200xi32, #tpu.memory_space<hbm>> -> memref<200xi32, #tpu.memory_space<hbm>>
      tpu.wait_dma2 semaphore(%run_scoped3A_96 : memref<!tpu.dma_semaphore, #tpu.memory_space<semaphore_mem>>) src(%dma_wait3A_120 : memref<200xi32, #tpu.memory_space<hbm>>) dst(%dma_wait3A_117 : memref<200xi32, #tpu.memory_space<vmem>>)
      tpu.yield
    }) : () -> ()
    %dma_start3A_32 = arith.constant 1 : i32
    %dma_start3A_33 = arith.constant 1 : i32
    %dma_start3A_34 = arith.constant 0 : i32
    %dma_start3A_35 = arith.constant 0 : i32
    %dma_start3A_36 = tpu.memref_slice %arg6[%dma_start3A_33, %dma_start3A_34, %dma_start3A_35] : memref<2x200x256xi32, #tpu.memory_space<vmem>> -> memref<1x128x256xi32, #tpu.memory_space<vmem>>
    %dma_start3A_37 = tpu.memref_squeeze %dma_start3A_36 : memref<1x128x256xi32, #tpu.memory_space<vmem>> -> memref<128x256xi32, #tpu.memory_space<vmem>>
    %dma_start3A_38 = arith.constant 0 : i32
    %dma_start3A_39 = tpu.memref_slice %arg5[%dma_start3A_32, %dma_start3A_38] : memref<2x200xi32, #tpu.memory_space<vmem>> -> memref<1x128xi32, #tpu.memory_space<vmem>>
    %dma_start3A_40 = tpu.memref_squeeze %dma_start3A_39 : memref<1x128xi32, #tpu.memory_space<vmem>> -> memref<128xi32, #tpu.memory_space<vmem>>
    %dma_start3A_41 = arith.constant 0 : i32
    %dma_start3A_42 = arith.constant 0 : i32
    %dma_start3A_43 = tpu.memref_slice %arg2[%dma_start3A_41, %dma_start3A_42] : memref<100000x256xi32, #tpu.memory_space<hbm>> -> memref<100000x256xi32, #tpu.memory_space<hbm>>
    tpu.enqueue_indirect_dma source(%dma_start3A_43 : memref<100000x256xi32, #tpu.memory_space<hbm>>) target(%dma_start3A_37 : memref<128x256xi32, #tpu.memory_space<vmem>>) offsets(%dma_start3A_40 : memref<128xi32, #tpu.memory_space<vmem>>) semaphore(%arg9 : memref<!tpu.dma_semaphore, #tpu.memory_space<semaphore_mem>>)
    %dma_start3A_44 = arith.constant 1 : i32
    %dma_start3A_45 = arith.constant 1 : i32
    %dma_start3A_46 = arith.constant 128 : i32
    %dma_start3A_47 = arith.constant 0 : i32
    %dma_start3A_48 = tpu.memref_slice %arg6[%dma_start3A_45, %dma_start3A_46, %dma_start3A_47] : memref<2x200x256xi32, #tpu.memory_space<vmem>> -> memref<1x72x256xi32, #tpu.memory_space<vmem>>
    %dma_start3A_49 = tpu.memref_squeeze %dma_start3A_48 : memref<1x72x256xi32, #tpu.memory_space<vmem>> -> memref<72x256xi32, #tpu.memory_space<vmem>>
    %dma_start3A_50 = arith.constant 128 : i32
    %dma_start3A_51 = tpu.memref_slice %arg5[%dma_start3A_44, %dma_start3A_50] : memref<2x200xi32, #tpu.memory_space<vmem>> -> memref<1x72xi32, #tpu.memory_space<vmem>>
    %dma_start3A_52 = tpu.memref_squeeze %dma_start3A_51 : memref<1x72xi32, #tpu.memory_space<vmem>> -> memref<72xi32, #tpu.memory_space<vmem>>
    %dma_start3A_53 = arith.constant 0 : i32
    %dma_start3A_54 = arith.constant 0 : i32
    %dma_start3A_55 = tpu.memref_slice %arg2[%dma_start3A_53, %dma_start3A_54] : memref<100000x256xi32, #tpu.memory_space<hbm>> -> memref<100000x256xi32, #tpu.memory_space<hbm>>
    tpu.enqueue_indirect_dma source(%dma_start3A_55 : memref<100000x256xi32, #tpu.memory_space<hbm>>) target(%dma_start3A_49 : memref<72x256xi32, #tpu.memory_space<vmem>>) offsets(%dma_start3A_52 : memref<72xi32, #tpu.memory_space<vmem>>) semaphore(%arg9 : memref<!tpu.dma_semaphore, #tpu.memory_space<semaphore_mem>>)
    %scan3A = arith.constant 0 : i32
    %scan3A_56 = arith.constant 64 : i32
    %scan3A_57 = arith.addi %scan3A, %scan3A_56 : i32
    %scan3A_58 = arith.constant 1 : i32
    scf.for %scan3A_96 = %scan3A to %scan3A_57 step %scan3A_58  : i32 {
      %mul3A_97 = arith.constant 2 : i32
      %mul3A_98 = arith.muli %scan3A_96, %mul3A_97 : i32
      %add3A_99 = arith.constant 0 : i32
      %add3A_100 = arith.addi %add3A_99, %mul3A_98 : i32
      %add3A_101 = arith.addi %mul3A_2, %add3A_100 : i32
      %add3A_102 = arith.constant 0 : i32
      %add3A_103 = arith.addi %add3A_101, %add3A_102 : i32
      %dma_wait3A_104 = arith.constant 0 : i32
      %dma_wait3A_105 = arith.constant 0 : i32
      %dma_wait3A_106 = arith.constant 0 : i32
      %dma_wait3A_107 = arith.constant 0 : i32
      %dma_wait3A_108 = tpu.memref_slice %arg6[%dma_wait3A_105, %dma_wait3A_106, %dma_wait3A_107] : memref<2x200x256xi32, #tpu.memory_space<vmem>> -> memref<1x128x256xi32, #tpu.memory_space<vmem>>
      %dma_wait3A_109 = tpu.memref_squeeze %dma_wait3A_108 : memref<1x128x256xi32, #tpu.memory_space<vmem>> -> memref<128x256xi32, #tpu.memory_space<vmem>>
      %dma_wait3A_110 = arith.constant 0 : i32
      %dma_wait3A_111 = tpu.memref_slice %arg5[%dma_wait3A_104, %dma_wait3A_110] : memref<2x200xi32, #tpu.memory_space<vmem>> -> memref<1x128xi32, #tpu.memory_space<vmem>>
      %dma_wait3A_112 = tpu.memref_squeeze %dma_wait3A_111 : memref<1x128xi32, #tpu.memory_space<vmem>> -> memref<128xi32, #tpu.memory_space<vmem>>
      %dma_wait3A_113 = arith.constant 0 : i32
      %dma_wait3A_114 = arith.constant 0 : i32
      %dma_wait3A_115 = tpu.memref_slice %arg2[%dma_wait3A_113, %dma_wait3A_114] : memref<100000x256xi32, #tpu.memory_space<hbm>> -> memref<100000x256xi32, #tpu.memory_space<hbm>>
      tpu.wait_indirect_dma semaphore(%arg8 : memref<!tpu.dma_semaphore, #tpu.memory_space<semaphore_mem>>) src(%dma_wait3A_115 : memref<100000x256xi32, #tpu.memory_space<hbm>>) dst(%dma_wait3A_109 : memref<128x256xi32, #tpu.memory_space<vmem>>)
      %dma_wait3A_116 = arith.constant 0 : i32
      %dma_wait3A_117 = arith.constant 0 : i32
      %dma_wait3A_118 = arith.constant 128 : i32
      %dma_wait3A_119 = arith.constant 0 : i32
      %dma_wait3A_120 = tpu.memref_slice %arg6[%dma_wait3A_117, %dma_wait3A_118, %dma_wait3A_119] : memref<2x200x256xi32, #tpu.memory_space<vmem>> -> memref<1x72x256xi32, #tpu.memory_space<vmem>>
      %dma_wait3A_121 = tpu.memref_squeeze %dma_wait3A_120 : memref<1x72x256xi32, #tpu.memory_space<vmem>> -> memref<72x256xi32, #tpu.memory_space<vmem>>
      %dma_wait3A_122 = arith.constant 128 : i32
      %dma_wait3A_123 = tpu.memref_slice %arg5[%dma_wait3A_116, %dma_wait3A_122] : memref<2x200xi32, #tpu.memory_space<vmem>> -> memref<1x72xi32, #tpu.memory_space<vmem>>
      %dma_wait3A_124 = tpu.memref_squeeze %dma_wait3A_123 : memref<1x72xi32, #tpu.memory_space<vmem>> -> memref<72xi32, #tpu.memory_space<vmem>>
      %dma_wait3A_125 = arith.constant 0 : i32
      %dma_wait3A_126 = arith.constant 0 : i32
      %dma_wait3A_127 = tpu.memref_slice %arg2[%dma_wait3A_125, %dma_wait3A_126] : memref<100000x256xi32, #tpu.memory_space<hbm>> -> memref<100000x256xi32, #tpu.memory_space<hbm>>
      tpu.wait_indirect_dma semaphore(%arg8 : memref<!tpu.dma_semaphore, #tpu.memory_space<semaphore_mem>>) src(%dma_wait3A_127 : memref<100000x256xi32, #tpu.memory_space<hbm>>) dst(%dma_wait3A_121 : memref<72x256xi32, #tpu.memory_space<vmem>>)
      %broadcast_in_dim3A_128 = arith.constant 0.000000e+00 : f32
      %broadcast_in_dim3A_129 = vector.broadcast %broadcast_in_dim3A_128 : f32 to vector<16xf32>
      %scan3A_130 = arith.constant 0 : i32
      %scan3A_131 = arith.constant 0 : i32
      %scan3A_132 = arith.constant 100 : i32
      %scan3A_133 = arith.addi %scan3A_131, %scan3A_132 : i32
      %scan3A_134 = arith.constant 2 : i32
      %scan3A_135:20 = scf.for %scan3A_438 = %scan3A_131 to %scan3A_133 step %scan3A_134 iter_args(%scan3A_439 = %broadcast_in_dim3A_129, %scan3A_440 = %broadcast_in_dim3A_129, %scan3A_441 = %broadcast_in_dim3A_129, %scan3A_442 = %broadcast_in_dim3A_129, %scan3A_443 = %broadcast_in_dim3A_129, %scan3A_444 = %broadcast_in_dim3A_129, %scan3A_445 = %broadcast_in_dim3A_129, %scan3A_446 = %broadcast_in_dim3A_129, %scan3A_447 = %broadcast_in_dim3A_129, %scan3A_448 = %broadcast_in_dim3A_129, %scan3A_449 = %broadcast_in_dim3A_129, %scan3A_450 = %broadcast_in_dim3A_129, %scan3A_451 = %broadcast_in_dim3A_129, %scan3A_452 = %broadcast_in_dim3A_129, %scan3A_453 = %broadcast_in_dim3A_129, %scan3A_454 = %broadcast_in_dim3A_129, %scan3A_455 = %broadcast_in_dim3A_129, %scan3A_456 = %broadcast_in_dim3A_129, %scan3A_457 = %broadcast_in_dim3A_129, %scan3A_458 = %broadcast_in_dim3A_129) -> (vector<16xf32>, vector<16xf32>, vector<16xf32>, vector<16xf32>, vector<16xf32>, vector<16xf32>, vector<16xf32>, vector<16xf32>, vector<16xf32>, vector<16xf32>, vector<16xf32>, vector<16xf32>, vector<16xf32>, vector<16xf32>, vector<16xf32>, vector<16xf32>, vector<16xf32>, vector<16xf32>, vector<16xf32>, vector<16xf32>)  : i32 {
        %mul3A_459 = arith.constant 2 : i32
        %mul3A_460 = arith.muli %mul3A_459, %scan3A_438 : i32
        %get3A = arith.constant 0 : i32
        %get3A_461 = arith.constant 0 : i32
        %get3A_462 = tpu.memref_slice %arg6[%scan3A_130, %get3A, %get3A_461] : memref<2x200x256xi32, #tpu.memory_space<vmem>> -> memref<1x200x256xi32, #tpu.memory_space<vmem>>
        %get3A_463 = tpu.memref_squeeze %get3A_462 : memref<1x200x256xi32, #tpu.memory_space<vmem>> -> memref<200x256xi32, #tpu.memory_space<vmem>>
        %get3A_464 = arith.index_cast %mul3A_460 : i32 to index
        %get3A_465 = arith.constant 0 : index
        %get3A_466 = tpu.vector_load %get3A_463[%get3A_464, %get3A_465] {strides = array<i32>} : memref<200x256xi32, #tpu.memory_space<vmem>>, vector<16xi32>,
        %mul3A_467 = arith.constant 2 : i32
        %mul3A_468 = arith.muli %mul3A_467, %scan3A_438 : i32
        %add3A_469 = arith.constant 1 : i32
        %add3A_470 = arith.addi %mul3A_468, %add3A_469 : i32
        %get3A_471 = arith.constant 0 : i32
        %get3A_472 = arith.constant 0 : i32
        %get3A_473 = tpu.memref_slice %arg6[%scan3A_130, %get3A_471, %get3A_472] : memref<2x200x256xi32, #tpu.memory_space<vmem>> -> memref<1x200x256xi32, #tpu.memory_space<vmem>>
        %get3A_474 = tpu.memref_squeeze %get3A_473 : memref<1x200x256xi32, #tpu.memory_space<vmem>> -> memref<200x256xi32, #tpu.memory_space<vmem>>
        %get3A_475 = arith.index_cast %add3A_470 : i32 to index
        %get3A_476 = arith.constant 0 : index
        %get3A_477 = tpu.vector_load %get3A_474[%get3A_475, %get3A_476] {strides = array<i32>} : memref<200x256xi32, #tpu.memory_space<vmem>>, vector<16xi32>,
        %bitcast3A = vector.bitcast %get3A_466 : vector<16xi32> to vector<32xbf16>
        %bitcast3A_478 = vector.bitcast %get3A_477 : vector<16xi32> to vector<32xbf16>
        %add3A_479 = arith.addf %bitcast3A, %bitcast3A_478 : vector<32xbf16>
        %bitcast3A_480 = vector.bitcast %add3A_479 : vector<32xbf16> to vector<16xi32>
        %shift_left3A = arith.constant 16 : i32
        %shift_left3A_481 = vector.broadcast %shift_left3A : i32 to vector<16xi32>
        %shift_left3A_482 = arith.shli %bitcast3A_480, %shift_left3A_481 : vector<16xi32>
        %bitcast3A_483 = vector.bitcast %shift_left3A_482 : vector<16xi32> to vector<16xf32>
        %and3A = arith.andi %bitcast3A_480, %broadcast_in_dim3A_3 : vector<16xi32>
        %bitcast3A_484 = vector.bitcast %and3A : vector<16xi32> to vector<16xf32>
        %add3A_485 = arith.addf %scan3A_439, %bitcast3A_483 : vector<16xf32>
        %add3A_486 = arith.addf %scan3A_440, %bitcast3A_484 : vector<16xf32>
        %mul3A_487 = arith.constant 2 : i32
        %mul3A_488 = arith.muli %mul3A_487, %scan3A_438 : i32
        %get3A_489 = arith.constant 0 : i32
        %get3A_490 = arith.constant 0 : i32
        %get3A_491 = tpu.memref_slice %arg6[%scan3A_130, %get3A_489, %get3A_490] : memref<2x200x256xi32, #tpu.memory_space<vmem>> -> memref<1x200x256xi32, #tpu.memory_space<vmem>>
        %get3A_492 = tpu.memref_squeeze %get3A_491 : memref<1x200x256xi32, #tpu.memory_space<vmem>> -> memref<200x256xi32, #tpu.memory_space<vmem>>
        %get3A_493 = arith.index_cast %mul3A_488 : i32 to index
        %get3A_494 = arith.constant 16 : index
        %get3A_495 = tpu.vector_load %get3A_492[%get3A_493, %get3A_494] {strides = array<i32>} : memref<200x256xi32, #tpu.memory_space<vmem>>, vector<16xi32>,
        %mul3A_496 = arith.constant 2 : i32
        %mul3A_497 = arith.muli %mul3A_496, %scan3A_438 : i32
        %add3A_498 = arith.constant 1 : i32
        %add3A_499 = arith.addi %mul3A_497, %add3A_498 : i32
        %get3A_500 = arith.constant 0 : i32
        %get3A_501 = arith.constant 0 : i32
        %get3A_502 = tpu.memref_slice %arg6[%scan3A_130, %get3A_500, %get3A_501] : memref<2x200x256xi32, #tpu.memory_space<vmem>> -> memref<1x200x256xi32, #tpu.memory_space<vmem>>
        %get3A_503 = tpu.memref_squeeze %get3A_502 : memref<1x200x256xi32, #tpu.memory_space<vmem>> -> memref<200x256xi32, #tpu.memory_space<vmem>>
        %get3A_504 = arith.index_cast %add3A_499 : i32 to index
        %get3A_505 = arith.constant 16 : index
        %get3A_506 = tpu.vector_load %get3A_503[%get3A_504, %get3A_505] {strides = array<i32>} : memref<200x256xi32, #tpu.memory_space<vmem>>, vector<16xi32>,
        %bitcast3A_507 = vector.bitcast %get3A_495 : vector<16xi32> to vector<32xbf16>
        %bitcast3A_508 = vector.bitcast %get3A_506 : vector<16xi32> to vector<32xbf16>
        %add3A_509 = arith.addf %bitcast3A_507, %bitcast3A_508 : vector<32xbf16>
        %bitcast3A_510 = vector.bitcast %add3A_509 : vector<32xbf16> to vector<16xi32>
        %shift_left3A_511 = arith.constant 16 : i32
        %shift_left3A_512 = vector.broadcast %shift_left3A_511 : i32 to vector<16xi32>
        %shift_left3A_513 = arith.shli %bitcast3A_510, %shift_left3A_512 : vector<16xi32>
        %bitcast3A_514 = vector.bitcast %shift_left3A_513 : vector<16xi32> to vector<16xf32>
        %and3A_515 = arith.andi %bitcast3A_510, %broadcast_in_dim3A_3 : vector<16xi32>
        %bitcast3A_516 = vector.bitcast %and3A_515 : vector<16xi32> to vector<16xf32>
        %add3A_517 = arith.addf %scan3A_441, %bitcast3A_514 : vector<16xf32>
        %add3A_518 = arith.addf %scan3A_442, %bitcast3A_516 : vector<16xf32>
        %mul3A_519 = arith.constant 2 : i32
        %mul3A_520 = arith.muli %mul3A_519, %scan3A_438 : i32
        %get3A_521 = arith.constant 0 : i32
        %get3A_522 = arith.constant 0 : i32
        %get3A_523 = tpu.memref_slice %arg6[%scan3A_130, %get3A_521, %get3A_522] : memref<2x200x256xi32, #tpu.memory_space<vmem>> -> memref<1x200x256xi32, #tpu.memory_space<vmem>>
        %get3A_524 = tpu.memref_squeeze %get3A_523 : memref<1x200x256xi32, #tpu.memory_space<vmem>> -> memref<200x256xi32, #tpu.memory_space<vmem>>
        %get3A_525 = arith.index_cast %mul3A_520 : i32 to index
        %get3A_526 = arith.constant 32 : index
        %get3A_527 = tpu.vector_load %get3A_524[%get3A_525, %get3A_526] {strides = array<i32>} : memref<200x256xi32, #tpu.memory_space<vmem>>, vector<16xi32>,
        %mul3A_528 = arith.constant 2 : i32
        %mul3A_529 = arith.muli %mul3A_528, %scan3A_438 : i32
        %add3A_530 = arith.constant 1 : i32
        %add3A_531 = arith.addi %mul3A_529, %add3A_530 : i32
        %get3A_532 = arith.constant 0 : i32
        %get3A_533 = arith.constant 0 : i32
        %get3A_534 = tpu.memref_slice %arg6[%scan3A_130, %get3A_532, %get3A_533] : memref<2x200x256xi32, #tpu.memory_space<vmem>> -> memref<1x200x256xi32, #tpu.memory_space<vmem>>
        %get3A_535 = tpu.memref_squeeze %get3A_534 : memref<1x200x256xi32, #tpu.memory_space<vmem>> -> memref<200x256xi32, #tpu.memory_space<vmem>>
        %get3A_536 = arith.index_cast %add3A_531 : i32 to index
        %get3A_537 = arith.constant 32 : index
        %get3A_538 = tpu.vector_load %get3A_535[%get3A_536, %get3A_537] {strides = array<i32>} : memref<200x256xi32, #tpu.memory_space<vmem>>, vector<16xi32>,
        %bitcast3A_539 = vector.bitcast %get3A_527 : vector<16xi32> to vector<32xbf16>
        %bitcast3A_540 = vector.bitcast %get3A_538 : vector<16xi32> to vector<32xbf16>
        %add3A_541 = arith.addf %bitcast3A_539, %bitcast3A_540 : vector<32xbf16>
        %bitcast3A_542 = vector.bitcast %add3A_541 : vector<32xbf16> to vector<16xi32>
        %shift_left3A_543 = arith.constant 16 : i32
        %shift_left3A_544 = vector.broadcast %shift_left3A_543 : i32 to vector<16xi32>
        %shift_left3A_545 = arith.shli %bitcast3A_542, %shift_left3A_544 : vector<16xi32>
        %bitcast3A_546 = vector.bitcast %shift_left3A_545 : vector<16xi32> to vector<16xf32>
        %and3A_547 = arith.andi %bitcast3A_542, %broadcast_in_dim3A_3 : vector<16xi32>
        %bitcast3A_548 = vector.bitcast %and3A_547 : vector<16xi32> to vector<16xf32>
        %add3A_549 = arith.addf %scan3A_443, %bitcast3A_546 : vector<16xf32>
        %add3A_550 = arith.addf %scan3A_444, %bitcast3A_548 : vector<16xf32>
        %mul3A_551 = arith.constant 2 : i32
        %mul3A_552 = arith.muli %mul3A_551, %scan3A_438 : i32
        %get3A_553 = arith.constant 0 : i32
        %get3A_554 = arith.constant 0 : i32
        %get3A_555 = tpu.memref_slice %arg6[%scan3A_130, %get3A_553, %get3A_554] : memref<2x200x256xi32, #tpu.memory_space<vmem>> -> memref<1x200x256xi32, #tpu.memory_space<vmem>>
        %get3A_556 = tpu.memref_squeeze %get3A_555 : memref<1x200x256xi32, #tpu.memory_space<vmem>> -> memref<200x256xi32, #tpu.memory_space<vmem>>
        %get3A_557 = arith.index_cast %mul3A_552 : i32 to index
        %get3A_558 = arith.constant 48 : index
        %get3A_559 = tpu.vector_load %get3A_556[%get3A_557, %get3A_558] {strides = array<i32>} : memref<200x256xi32, #tpu.memory_space<vmem>>, vector<16xi32>,
        %mul3A_560 = arith.constant 2 : i32
        %mul3A_561 = arith.muli %mul3A_560, %scan3A_438 : i32
        %add3A_562 = arith.constant 1 : i32
        %add3A_563 = arith.addi %mul3A_561, %add3A_562 : i32
        %get3A_564 = arith.constant 0 : i32
        %get3A_565 = arith.constant 0 : i32
        %get3A_566 = tpu.memref_slice %arg6[%scan3A_130, %get3A_564, %get3A_565] : memref<2x200x256xi32, #tpu.memory_space<vmem>> -> memref<1x200x256xi32, #tpu.memory_space<vmem>>
        %get3A_567 = tpu.memref_squeeze %get3A_566 : memref<1x200x256xi32, #tpu.memory_space<vmem>> -> memref<200x256xi32, #tpu.memory_space<vmem>>
        %get3A_568 = arith.index_cast %add3A_563 : i32 to index
        %get3A_569 = arith.constant 48 : index
        %get3A_570 = tpu.vector_load %get3A_567[%get3A_568, %get3A_569] {strides = array<i32>} : memref<200x256xi32, #tpu.memory_space<vmem>>, vector<16xi32>,
        %bitcast3A_571 = vector.bitcast %get3A_559 : vector<16xi32> to vector<32xbf16>
        %bitcast3A_572 = vector.bitcast %get3A_570 : vector<16xi32> to vector<32xbf16>
        %add3A_573 = arith.addf %bitcast3A_571, %bitcast3A_572 : vector<32xbf16>
        %bitcast3A_574 = vector.bitcast %add3A_573 : vector<32xbf16> to vector<16xi32>
        %shift_left3A_575 = arith.constant 16 : i32
        %shift_left3A_576 = vector.broadcast %shift_left3A_575 : i32 to vector<16xi32>
        %shift_left3A_577 = arith.shli %bitcast3A_574, %shift_left3A_576 : vector<16xi32>
        %bitcast3A_578 = vector.bitcast %shift_left3A_577 : vector<16xi32> to vector<16xf32>
        %and3A_579 = arith.andi %bitcast3A_574, %broadcast_in_dim3A_3 : vector<16xi32>
        %bitcast3A_580 = vector.bitcast %and3A_579 : vector<16xi32> to vector<16xf32>
        %add3A_581 = arith.addf %scan3A_445, %bitcast3A_578 : vector<16xf32>
        %add3A_582 = arith.addf %scan3A_446, %bitcast3A_580 : vector<16xf32>
        %mul3A_583 = arith.constant 2 : i32
        %mul3A_584 = arith.muli %mul3A_583, %scan3A_438 : i32
        %get3A_585 = arith.constant 0 : i32
        %get3A_586 = arith.constant 0 : i32
        %get3A_587 = tpu.memref_slice %arg6[%scan3A_130, %get3A_585, %get3A_586] : memref<2x200x256xi32, #tpu.memory_space<vmem>> -> memref<1x200x256xi32, #tpu.memory_space<vmem>>
        %get3A_588 = tpu.memref_squeeze %get3A_587 : memref<1x200x256xi32, #tpu.memory_space<vmem>> -> memref<200x256xi32, #tpu.memory_space<vmem>>
        %get3A_589 = arith.index_cast %mul3A_584 : i32 to index
        %get3A_590 = arith.constant 64 : index
        %get3A_591 = tpu.vector_load %get3A_588[%get3A_589, %get3A_590] {strides = array<i32>} : memref<200x256xi32, #tpu.memory_space<vmem>>, vector<16xi32>,
        %mul3A_592 = arith.constant 2 : i32
        %mul3A_593 = arith.muli %mul3A_592, %scan3A_438 : i32
        %add3A_594 = arith.constant 1 : i32
        %add3A_595 = arith.addi %mul3A_593, %add3A_594 : i32
        %get3A_596 = arith.constant 0 : i32
        %get3A_597 = arith.constant 0 : i32
        %get3A_598 = tpu.memref_slice %arg6[%scan3A_130, %get3A_596, %get3A_597] : memref<2x200x256xi32, #tpu.memory_space<vmem>> -> memref<1x200x256xi32, #tpu.memory_space<vmem>>
        %get3A_599 = tpu.memref_squeeze %get3A_598 : memref<1x200x256xi32, #tpu.memory_space<vmem>> -> memref<200x256xi32, #tpu.memory_space<vmem>>
        %get3A_600 = arith.index_cast %add3A_595 : i32 to index
        %get3A_601 = arith.constant 64 : index
        %get3A_602 = tpu.vector_load %get3A_599[%get3A_600, %get3A_601] {strides = array<i32>} : memref<200x256xi32, #tpu.memory_space<vmem>>, vector<16xi32>,
        %bitcast3A_603 = vector.bitcast %get3A_591 : vector<16xi32> to vector<32xbf16>
        %bitcast3A_604 = vector.bitcast %get3A_602 : vector<16xi32> to vector<32xbf16>
        %add3A_605 = arith.addf %bitcast3A_603, %bitcast3A_604 : vector<32xbf16>
        %bitcast3A_606 = vector.bitcast %add3A_605 : vector<32xbf16> to vector<16xi32>
        %shift_left3A_607 = arith.constant 16 : i32
        %shift_left3A_608 = vector.broadcast %shift_left3A_607 : i32 to vector<16xi32>
        %shift_left3A_609 = arith.shli %bitcast3A_606, %shift_left3A_608 : vector<16xi32>
        %bitcast3A_610 = vector.bitcast %shift_left3A_609 : vector<16xi32> to vector<16xf32>
        %and3A_611 = arith.andi %bitcast3A_606, %broadcast_in_dim3A_3 : vector<16xi32>
        %bitcast3A_612 = vector.bitcast %and3A_611 : vector<16xi32> to vector<16xf32>
        %add3A_613 = arith.addf %scan3A_447, %bitcast3A_610 : vector<16xf32>
        %add3A_614 = arith.addf %scan3A_448, %bitcast3A_612 : vector<16xf32>
        %mul3A_615 = arith.constant 2 : i32
        %mul3A_616 = arith.muli %mul3A_615, %scan3A_438 : i32
        %get3A_617 = arith.constant 0 : i32
        %get3A_618 = arith.constant 0 : i32
        %get3A_619 = tpu.memref_slice %arg6[%scan3A_130, %get3A_617, %get3A_618] : memref<2x200x256xi32, #tpu.memory_space<vmem>> -> memref<1x200x256xi32, #tpu.memory_space<vmem>>
        %get3A_620 = tpu.memref_squeeze %get3A_619 : memref<1x200x256xi32, #tpu.memory_space<vmem>> -> memref<200x256xi32, #tpu.memory_space<vmem>>
        %get3A_621 = arith.index_cast %mul3A_616 : i32 to index
        %get3A_622 = arith.constant 80 : index
        %get3A_623 = tpu.vector_load %get3A_620[%get3A_621, %get3A_622] {strides = array<i32>} : memref<200x256xi32, #tpu.memory_space<vmem>>, vector<16xi32>,
        %mul3A_624 = arith.constant 2 : i32
        %mul3A_625 = arith.muli %mul3A_624, %scan3A_438 : i32
        %add3A_626 = arith.constant 1 : i32
        %add3A_627 = arith.addi %mul3A_625, %add3A_626 : i32
        %get3A_628 = arith.constant 0 : i32
        %get3A_629 = arith.constant 0 : i32
        %get3A_630 = tpu.memref_slice %arg6[%scan3A_130, %get3A_628, %get3A_629] : memref<2x200x256xi32, #tpu.memory_space<vmem>> -> memref<1x200x256xi32, #tpu.memory_space<vmem>>
        %get3A_631 = tpu.memref_squeeze %get3A_630 : memref<1x200x256xi32, #tpu.memory_space<vmem>> -> memref<200x256xi32, #tpu.memory_space<vmem>>
        %get3A_632 = arith.index_cast %add3A_627 : i32 to index
        %get3A_633 = arith.constant 80 : index
        %get3A_634 = tpu.vector_load %get3A_631[%get3A_632, %get3A_633] {strides = array<i32>} : memref<200x256xi32, #tpu.memory_space<vmem>>, vector<16xi32>,
        %bitcast3A_635 = vector.bitcast %get3A_623 : vector<16xi32> to vector<32xbf16>
        %bitcast3A_636 = vector.bitcast %get3A_634 : vector<16xi32> to vector<32xbf16>
        %add3A_637 = arith.addf %bitcast3A_635, %bitcast3A_636 : vector<32xbf16>
        %bitcast3A_638 = vector.bitcast %add3A_637 : vector<32xbf16> to vector<16xi32>
        %shift_left3A_639 = arith.constant 16 : i32
        %shift_left3A_640 = vector.broadcast %shift_left3A_639 : i32 to vector<16xi32>
        %shift_left3A_641 = arith.shli %bitcast3A_638, %shift_left3A_640 : vector<16xi32>
        %bitcast3A_642 = vector.bitcast %shift_left3A_641 : vector<16xi32> to vector<16xf32>
        %and3A_643 = arith.andi %bitcast3A_638, %broadcast_in_dim3A_3 : vector<16xi32>
        %bitcast3A_644 = vector.bitcast %and3A_643 : vector<16xi32> to vector<16xf32>
        %add3A_645 = arith.addf %scan3A_449, %bitcast3A_642 : vector<16xf32>
        %add3A_646 = arith.addf %scan3A_450, %bitcast3A_644 : vector<16xf32>
        %mul3A_647 = arith.constant 2 : i32
        %mul3A_648 = arith.muli %mul3A_647, %scan3A_438 : i32
        %get3A_649 = arith.constant 0 : i32
        %get3A_650 = arith.constant 0 : i32
        %get3A_651 = tpu.memref_slice %arg6[%scan3A_130, %get3A_649, %get3A_650] : memref<2x200x256xi32, #tpu.memory_space<vmem>> -> memref<1x200x256xi32, #tpu.memory_space<vmem>>
        %get3A_652 = tpu.memref_squeeze %get3A_651 : memref<1x200x256xi32, #tpu.memory_space<vmem>> -> memref<200x256xi32, #tpu.memory_space<vmem>>
        %get3A_653 = arith.index_cast %mul3A_648 : i32 to index
        %get3A_654 = arith.constant 96 : index
        %get3A_655 = tpu.vector_load %get3A_652[%get3A_653, %get3A_654] {strides = array<i32>} : memref<200x256xi32, #tpu.memory_space<vmem>>, vector<16xi32>,
        %mul3A_656 = arith.constant 2 : i32
        %mul3A_657 = arith.muli %mul3A_656, %scan3A_438 : i32
        %add3A_658 = arith.constant 1 : i32
        %add3A_659 = arith.addi %mul3A_657, %add3A_658 : i32
        %get3A_660 = arith.constant 0 : i32
        %get3A_661 = arith.constant 0 : i32
        %get3A_662 = tpu.memref_slice %arg6[%scan3A_130, %get3A_660, %get3A_661] : memref<2x200x256xi32, #tpu.memory_space<vmem>> -> memref<1x200x256xi32, #tpu.memory_space<vmem>>
        %get3A_663 = tpu.memref_squeeze %get3A_662 : memref<1x200x256xi32, #tpu.memory_space<vmem>> -> memref<200x256xi32, #tpu.memory_space<vmem>>
        %get3A_664 = arith.index_cast %add3A_659 : i32 to index
        %get3A_665 = arith.constant 96 : index
        %get3A_666 = tpu.vector_load %get3A_663[%get3A_664, %get3A_665] {strides = array<i32>} : memref<200x256xi32, #tpu.memory_space<vmem>>, vector<16xi32>,
        %bitcast3A_667 = vector.bitcast %get3A_655 : vector<16xi32> to vector<32xbf16>
        %bitcast3A_668 = vector.bitcast %get3A_666 : vector<16xi32> to vector<32xbf16>
        %add3A_669 = arith.addf %bitcast3A_667, %bitcast3A_668 : vector<32xbf16>
        %bitcast3A_670 = vector.bitcast %add3A_669 : vector<32xbf16> to vector<16xi32>
        %shift_left3A_671 = arith.constant 16 : i32
        %shift_left3A_672 = vector.broadcast %shift_left3A_671 : i32 to vector<16xi32>
        %shift_left3A_673 = arith.shli %bitcast3A_670, %shift_left3A_672 : vector<16xi32>
        %bitcast3A_674 = vector.bitcast %shift_left3A_673 : vector<16xi32> to vector<16xf32>
        %and3A_675 = arith.andi %bitcast3A_670, %broadcast_in_dim3A_3 : vector<16xi32>
        %bitcast3A_676 = vector.bitcast %and3A_675 : vector<16xi32> to vector<16xf32>
        %add3A_677 = arith.addf %scan3A_451, %bitcast3A_674 : vector<16xf32>
        %add3A_678 = arith.addf %scan3A_452, %bitcast3A_676 : vector<16xf32>
        %mul3A_679 = arith.constant 2 : i32
        %mul3A_680 = arith.muli %mul3A_679, %scan3A_438 : i32
        %get3A_681 = arith.constant 0 : i32
        %get3A_682 = arith.constant 0 : i32
        %get3A_683 = tpu.memref_slice %arg6[%scan3A_130, %get3A_681, %get3A_682] : memref<2x200x256xi32, #tpu.memory_space<vmem>> -> memref<1x200x256xi32, #tpu.memory_space<vmem>>
        %get3A_684 = tpu.memref_squeeze %get3A_683 : memref<1x200x256xi32, #tpu.memory_space<vmem>> -> memref<200x256xi32, #tpu.memory_space<vmem>>
        %get3A_685 = arith.index_cast %mul3A_680 : i32 to index
        %get3A_686 = arith.constant 112 : index
        %get3A_687 = tpu.vector_load %get3A_684[%get3A_685, %get3A_686] {strides = array<i32>} : memref<200x256xi32, #tpu.memory_space<vmem>>, vector<16xi32>,
        %mul3A_688 = arith.constant 2 : i32
        %mul3A_689 = arith.muli %mul3A_688, %scan3A_438 : i32
        %add3A_690 = arith.constant 1 : i32
        %add3A_691 = arith.addi %mul3A_689, %add3A_690 : i32
        %get3A_692 = arith.constant 0 : i32
        %get3A_693 = arith.constant 0 : i32
        %get3A_694 = tpu.memref_slice %arg6[%scan3A_130, %get3A_692, %get3A_693] : memref<2x200x256xi32, #tpu.memory_space<vmem>> -> memref<1x200x256xi32, #tpu.memory_space<vmem>>
        %get3A_695 = tpu.memref_squeeze %get3A_694 : memref<1x200x256xi32, #tpu.memory_space<vmem>> -> memref<200x256xi32, #tpu.memory_space<vmem>>
        %get3A_696 = arith.index_cast %add3A_691 : i32 to index
        %get3A_697 = arith.constant 112 : index
        %get3A_698 = tpu.vector_load %get3A_695[%get3A_696, %get3A_697] {strides = array<i32>} : memref<200x256xi32, #tpu.memory_space<vmem>>, vector<16xi32>,
        %bitcast3A_699 = vector.bitcast %get3A_687 : vector<16xi32> to vector<32xbf16>
        %bitcast3A_700 = vector.bitcast %get3A_698 : vector<16xi32> to vector<32xbf16>
        %add3A_701 = arith.addf %bitcast3A_699, %bitcast3A_700 : vector<32xbf16>
        %bitcast3A_702 = vector.bitcast %add3A_701 : vector<32xbf16> to vector<16xi32>
        %shift_left3A_703 = arith.constant 16 : i32
        %shift_left3A_704 = vector.broadcast %shift_left3A_703 : i32 to vector<16xi32>
        %shift_left3A_705 = arith.shli %bitcast3A_702, %shift_left3A_704 : vector<16xi32>
        %bitcast3A_706 = vector.bitcast %shift_left3A_705 : vector<16xi32> to vector<16xf32>
        %and3A_707 = arith.andi %bitcast3A_702, %broadcast_in_dim3A_3 : vector<16xi32>
        %bitcast3A_708 = vector.bitcast %and3A_707 : vector<16xi32> to vector<16xf32>
        %add3A_709 = arith.addf %scan3A_453, %bitcast3A_706 : vector<16xf32>
        %add3A_710 = arith.addf %scan3A_454, %bitcast3A_708 : vector<16xf32>
        %mul3A_711 = arith.constant 2 : i32
        %mul3A_712 = arith.muli %mul3A_711, %scan3A_438 : i32
        %get3A_713 = arith.constant 0 : i32
        %get3A_714 = arith.constant 0 : i32
        %get3A_715 = tpu.memref_slice %arg6[%scan3A_130, %get3A_713, %get3A_714] : memref<2x200x256xi32, #tpu.memory_space<vmem>> -> memref<1x200x256xi32, #tpu.memory_space<vmem>>
        %get3A_716 = tpu.memref_squeeze %get3A_715 : memref<1x200x256xi32, #tpu.memory_space<vmem>> -> memref<200x256xi32, #tpu.memory_space<vmem>>
        %get3A_717 = arith.index_cast %mul3A_712 : i32 to index
        %get3A_718 = arith.constant 128 : index
        %get3A_719 = tpu.vector_load %get3A_716[%get3A_717, %get3A_718] {strides = array<i32>} : memref<200x256xi32, #tpu.memory_space<vmem>>, vector<16xi32>,
        %mul3A_720 = arith.constant 2 : i32
        %mul3A_721 = arith.muli %mul3A_720, %scan3A_438 : i32
        %add3A_722 = arith.constant 1 : i32
        %add3A_723 = arith.addi %mul3A_721, %add3A_722 : i32
        %get3A_724 = arith.constant 0 : i32
        %get3A_725 = arith.constant 0 : i32
        %get3A_726 = tpu.memref_slice %arg6[%scan3A_130, %get3A_724, %get3A_725] : memref<2x200x256xi32, #tpu.memory_space<vmem>> -> memref<1x200x256xi32, #tpu.memory_space<vmem>>
        %get3A_727 = tpu.memref_squeeze %get3A_726 : memref<1x200x256xi32, #tpu.memory_space<vmem>> -> memref<200x256xi32, #tpu.memory_space<vmem>>
        %get3A_728 = arith.index_cast %add3A_723 : i32 to index
        %get3A_729 = arith.constant 128 : index
        %get3A_730 = tpu.vector_load %get3A_727[%get3A_728, %get3A_729] {strides = array<i32>} : memref<200x256xi32, #tpu.memory_space<vmem>>, vector<16xi32>,
        %bitcast3A_731 = vector.bitcast %get3A_719 : vector<16xi32> to vector<32xbf16>
        %bitcast3A_732 = vector.bitcast %get3A_730 : vector<16xi32> to vector<32xbf16>
        %add3A_733 = arith.addf %bitcast3A_731, %bitcast3A_732 : vector<32xbf16>
        %bitcast3A_734 = vector.bitcast %add3A_733 : vector<32xbf16> to vector<16xi32>
        %shift_left3A_735 = arith.constant 16 : i32
        %shift_left3A_736 = vector.broadcast %shift_left3A_735 : i32 to vector<16xi32>
        %shift_left3A_737 = arith.shli %bitcast3A_734, %shift_left3A_736 : vector<16xi32>
        %bitcast3A_738 = vector.bitcast %shift_left3A_737 : vector<16xi32> to vector<16xf32>
        %and3A_739 = arith.andi %bitcast3A_734, %broadcast_in_dim3A_3 : vector<16xi32>
        %bitcast3A_740 = vector.bitcast %and3A_739 : vector<16xi32> to vector<16xf32>
        %add3A_741 = arith.addf %scan3A_455, %bitcast3A_738 : vector<16xf32>
        %add3A_742 = arith.addf %scan3A_456, %bitcast3A_740 : vector<16xf32>
        %mul3A_743 = arith.constant 2 : i32
        %mul3A_744 = arith.muli %mul3A_743, %scan3A_438 : i32
        %get3A_745 = arith.constant 0 : i32
        %get3A_746 = arith.constant 0 : i32
        %get3A_747 = tpu.memref_slice %arg6[%scan3A_130, %get3A_745, %get3A_746] : memref<2x200x256xi32, #tpu.memory_space<vmem>> -> memref<1x200x256xi32, #tpu.memory_space<vmem>>
        %get3A_748 = tpu.memref_squeeze %get3A_747 : memref<1x200x256xi32, #tpu.memory_space<vmem>> -> memref<200x256xi32, #tpu.memory_space<vmem>>
        %get3A_749 = arith.index_cast %mul3A_744 : i32 to index
        %get3A_750 = arith.constant 144 : index
        %get3A_751 = tpu.vector_load %get3A_748[%get3A_749, %get3A_750] {strides = array<i32>} : memref<200x256xi32, #tpu.memory_space<vmem>>, vector<16xi32>,
        %mul3A_752 = arith.constant 2 : i32
        %mul3A_753 = arith.muli %mul3A_752, %scan3A_438 : i32
        %add3A_754 = arith.constant 1 : i32
        %add3A_755 = arith.addi %mul3A_753, %add3A_754 : i32
        %get3A_756 = arith.constant 0 : i32
        %get3A_757 = arith.constant 0 : i32
        %get3A_758 = tpu.memref_slice %arg6[%scan3A_130, %get3A_756, %get3A_757] : memref<2x200x256xi32, #tpu.memory_space<vmem>> -> memref<1x200x256xi32, #tpu.memory_space<vmem>>
        %get3A_759 = tpu.memref_squeeze %get3A_758 : memref<1x200x256xi32, #tpu.memory_space<vmem>> -> memref<200x256xi32, #tpu.memory_space<vmem>>
        %get3A_760 = arith.index_cast %add3A_755 : i32 to index
        %get3A_761 = arith.constant 144 : index
        %get3A_762 = tpu.vector_load %get3A_759[%get3A_760, %get3A_761] {strides = array<i32>} : memref<200x256xi32, #tpu.memory_space<vmem>>, vector<16xi32>,
        %bitcast3A_763 = vector.bitcast %get3A_751 : vector<16xi32> to vector<32xbf16>
        %bitcast3A_764 = vector.bitcast %get3A_762 : vector<16xi32> to vector<32xbf16>
        %add3A_765 = arith.addf %bitcast3A_763, %bitcast3A_764 : vector<32xbf16>
        %bitcast3A_766 = vector.bitcast %add3A_765 : vector<32xbf16> to vector<16xi32>
        %shift_left3A_767 = arith.constant 16 : i32
        %shift_left3A_768 = vector.broadcast %shift_left3A_767 : i32 to vector<16xi32>
        %shift_left3A_769 = arith.shli %bitcast3A_766, %shift_left3A_768 : vector<16xi32>
        %bitcast3A_770 = vector.bitcast %shift_left3A_769 : vector<16xi32> to vector<16xf32>
        %and3A_771 = arith.andi %bitcast3A_766, %broadcast_in_dim3A_3 : vector<16xi32>
        %bitcast3A_772 = vector.bitcast %and3A_771 : vector<16xi32> to vector<16xf32>
        %add3A_773 = arith.addf %scan3A_457, %bitcast3A_770 : vector<16xf32>
        %add3A_774 = arith.addf %scan3A_458, %bitcast3A_772 : vector<16xf32>
        %scan3A_775 = arith.constant 1 : i32
        %scan3A_776 = arith.addi %scan3A_438, %scan3A_775 : i32
        %mul3A_777 = arith.constant 2 : i32
        %mul3A_778 = arith.muli %mul3A_777, %scan3A_776 : i32
        %get3A_779 = arith.constant 0 : i32
        %get3A_780 = arith.constant 0 : i32
        %get3A_781 = tpu.memref_slice %arg6[%scan3A_130, %get3A_779, %get3A_780] : memref<2x200x256xi32, #tpu.memory_space<vmem>> -> memref<1x200x256xi32, #tpu.memory_space<vmem>>
        %get3A_782 = tpu.memref_squeeze %get3A_781 : memref<1x200x256xi32, #tpu.memory_space<vmem>> -> memref<200x256xi32, #tpu.memory_space<vmem>>
        %get3A_783 = arith.index_cast %mul3A_778 : i32 to index
        %get3A_784 = arith.constant 0 : index
        %get3A_785 = tpu.vector_load %get3A_782[%get3A_783, %get3A_784] {strides = array<i32>} : memref<200x256xi32, #tpu.memory_space<vmem>>, vector<16xi32>,
        %mul3A_786 = arith.constant 2 : i32
        %mul3A_787 = arith.muli %mul3A_786, %scan3A_776 : i32
        %add3A_788 = arith.constant 1 : i32
        %add3A_789 = arith.addi %mul3A_787, %add3A_788 : i32
        %get3A_790 = arith.constant 0 : i32
        %get3A_791 = arith.constant 0 : i32
        %get3A_792 = tpu.memref_slice %arg6[%scan3A_130, %get3A_790, %get3A_791] : memref<2x200x256xi32, #tpu.memory_space<vmem>> -> memref<1x200x256xi32, #tpu.memory_space<vmem>>
        %get3A_793 = tpu.memref_squeeze %get3A_792 : memref<1x200x256xi32, #tpu.memory_space<vmem>> -> memref<200x256xi32, #tpu.memory_space<vmem>>
        %get3A_794 = arith.index_cast %add3A_789 : i32 to index
        %get3A_795 = arith.constant 0 : index
        %get3A_796 = tpu.vector_load %get3A_793[%get3A_794, %get3A_795] {strides = array<i32>} : memref<200x256xi32, #tpu.memory_space<vmem>>, vector<16xi32>,
        %bitcast3A_797 = vector.bitcast %get3A_785 : vector<16xi32> to vector<32xbf16>
        %bitcast3A_798 = vector.bitcast %get3A_796 : vector<16xi32> to vector<32xbf16>
        %add3A_799 = arith.addf %bitcast3A_797, %bitcast3A_798 : vector<32xbf16>
        %bitcast3A_800 = vector.bitcast %add3A_799 : vector<32xbf16> to vector<16xi32>
        %shift_left3A_801 = arith.constant 16 : i32
        %shift_left3A_802 = vector.broadcast %shift_left3A_801 : i32 to vector<16xi32>
        %shift_left3A_803 = arith.shli %bitcast3A_800, %shift_left3A_802 : vector<16xi32>
        %bitcast3A_804 = vector.bitcast %shift_left3A_803 : vector<16xi32> to vector<16xf32>
        %and3A_805 = arith.andi %bitcast3A_800, %broadcast_in_dim3A_3 : vector<16xi32>
        %bitcast3A_806 = vector.bitcast %and3A_805 : vector<16xi32> to vector<16xf32>
        %add3A_807 = arith.addf %add3A_485, %bitcast3A_804 : vector<16xf32>
        %add3A_808 = arith.addf %add3A_486, %bitcast3A_806 : vector<16xf32>
        %mul3A_809 = arith.constant 2 : i32
        %mul3A_810 = arith.muli %mul3A_809, %scan3A_776 : i32
        %get3A_811 = arith.constant 0 : i32
        %get3A_812 = arith.constant 0 : i32
        %get3A_813 = tpu.memref_slice %arg6[%scan3A_130, %get3A_811, %get3A_812] : memref<2x200x256xi32, #tpu.memory_space<vmem>> -> memref<1x200x256xi32, #tpu.memory_space<vmem>>
        %get3A_814 = tpu.memref_squeeze %get3A_813 : memref<1x200x256xi32, #tpu.memory_space<vmem>> -> memref<200x256xi32, #tpu.memory_space<vmem>>
        %get3A_815 = arith.index_cast %mul3A_810 : i32 to index
        %get3A_816 = arith.constant 16 : index
        %get3A_817 = tpu.vector_load %get3A_814[%get3A_815, %get3A_816] {strides = array<i32>} : memref<200x256xi32, #tpu.memory_space<vmem>>, vector<16xi32>,
        %mul3A_818 = arith.constant 2 : i32
        %mul3A_819 = arith.muli %mul3A_818, %scan3A_776 : i32
        %add3A_820 = arith.constant 1 : i32
        %add3A_821 = arith.addi %mul3A_819, %add3A_820 : i32
        %get3A_822 = arith.constant 0 : i32
        %get3A_823 = arith.constant 0 : i32
        %get3A_824 = tpu.memref_slice %arg6[%scan3A_130, %get3A_822, %get3A_823] : memref<2x200x256xi32, #tpu.memory_space<vmem>> -> memref<1x200x256xi32, #tpu.memory_space<vmem>>
        %get3A_825 = tpu.memref_squeeze %get3A_824 : memref<1x200x256xi32, #tpu.memory_space<vmem>> -> memref<200x256xi32, #tpu.memory_space<vmem>>
        %get3A_826 = arith.index_cast %add3A_821 : i32 to index
        %get3A_827 = arith.constant 16 : index
        %get3A_828 = tpu.vector_load %get3A_825[%get3A_826, %get3A_827] {strides = array<i32>} : memref<200x256xi32, #tpu.memory_space<vmem>>, vector<16xi32>,
        %bitcast3A_829 = vector.bitcast %get3A_817 : vector<16xi32> to vector<32xbf16>
        %bitcast3A_830 = vector.bitcast %get3A_828 : vector<16xi32> to vector<32xbf16>
        %add3A_831 = arith.addf %bitcast3A_829, %bitcast3A_830 : vector<32xbf16>
        %bitcast3A_832 = vector.bitcast %add3A_831 : vector<32xbf16> to vector<16xi32>
        %shift_left3A_833 = arith.constant 16 : i32
        %shift_left3A_834 = vector.broadcast %shift_left3A_833 : i32 to vector<16xi32>
        %shift_left3A_835 = arith.shli %bitcast3A_832, %shift_left3A_834 : vector<16xi32>
        %bitcast3A_836 = vector.bitcast %shift_left3A_835 : vector<16xi32> to vector<16xf32>
        %and3A_837 = arith.andi %bitcast3A_832, %broadcast_in_dim3A_3 : vector<16xi32>
        %bitcast3A_838 = vector.bitcast %and3A_837 : vector<16xi32> to vector<16xf32>
        %add3A_839 = arith.addf %add3A_517, %bitcast3A_836 : vector<16xf32>
        %add3A_840 = arith.addf %add3A_518, %bitcast3A_838 : vector<16xf32>
        %mul3A_841 = arith.constant 2 : i32
        %mul3A_842 = arith.muli %mul3A_841, %scan3A_776 : i32
        %get3A_843 = arith.constant 0 : i32
        %get3A_844 = arith.constant 0 : i32
        %get3A_845 = tpu.memref_slice %arg6[%scan3A_130, %get3A_843, %get3A_844] : memref<2x200x256xi32, #tpu.memory_space<vmem>> -> memref<1x200x256xi32, #tpu.memory_space<vmem>>
        %get3A_846 = tpu.memref_squeeze %get3A_845 : memref<1x200x256xi32, #tpu.memory_space<vmem>> -> memref<200x256xi32, #tpu.memory_space<vmem>>
        %get3A_847 = arith.index_cast %mul3A_842 : i32 to index
        %get3A_848 = arith.constant 32 : index
        %get3A_849 = tpu.vector_load %get3A_846[%get3A_847, %get3A_848] {strides = array<i32>} : memref<200x256xi32, #tpu.memory_space<vmem>>, vector<16xi32>,
        %mul3A_850 = arith.constant 2 : i32
        %mul3A_851 = arith.muli %mul3A_850, %scan3A_776 : i32
        %add3A_852 = arith.constant 1 : i32
        %add3A_853 = arith.addi %mul3A_851, %add3A_852 : i32
        %get3A_854 = arith.constant 0 : i32
        %get3A_855 = arith.constant 0 : i32
        %get3A_856 = tpu.memref_slice %arg6[%scan3A_130, %get3A_854, %get3A_855] : memref<2x200x256xi32, #tpu.memory_space<vmem>> -> memref<1x200x256xi32, #tpu.memory_space<vmem>>
        %get3A_857 = tpu.memref_squeeze %get3A_856 : memref<1x200x256xi32, #tpu.memory_space<vmem>> -> memref<200x256xi32, #tpu.memory_space<vmem>>
        %get3A_858 = arith.index_cast %add3A_853 : i32 to index
        %get3A_859 = arith.constant 32 : index
        %get3A_860 = tpu.vector_load %get3A_857[%get3A_858, %get3A_859] {strides = array<i32>} : memref<200x256xi32, #tpu.memory_space<vmem>>, vector<16xi32>,
        %bitcast3A_861 = vector.bitcast %get3A_849 : vector<16xi32> to vector<32xbf16>
        %bitcast3A_862 = vector.bitcast %get3A_860 : vector<16xi32> to vector<32xbf16>
        %add3A_863 = arith.addf %bitcast3A_861, %bitcast3A_862 : vector<32xbf16>
        %bitcast3A_864 = vector.bitcast %add3A_863 : vector<32xbf16> to vector<16xi32>
        %shift_left3A_865 = arith.constant 16 : i32
        %shift_left3A_866 = vector.broadcast %shift_left3A_865 : i32 to vector<16xi32>
        %shift_left3A_867 = arith.shli %bitcast3A_864, %shift_left3A_866 : vector<16xi32>
        %bitcast3A_868 = vector.bitcast %shift_left3A_867 : vector<16xi32> to vector<16xf32>
        %and3A_869 = arith.andi %bitcast3A_864, %broadcast_in_dim3A_3 : vector<16xi32>
        %bitcast3A_870 = vector.bitcast %and3A_869 : vector<16xi32> to vector<16xf32>
        %add3A_871 = arith.addf %add3A_549, %bitcast3A_868 : vector<16xf32>
        %add3A_872 = arith.addf %add3A_550, %bitcast3A_870 : vector<16xf32>
        %mul3A_873 = arith.constant 2 : i32
        %mul3A_874 = arith.muli %mul3A_873, %scan3A_776 : i32
        %get3A_875 = arith.constant 0 : i32
        %get3A_876 = arith.constant 0 : i32
        %get3A_877 = tpu.memref_slice %arg6[%scan3A_130, %get3A_875, %get3A_876] : memref<2x200x256xi32, #tpu.memory_space<vmem>> -> memref<1x200x256xi32, #tpu.memory_space<vmem>>
        %get3A_878 = tpu.memref_squeeze %get3A_877 : memref<1x200x256xi32, #tpu.memory_space<vmem>> -> memref<200x256xi32, #tpu.memory_space<vmem>>
        %get3A_879 = arith.index_cast %mul3A_874 : i32 to index
        %get3A_880 = arith.constant 48 : index
        %get3A_881 = tpu.vector_load %get3A_878[%get3A_879, %get3A_880] {strides = array<i32>} : memref<200x256xi32, #tpu.memory_space<vmem>>, vector<16xi32>,
        %mul3A_882 = arith.constant 2 : i32
        %mul3A_883 = arith.muli %mul3A_882, %scan3A_776 : i32
        %add3A_884 = arith.constant 1 : i32
        %add3A_885 = arith.addi %mul3A_883, %add3A_884 : i32
        %get3A_886 = arith.constant 0 : i32
        %get3A_887 = arith.constant 0 : i32
        %get3A_888 = tpu.memref_slice %arg6[%scan3A_130, %get3A_886, %get3A_887] : memref<2x200x256xi32, #tpu.memory_space<vmem>> -> memref<1x200x256xi32, #tpu.memory_space<vmem>>
        %get3A_889 = tpu.memref_squeeze %get3A_888 : memref<1x200x256xi32, #tpu.memory_space<vmem>> -> memref<200x256xi32, #tpu.memory_space<vmem>>
        %get3A_890 = arith.index_cast %add3A_885 : i32 to index
        %get3A_891 = arith.constant 48 : index
        %get3A_892 = tpu.vector_load %get3A_889[%get3A_890, %get3A_891] {strides = array<i32>} : memref<200x256xi32, #tpu.memory_space<vmem>>, vector<16xi32>,
        %bitcast3A_893 = vector.bitcast %get3A_881 : vector<16xi32> to vector<32xbf16>
        %bitcast3A_894 = vector.bitcast %get3A_892 : vector<16xi32> to vector<32xbf16>
        %add3A_895 = arith.addf %bitcast3A_893, %bitcast3A_894 : vector<32xbf16>
        %bitcast3A_896 = vector.bitcast %add3A_895 : vector<32xbf16> to vector<16xi32>
        %shift_left3A_897 = arith.constant 16 : i32
        %shift_left3A_898 = vector.broadcast %shift_left3A_897 : i32 to vector<16xi32>
        %shift_left3A_899 = arith.shli %bitcast3A_896, %shift_left3A_898 : vector<16xi32>
        %bitcast3A_900 = vector.bitcast %shift_left3A_899 : vector<16xi32> to vector<16xf32>
        %and3A_901 = arith.andi %bitcast3A_896, %broadcast_in_dim3A_3 : vector<16xi32>
        %bitcast3A_902 = vector.bitcast %and3A_901 : vector<16xi32> to vector<16xf32>
        %add3A_903 = arith.addf %add3A_581, %bitcast3A_900 : vector<16xf32>
        %add3A_904 = arith.addf %add3A_582, %bitcast3A_902 : vector<16xf32>
        %mul3A_905 = arith.constant 2 : i32
        %mul3A_906 = arith.muli %mul3A_905, %scan3A_776 : i32
        %get3A_907 = arith.constant 0 : i32
        %get3A_908 = arith.constant 0 : i32
        %get3A_909 = tpu.memref_slice %arg6[%scan3A_130, %get3A_907, %get3A_908] : memref<2x200x256xi32, #tpu.memory_space<vmem>> -> memref<1x200x256xi32, #tpu.memory_space<vmem>>
        %get3A_910 = tpu.memref_squeeze %get3A_909 : memref<1x200x256xi32, #tpu.memory_space<vmem>> -> memref<200x256xi32, #tpu.memory_space<vmem>>
        %get3A_911 = arith.index_cast %mul3A_906 : i32 to index
        %get3A_912 = arith.constant 64 : index
        %get3A_913 = tpu.vector_load %get3A_910[%get3A_911, %get3A_912] {strides = array<i32>} : memref<200x256xi32, #tpu.memory_space<vmem>>, vector<16xi32>,
        %mul3A_914 = arith.constant 2 : i32
        %mul3A_915 = arith.muli %mul3A_914, %scan3A_776 : i32
        %add3A_916 = arith.constant 1 : i32
        %add3A_917 = arith.addi %mul3A_915, %add3A_916 : i32
        %get3A_918 = arith.constant 0 : i32
        %get3A_919 = arith.constant 0 : i32
        %get3A_920 = tpu.memref_slice %arg6[%scan3A_130, %get3A_918, %get3A_919] : memref<2x200x256xi32, #tpu.memory_space<vmem>> -> memref<1x200x256xi32, #tpu.memory_space<vmem>>
        %get3A_921 = tpu.memref_squeeze %get3A_920 : memref<1x200x256xi32, #tpu.memory_space<vmem>> -> memref<200x256xi32, #tpu.memory_space<vmem>>
        %get3A_922 = arith.index_cast %add3A_917 : i32 to index
        %get3A_923 = arith.constant 64 : index
        %get3A_924 = tpu.vector_load %get3A_921[%get3A_922, %get3A_923] {strides = array<i32>} : memref<200x256xi32, #tpu.memory_space<vmem>>, vector<16xi32>,
        %bitcast3A_925 = vector.bitcast %get3A_913 : vector<16xi32> to vector<32xbf16>
        %bitcast3A_926 = vector.bitcast %get3A_924 : vector<16xi32> to vector<32xbf16>
        %add3A_927 = arith.addf %bitcast3A_925, %bitcast3A_926 : vector<32xbf16>
        %bitcast3A_928 = vector.bitcast %add3A_927 : vector<32xbf16> to vector<16xi32>
        %shift_left3A_929 = arith.constant 16 : i32
        %shift_left3A_930 = vector.broadcast %shift_left3A_929 : i32 to vector<16xi32>
        %shift_left3A_931 = arith.shli %bitcast3A_928, %shift_left3A_930 : vector<16xi32>
        %bitcast3A_932 = vector.bitcast %shift_left3A_931 : vector<16xi32> to vector<16xf32>
        %and3A_933 = arith.andi %bitcast3A_928, %broadcast_in_dim3A_3 : vector<16xi32>
        %bitcast3A_934 = vector.bitcast %and3A_933 : vector<16xi32> to vector<16xf32>
        %add3A_935 = arith.addf %add3A_613, %bitcast3A_932 : vector<16xf32>
        %add3A_936 = arith.addf %add3A_614, %bitcast3A_934 : vector<16xf32>
        %mul3A_937 = arith.constant 2 : i32
        %mul3A_938 = arith.muli %mul3A_937, %scan3A_776 : i32
        %get3A_939 = arith.constant 0 : i32
        %get3A_940 = arith.constant 0 : i32
        %get3A_941 = tpu.memref_slice %arg6[%scan3A_130, %get3A_939, %get3A_940] : memref<2x200x256xi32, #tpu.memory_space<vmem>> -> memref<1x200x256xi32, #tpu.memory_space<vmem>>
        %get3A_942 = tpu.memref_squeeze %get3A_941 : memref<1x200x256xi32, #tpu.memory_space<vmem>> -> memref<200x256xi32, #tpu.memory_space<vmem>>
        %get3A_943 = arith.index_cast %mul3A_938 : i32 to index
        %get3A_944 = arith.constant 80 : index
        %get3A_945 = tpu.vector_load %get3A_942[%get3A_943, %get3A_944] {strides = array<i32>} : memref<200x256xi32, #tpu.memory_space<vmem>>, vector<16xi32>,
        %mul3A_946 = arith.constant 2 : i32
        %mul3A_947 = arith.muli %mul3A_946, %scan3A_776 : i32
        %add3A_948 = arith.constant 1 : i32
        %add3A_949 = arith.addi %mul3A_947, %add3A_948 : i32
        %get3A_950 = arith.constant 0 : i32
        %get3A_951 = arith.constant 0 : i32
        %get3A_952 = tpu.memref_slice %arg6[%scan3A_130, %get3A_950, %get3A_951] : memref<2x200x256xi32, #tpu.memory_space<vmem>> -> memref<1x200x256xi32, #tpu.memory_space<vmem>>
        %get3A_953 = tpu.memref_squeeze %get3A_952 : memref<1x200x256xi32, #tpu.memory_space<vmem>> -> memref<200x256xi32, #tpu.memory_space<vmem>>
        %get3A_954 = arith.index_cast %add3A_949 : i32 to index
        %get3A_955 = arith.constant 80 : index
        %get3A_956 = tpu.vector_load %get3A_953[%get3A_954, %get3A_955] {strides = array<i32>} : memref<200x256xi32, #tpu.memory_space<vmem>>, vector<16xi32>,
        %bitcast3A_957 = vector.bitcast %get3A_945 : vector<16xi32> to vector<32xbf16>
        %bitcast3A_958 = vector.bitcast %get3A_956 : vector<16xi32> to vector<32xbf16>
        %add3A_959 = arith.addf %bitcast3A_957, %bitcast3A_958 : vector<32xbf16>
        %bitcast3A_960 = vector.bitcast %add3A_959 : vector<32xbf16> to vector<16xi32>
        %shift_left3A_961 = arith.constant 16 : i32
        %shift_left3A_962 = vector.broadcast %shift_left3A_961 : i32 to vector<16xi32>
        %shift_left3A_963 = arith.shli %bitcast3A_960, %shift_left3A_962 : vector<16xi32>
        %bitcast3A_964 = vector.bitcast %shift_left3A_963 : vector<16xi32> to vector<16xf32>
        %and3A_965 = arith.andi %bitcast3A_960, %broadcast_in_dim3A_3 : vector<16xi32>
        %bitcast3A_966 = vector.bitcast %and3A_965 : vector<16xi32> to vector<16xf32>
        %add3A_967 = arith.addf %add3A_645, %bitcast3A_964 : vector<16xf32>
        %add3A_968 = arith.addf %add3A_646, %bitcast3A_966 : vector<16xf32>
        %mul3A_969 = arith.constant 2 : i32
        %mul3A_970 = arith.muli %mul3A_969, %scan3A_776 : i32
        %get3A_971 = arith.constant 0 : i32
        %get3A_972 = arith.constant 0 : i32
        %get3A_973 = tpu.memref_slice %arg6[%scan3A_130, %get3A_971, %get3A_972] : memref<2x200x256xi32, #tpu.memory_space<vmem>> -> memref<1x200x256xi32, #tpu.memory_space<vmem>>
        %get3A_974 = tpu.memref_squeeze %get3A_973 : memref<1x200x256xi32, #tpu.memory_space<vmem>> -> memref<200x256xi32, #tpu.memory_space<vmem>>
        %get3A_975 = arith.index_cast %mul3A_970 : i32 to index
        %get3A_976 = arith.constant 96 : index
        %get3A_977 = tpu.vector_load %get3A_974[%get3A_975, %get3A_976] {strides = array<i32>} : memref<200x256xi32, #tpu.memory_space<vmem>>, vector<16xi32>,
        %mul3A_978 = arith.constant 2 : i32
        %mul3A_979 = arith.muli %mul3A_978, %scan3A_776 : i32
        %add3A_980 = arith.constant 1 : i32
        %add3A_981 = arith.addi %mul3A_979, %add3A_980 : i32
        %get3A_982 = arith.constant 0 : i32
        %get3A_983 = arith.constant 0 : i32
        %get3A_984 = tpu.memref_slice %arg6[%scan3A_130, %get3A_982, %get3A_983] : memref<2x200x256xi32, #tpu.memory_space<vmem>> -> memref<1x200x256xi32, #tpu.memory_space<vmem>>
        %get3A_985 = tpu.memref_squeeze %get3A_984 : memref<1x200x256xi32, #tpu.memory_space<vmem>> -> memref<200x256xi32, #tpu.memory_space<vmem>>
        %get3A_986 = arith.index_cast %add3A_981 : i32 to index
        %get3A_987 = arith.constant 96 : index
        %get3A_988 = tpu.vector_load %get3A_985[%get3A_986, %get3A_987] {strides = array<i32>} : memref<200x256xi32, #tpu.memory_space<vmem>>, vector<16xi32>,
        %bitcast3A_989 = vector.bitcast %get3A_977 : vector<16xi32> to vector<32xbf16>
        %bitcast3A_990 = vector.bitcast %get3A_988 : vector<16xi32> to vector<32xbf16>
        %add3A_991 = arith.addf %bitcast3A_989, %bitcast3A_990 : vector<32xbf16>
        %bitcast3A_992 = vector.bitcast %add3A_991 : vector<32xbf16> to vector<16xi32>
        %shift_left3A_993 = arith.constant 16 : i32
        %shift_left3A_994 = vector.broadcast %shift_left3A_993 : i32 to vector<16xi32>
        %shift_left3A_995 = arith.shli %bitcast3A_992, %shift_left3A_994 : vector<16xi32>
        %bitcast3A_996 = vector.bitcast %shift_left3A_995 : vector<16xi32> to vector<16xf32>
        %and3A_997 = arith.andi %bitcast3A_992, %broadcast_in_dim3A_3 : vector<16xi32>
        %bitcast3A_998 = vector.bitcast %and3A_997 : vector<16xi32> to vector<16xf32>
        %add3A_999 = arith.addf %add3A_677, %bitcast3A_996 : vector<16xf32>
        %add3A_1000 = arith.addf %add3A_678, %bitcast3A_998 : vector<16xf32>
        %mul3A_1001 = arith.constant 2 : i32
        %mul3A_1002 = arith.muli %mul3A_1001, %scan3A_776 : i32
        %get3A_1003 = arith.constant 0 : i32
        %get3A_1004 = arith.constant 0 : i32
        %get3A_1005 = tpu.memref_slice %arg6[%scan3A_130, %get3A_1003, %get3A_1004] : memref<2x200x256xi32, #tpu.memory_space<vmem>> -> memref<1x200x256xi32, #tpu.memory_space<vmem>>
        %get3A_1006 = tpu.memref_squeeze %get3A_1005 : memref<1x200x256xi32, #tpu.memory_space<vmem>> -> memref<200x256xi32, #tpu.memory_space<vmem>>
        %get3A_1007 = arith.index_cast %mul3A_1002 : i32 to index
        %get3A_1008 = arith.constant 112 : index
        %get3A_1009 = tpu.vector_load %get3A_1006[%get3A_1007, %get3A_1008] {strides = array<i32>} : memref<200x256xi32, #tpu.memory_space<vmem>>, vector<16xi32>,
        %mul3A_1010 = arith.constant 2 : i32
        %mul3A_1011 = arith.muli %mul3A_1010, %scan3A_776 : i32
        %add3A_1012 = arith.constant 1 : i32
        %add3A_1013 = arith.addi %mul3A_1011, %add3A_1012 : i32
        %get3A_1014 = arith.constant 0 : i32
        %get3A_1015 = arith.constant 0 : i32
        %get3A_1016 = tpu.memref_slice %arg6[%scan3A_130, %get3A_1014, %get3A_1015] : memref<2x200x256xi32, #tpu.memory_space<vmem>> -> memref<1x200x256xi32, #tpu.memory_space<vmem>>
        %get3A_1017 = tpu.memref_squeeze %get3A_1016 : memref<1x200x256xi32, #tpu.memory_space<vmem>> -> memref<200x256xi32, #tpu.memory_space<vmem>>
        %get3A_1018 = arith.index_cast %add3A_1013 : i32 to index
        %get3A_1019 = arith.constant 112 : index
        %get3A_1020 = tpu.vector_load %get3A_1017[%get3A_1018, %get3A_1019] {strides = array<i32>} : memref<200x256xi32, #tpu.memory_space<vmem>>, vector<16xi32>,
        %bitcast3A_1021 = vector.bitcast %get3A_1009 : vector<16xi32> to vector<32xbf16>
        %bitcast3A_1022 = vector.bitcast %get3A_1020 : vector<16xi32> to vector<32xbf16>
        %add3A_1023 = arith.addf %bitcast3A_1021, %bitcast3A_1022 : vector<32xbf16>
        %bitcast3A_1024 = vector.bitcast %add3A_1023 : vector<32xbf16> to vector<16xi32>
        %shift_left3A_1025 = arith.constant 16 : i32
        %shift_left3A_1026 = vector.broadcast %shift_left3A_1025 : i32 to vector<16xi32>
        %shift_left3A_1027 = arith.shli %bitcast3A_1024, %shift_left3A_1026 : vector<16xi32>
        %bitcast3A_1028 = vector.bitcast %shift_left3A_1027 : vector<16xi32> to vector<16xf32>
        %and3A_1029 = arith.andi %bitcast3A_1024, %broadcast_in_dim3A_3 : vector<16xi32>
        %bitcast3A_1030 = vector.bitcast %and3A_1029 : vector<16xi32> to vector<16xf32>
        %add3A_1031 = arith.addf %add3A_709, %bitcast3A_1028 : vector<16xf32>
        %add3A_1032 = arith.addf %add3A_710, %bitcast3A_1030 : vector<16xf32>
        %mul3A_1033 = arith.constant 2 : i32
        %mul3A_1034 = arith.muli %mul3A_1033, %scan3A_776 : i32
        %get3A_1035 = arith.constant 0 : i32
        %get3A_1036 = arith.constant 0 : i32
        %get3A_1037 = tpu.memref_slice %arg6[%scan3A_130, %get3A_1035, %get3A_1036] : memref<2x200x256xi32, #tpu.memory_space<vmem>> -> memref<1x200x256xi32, #tpu.memory_space<vmem>>
        %get3A_1038 = tpu.memref_squeeze %get3A_1037 : memref<1x200x256xi32, #tpu.memory_space<vmem>> -> memref<200x256xi32, #tpu.memory_space<vmem>>
        %get3A_1039 = arith.index_cast %mul3A_1034 : i32 to index
        %get3A_1040 = arith.constant 128 : index
        %get3A_1041 = tpu.vector_load %get3A_1038[%get3A_1039, %get3A_1040] {strides = array<i32>} : memref<200x256xi32, #tpu.memory_space<vmem>>, vector<16xi32>,
        %mul3A_1042 = arith.constant 2 : i32
        %mul3A_1043 = arith.muli %mul3A_1042, %scan3A_776 : i32
        %add3A_1044 = arith.constant 1 : i32
        %add3A_1045 = arith.addi %mul3A_1043, %add3A_1044 : i32
        %get3A_1046 = arith.constant 0 : i32
        %get3A_1047 = arith.constant 0 : i32
        %get3A_1048 = tpu.memref_slice %arg6[%scan3A_130, %get3A_1046, %get3A_1047] : memref<2x200x256xi32, #tpu.memory_space<vmem>> -> memref<1x200x256xi32, #tpu.memory_space<vmem>>
        %get3A_1049 = tpu.memref_squeeze %get3A_1048 : memref<1x200x256xi32, #tpu.memory_space<vmem>> -> memref<200x256xi32, #tpu.memory_space<vmem>>
        %get3A_1050 = arith.index_cast %add3A_1045 : i32 to index
        %get3A_1051 = arith.constant 128 : index
        %get3A_1052 = tpu.vector_load %get3A_1049[%get3A_1050, %get3A_1051] {strides = array<i32>} : memref<200x256xi32, #tpu.memory_space<vmem>>, vector<16xi32>,
        %bitcast3A_1053 = vector.bitcast %get3A_1041 : vector<16xi32> to vector<32xbf16>
        %bitcast3A_1054 = vector.bitcast %get3A_1052 : vector<16xi32> to vector<32xbf16>
        %add3A_1055 = arith.addf %bitcast3A_1053, %bitcast3A_1054 : vector<32xbf16>
        %bitcast3A_1056 = vector.bitcast %add3A_1055 : vector<32xbf16> to vector<16xi32>
        %shift_left3A_1057 = arith.constant 16 : i32
        %shift_left3A_1058 = vector.broadcast %shift_left3A_1057 : i32 to vector<16xi32>
        %shift_left3A_1059 = arith.shli %bitcast3A_1056, %shift_left3A_1058 : vector<16xi32>
        %bitcast3A_1060 = vector.bitcast %shift_left3A_1059 : vector<16xi32> to vector<16xf32>
        %and3A_1061 = arith.andi %bitcast3A_1056, %broadcast_in_dim3A_3 : vector<16xi32>
        %bitcast3A_1062 = vector.bitcast %and3A_1061 : vector<16xi32> to vector<16xf32>
        %add3A_1063 = arith.addf %add3A_741, %bitcast3A_1060 : vector<16xf32>
        %add3A_1064 = arith.addf %add3A_742, %bitcast3A_1062 : vector<16xf32>
        %mul3A_1065 = arith.constant 2 : i32
        %mul3A_1066 = arith.muli %mul3A_1065, %scan3A_776 : i32
        %get3A_1067 = arith.constant 0 : i32
        %get3A_1068 = arith.constant 0 : i32
        %get3A_1069 = tpu.memref_slice %arg6[%scan3A_130, %get3A_1067, %get3A_1068] : memref<2x200x256xi32, #tpu.memory_space<vmem>> -> memref<1x200x256xi32, #tpu.memory_space<vmem>>
        %get3A_1070 = tpu.memref_squeeze %get3A_1069 : memref<1x200x256xi32, #tpu.memory_space<vmem>> -> memref<200x256xi32, #tpu.memory_space<vmem>>
        %get3A_1071 = arith.index_cast %mul3A_1066 : i32 to index
        %get3A_1072 = arith.constant 144 : index
        %get3A_1073 = tpu.vector_load %get3A_1070[%get3A_1071, %get3A_1072] {strides = array<i32>} : memref<200x256xi32, #tpu.memory_space<vmem>>, vector<16xi32>,
        %mul3A_1074 = arith.constant 2 : i32
        %mul3A_1075 = arith.muli %mul3A_1074, %scan3A_776 : i32
        %add3A_1076 = arith.constant 1 : i32
        %add3A_1077 = arith.addi %mul3A_1075, %add3A_1076 : i32
        %get3A_1078 = arith.constant 0 : i32
        %get3A_1079 = arith.constant 0 : i32
        %get3A_1080 = tpu.memref_slice %arg6[%scan3A_130, %get3A_1078, %get3A_1079] : memref<2x200x256xi32, #tpu.memory_space<vmem>> -> memref<1x200x256xi32, #tpu.memory_space<vmem>>
        %get3A_1081 = tpu.memref_squeeze %get3A_1080 : memref<1x200x256xi32, #tpu.memory_space<vmem>> -> memref<200x256xi32, #tpu.memory_space<vmem>>
        %get3A_1082 = arith.index_cast %add3A_1077 : i32 to index
        %get3A_1083 = arith.constant 144 : index
        %get3A_1084 = tpu.vector_load %get3A_1081[%get3A_1082, %get3A_1083] {strides = array<i32>} : memref<200x256xi32, #tpu.memory_space<vmem>>, vector<16xi32>,
        %bitcast3A_1085 = vector.bitcast %get3A_1073 : vector<16xi32> to vector<32xbf16>
        %bitcast3A_1086 = vector.bitcast %get3A_1084 : vector<16xi32> to vector<32xbf16>
        %add3A_1087 = arith.addf %bitcast3A_1085, %bitcast3A_1086 : vector<32xbf16>
        %bitcast3A_1088 = vector.bitcast %add3A_1087 : vector<32xbf16> to vector<16xi32>
        %shift_left3A_1089 = arith.constant 16 : i32
        %shift_left3A_1090 = vector.broadcast %shift_left3A_1089 : i32 to vector<16xi32>
        %shift_left3A_1091 = arith.shli %bitcast3A_1088, %shift_left3A_1090 : vector<16xi32>
        %bitcast3A_1092 = vector.bitcast %shift_left3A_1091 : vector<16xi32> to vector<16xf32>
        %and3A_1093 = arith.andi %bitcast3A_1088, %broadcast_in_dim3A_3 : vector<16xi32>
        %bitcast3A_1094 = vector.bitcast %and3A_1093 : vector<16xi32> to vector<16xf32>
        %add3A_1095 = arith.addf %add3A_773, %bitcast3A_1092 : vector<16xf32>
        %add3A_1096 = arith.addf %add3A_774, %bitcast3A_1094 : vector<16xf32>
        scf.yield %add3A_807, %add3A_808, %add3A_839, %add3A_840, %add3A_871, %add3A_872, %add3A_903, %add3A_904, %add3A_935, %add3A_936, %add3A_967, %add3A_968, %add3A_999, %add3A_1000, %add3A_1031, %add3A_1032, %add3A_1063, %add3A_1064, %add3A_1095, %add3A_1096 : vector<16xf32>, vector<16xf32>, vector<16xf32>, vector<16xf32>, vector<16xf32>, vector<16xf32>, vector<16xf32>, vector<16xf32>, vector<16xf32>, vector<16xf32>, vector<16xf32>, vector<16xf32>, vector<16xf32>, vector<16xf32>, vector<16xf32>, vector<16xf32>, vector<16xf32>, vector<16xf32>, vector<16xf32>, vector<16xf32>
      }
      %scan3A_136 = arith.constant 100 : i32
      %slice3A = vector.extract_strided_slice %scan3A_135#17 {offsets = [12], sizes = [1], strides = [1]} : vector<16xf32> to vector<1xf32>
      %squeeze3A = vector.extract %slice3A[0] : f32 from vector<1xf32>
      %broadcast_in_dim3A_137 = vector.broadcast %squeeze3A : f32 to vector<16xf32>
      %max3A = arith.constant 1.000000e+00 : f32
      %max3A_138 = vector.broadcast %max3A : f32 to vector<16xf32>
      %max3A_139 = arith.maximumf %broadcast_in_dim3A_137, %max3A_138 : vector<16xf32>
      %div3A = arith.constant 1.000000e+00 : f32
      %div3A_140 = vector.broadcast %div3A : f32 to vector<16xf32>
      %div3A_141 = arith.divf %div3A_140, %max3A_139 : vector<16xf32>
      %sub3A_142 = arith.subi %add3A_103, %mul3A_2 : i32
      %ge3A = arith.constant 2 : i32
      %ge3A_143 = arith.cmpi sge, %sub3A_142, %ge3A : i32
      %convert_element_type3A = arith.extui %ge3A_143 : i1 to i32
      %cond3A = arith.constant 0 : i32
      %cond3A_144 = arith.cmpi ne, %convert_element_type3A, %cond3A : i32
      scf.if %cond3A_144 {
        %sub3A_438 = arith.constant 2 : i32
        %sub3A_439 = arith.subi %add3A_103, %sub3A_438 : i32
        %dma_wait3A_440 = arith.constant 0 : i32
        %dma_wait3A_441 = arith.constant 0 : i32
        %dma_wait3A_442 = tpu.memref_slice %arg7[%dma_wait3A_440, %dma_wait3A_441] : memref<2x320xf32, #tpu.memory_space<vmem>> -> memref<1x320xf32, #tpu.memory_space<vmem>>
        %dma_wait3A_443 = tpu.memref_squeeze %dma_wait3A_442 : memref<1x320xf32, #tpu.memory_space<vmem>> -> memref<320xf32, #tpu.memory_space<vmem>>
        %dma_wait3A_444 = arith.constant 0 : i32
        %dma_wait3A_445 = tpu.memref_slice %arg4[%sub3A_439, %dma_wait3A_444] : memref<4096x320xf32, #tpu.memory_space<hbm>> -> memref<1x320xf32, #tpu.memory_space<hbm>>
        %dma_wait3A_446 = tpu.memref_squeeze %dma_wait3A_445 : memref<1x320xf32, #tpu.memory_space<hbm>> -> memref<320xf32, #tpu.memory_space<hbm>>
        %dma_wait3A_447 = arith.constant 0 : i32
        %dma_wait3A_448 = tpu.memref_slice %arg4[%sub3A_439, %dma_wait3A_447] : memref<4096x320xf32, #tpu.memory_space<hbm>> -> memref<1x320xf32, #tpu.memory_space<hbm>>
        %dma_wait3A_449 = tpu.memref_squeeze %dma_wait3A_448 : memref<1x320xf32, #tpu.memory_space<hbm>> -> memref<320xf32, #tpu.memory_space<hbm>>
        %dma_wait3A_450 = arith.constant 0 : i32
        %dma_wait3A_451 = tpu.memref_slice %arg7[%dma_wait3A_440, %dma_wait3A_450] : memref<2x320xf32, #tpu.memory_space<vmem>> -> memref<1x320xf32, #tpu.memory_space<vmem>>
        %dma_wait3A_452 = tpu.memref_squeeze %dma_wait3A_451 : memref<1x320xf32, #tpu.memory_space<vmem>> -> memref<320xf32, #tpu.memory_space<vmem>>
        tpu.wait_dma2 semaphore(%arg10 : memref<!tpu.dma_semaphore, #tpu.memory_space<semaphore_mem>>) src(%dma_wait3A_452 : memref<320xf32, #tpu.memory_space<vmem>>) dst(%dma_wait3A_449 : memref<320xf32, #tpu.memory_space<hbm>>)
      } else {
      }
      %mul3A_145 = arith.mulf %scan3A_135#0, %div3A_141 : vector<16xf32>
      %swap3A = arith.constant 0 : i32
      %swap3A_146 = arith.index_cast %swap3A : i32 to index
      %swap3A_147 = arith.constant 0 : index
      %swap3A_148 = tpu.vector_load %arg7[%swap3A_146, %swap3A_147] {strides = array<i32>} : memref<2x320xf32, #tpu.memory_space<vmem>>, vector<16xf32>,
      tpu.vector_store %arg7[%swap3A_146, %swap3A_147], %mul3A_145 {strides = array<i32>} : memref<2x320xf32, #tpu.memory_space<vmem>>, vector<16xf32>,
      %mul3A_149 = arith.mulf %scan3A_135#1, %div3A_141 : vector<16xf32>
      %swap3A_150 = arith.constant 0 : i32
      %swap3A_151 = arith.index_cast %swap3A_150 : i32 to index
      %swap3A_152 = arith.constant 160 : index
      %swap3A_153 = tpu.vector_load %arg7[%swap3A_151, %swap3A_152] {strides = array<i32>} : memref<2x320xf32, #tpu.memory_space<vmem>>, vector<16xf32>,
      tpu.vector_store %arg7[%swap3A_151, %swap3A_152], %mul3A_149 {strides = array<i32>} : memref<2x320xf32, #tpu.memory_space<vmem>>, vector<16xf32>,
      %mul3A_154 = arith.mulf %scan3A_135#2, %div3A_141 : vector<16xf32>
      %swap3A_155 = arith.constant 0 : i32
      %swap3A_156 = arith.index_cast %swap3A_155 : i32 to index
      %swap3A_157 = arith.constant 16 : index
      %swap3A_158 = tpu.vector_load %arg7[%swap3A_156, %swap3A_157] {strides = array<i32>} : memref<2x320xf32, #tpu.memory_space<vmem>>, vector<16xf32>,
      tpu.vector_store %arg7[%swap3A_156, %swap3A_157], %mul3A_154 {strides = array<i32>} : memref<2x320xf32, #tpu.memory_space<vmem>>, vector<16xf32>,
      %mul3A_159 = arith.mulf %scan3A_135#3, %div3A_141 : vector<16xf32>
      %swap3A_160 = arith.constant 0 : i32
      %swap3A_161 = arith.index_cast %swap3A_160 : i32 to index
      %swap3A_162 = arith.constant 176 : index
      %swap3A_163 = tpu.vector_load %arg7[%swap3A_161, %swap3A_162] {strides = array<i32>} : memref<2x320xf32, #tpu.memory_space<vmem>>, vector<16xf32>,
      tpu.vector_store %arg7[%swap3A_161, %swap3A_162], %mul3A_159 {strides = array<i32>} : memref<2x320xf32, #tpu.memory_space<vmem>>, vector<16xf32>,
      %mul3A_164 = arith.mulf %scan3A_135#4, %div3A_141 : vector<16xf32>
      %swap3A_165 = arith.constant 0 : i32
      %swap3A_166 = arith.index_cast %swap3A_165 : i32 to index
      %swap3A_167 = arith.constant 32 : index
      %swap3A_168 = tpu.vector_load %arg7[%swap3A_166, %swap3A_167] {strides = array<i32>} : memref<2x320xf32, #tpu.memory_space<vmem>>, vector<16xf32>,
      tpu.vector_store %arg7[%swap3A_166, %swap3A_167], %mul3A_164 {strides = array<i32>} : memref<2x320xf32, #tpu.memory_space<vmem>>, vector<16xf32>,
      %mul3A_169 = arith.mulf %scan3A_135#5, %div3A_141 : vector<16xf32>
      %swap3A_170 = arith.constant 0 : i32
      %swap3A_171 = arith.index_cast %swap3A_170 : i32 to index
      %swap3A_172 = arith.constant 192 : index
      %swap3A_173 = tpu.vector_load %arg7[%swap3A_171, %swap3A_172] {strides = array<i32>} : memref<2x320xf32, #tpu.memory_space<vmem>>, vector<16xf32>,
      tpu.vector_store %arg7[%swap3A_171, %swap3A_172], %mul3A_169 {strides = array<i32>} : memref<2x320xf32, #tpu.memory_space<vmem>>, vector<16xf32>,
      %mul3A_174 = arith.mulf %scan3A_135#6, %div3A_141 : vector<16xf32>
      %swap3A_175 = arith.constant 0 : i32
      %swap3A_176 = arith.index_cast %swap3A_175 : i32 to index
      %swap3A_177 = arith.constant 48 : index
      %swap3A_178 = tpu.vector_load %arg7[%swap3A_176, %swap3A_177] {strides = array<i32>} : memref<2x320xf32, #tpu.memory_space<vmem>>, vector<16xf32>,
      tpu.vector_store %arg7[%swap3A_176, %swap3A_177], %mul3A_174 {strides = array<i32>} : memref<2x320xf32, #tpu.memory_space<vmem>>, vector<16xf32>,
      %mul3A_179 = arith.mulf %scan3A_135#7, %div3A_141 : vector<16xf32>
      %swap3A_180 = arith.constant 0 : i32
      %swap3A_181 = arith.index_cast %swap3A_180 : i32 to index
      %swap3A_182 = arith.constant 208 : index
      %swap3A_183 = tpu.vector_load %arg7[%swap3A_181, %swap3A_182] {strides = array<i32>} : memref<2x320xf32, #tpu.memory_space<vmem>>, vector<16xf32>,
      tpu.vector_store %arg7[%swap3A_181, %swap3A_182], %mul3A_179 {strides = array<i32>} : memref<2x320xf32, #tpu.memory_space<vmem>>, vector<16xf32>,
      %mul3A_184 = arith.mulf %scan3A_135#8, %div3A_141 : vector<16xf32>
      %swap3A_185 = arith.constant 0 : i32
      %swap3A_186 = arith.index_cast %swap3A_185 : i32 to index
      %swap3A_187 = arith.constant 64 : index
      %swap3A_188 = tpu.vector_load %arg7[%swap3A_186, %swap3A_187] {strides = array<i32>} : memref<2x320xf32, #tpu.memory_space<vmem>>, vector<16xf32>,
      tpu.vector_store %arg7[%swap3A_186, %swap3A_187], %mul3A_184 {strides = array<i32>} : memref<2x320xf32, #tpu.memory_space<vmem>>, vector<16xf32>,
      %mul3A_189 = arith.mulf %scan3A_135#9, %div3A_141 : vector<16xf32>
      %swap3A_190 = arith.constant 0 : i32
      %swap3A_191 = arith.index_cast %swap3A_190 : i32 to index
      %swap3A_192 = arith.constant 224 : index
      %swap3A_193 = tpu.vector_load %arg7[%swap3A_191, %swap3A_192] {strides = array<i32>} : memref<2x320xf32, #tpu.memory_space<vmem>>, vector<16xf32>,
      tpu.vector_store %arg7[%swap3A_191, %swap3A_192], %mul3A_189 {strides = array<i32>} : memref<2x320xf32, #tpu.memory_space<vmem>>, vector<16xf32>,
      %mul3A_194 = arith.mulf %scan3A_135#10, %div3A_141 : vector<16xf32>
      %swap3A_195 = arith.constant 0 : i32
      %swap3A_196 = arith.index_cast %swap3A_195 : i32 to index
      %swap3A_197 = arith.constant 80 : index
      %swap3A_198 = tpu.vector_load %arg7[%swap3A_196, %swap3A_197] {strides = array<i32>} : memref<2x320xf32, #tpu.memory_space<vmem>>, vector<16xf32>,
      tpu.vector_store %arg7[%swap3A_196, %swap3A_197], %mul3A_194 {strides = array<i32>} : memref<2x320xf32, #tpu.memory_space<vmem>>, vector<16xf32>,
      %mul3A_199 = arith.mulf %scan3A_135#11, %div3A_141 : vector<16xf32>
      %swap3A_200 = arith.constant 0 : i32
      %swap3A_201 = arith.index_cast %swap3A_200 : i32 to index
      %swap3A_202 = arith.constant 240 : index
      %swap3A_203 = tpu.vector_load %arg7[%swap3A_201, %swap3A_202] {strides = array<i32>} : memref<2x320xf32, #tpu.memory_space<vmem>>, vector<16xf32>,
      tpu.vector_store %arg7[%swap3A_201, %swap3A_202], %mul3A_199 {strides = array<i32>} : memref<2x320xf32, #tpu.memory_space<vmem>>, vector<16xf32>,
      %mul3A_204 = arith.mulf %scan3A_135#12, %div3A_141 : vector<16xf32>
      %swap3A_205 = arith.constant 0 : i32
      %swap3A_206 = arith.index_cast %swap3A_205 : i32 to index
      %swap3A_207 = arith.constant 96 : index
      %swap3A_208 = tpu.vector_load %arg7[%swap3A_206, %swap3A_207] {strides = array<i32>} : memref<2x320xf32, #tpu.memory_space<vmem>>, vector<16xf32>,
      tpu.vector_store %arg7[%swap3A_206, %swap3A_207], %mul3A_204 {strides = array<i32>} : memref<2x320xf32, #tpu.memory_space<vmem>>, vector<16xf32>,
      %mul3A_209 = arith.mulf %scan3A_135#13, %div3A_141 : vector<16xf32>
      %swap3A_210 = arith.constant 0 : i32
      %swap3A_211 = arith.index_cast %swap3A_210 : i32 to index
      %swap3A_212 = arith.constant 256 : index
      %swap3A_213 = tpu.vector_load %arg7[%swap3A_211, %swap3A_212] {strides = array<i32>} : memref<2x320xf32, #tpu.memory_space<vmem>>, vector<16xf32>,
      tpu.vector_store %arg7[%swap3A_211, %swap3A_212], %mul3A_209 {strides = array<i32>} : memref<2x320xf32, #tpu.memory_space<vmem>>, vector<16xf32>,
      %mul3A_214 = arith.mulf %scan3A_135#14, %div3A_141 : vector<16xf32>
      %swap3A_215 = arith.constant 0 : i32
      %swap3A_216 = arith.index_cast %swap3A_215 : i32 to index
      %swap3A_217 = arith.constant 112 : index
      %swap3A_218 = tpu.vector_load %arg7[%swap3A_216, %swap3A_217] {strides = array<i32>} : memref<2x320xf32, #tpu.memory_space<vmem>>, vector<16xf32>,
      tpu.vector_store %arg7[%swap3A_216, %swap3A_217], %mul3A_214 {strides = array<i32>} : memref<2x320xf32, #tpu.memory_space<vmem>>, vector<16xf32>,
      %mul3A_219 = arith.mulf %scan3A_135#15, %div3A_141 : vector<16xf32>
      %swap3A_220 = arith.constant 0 : i32
      %swap3A_221 = arith.index_cast %swap3A_220 : i32 to index
      %swap3A_222 = arith.constant 272 : index
      %swap3A_223 = tpu.vector_load %arg7[%swap3A_221, %swap3A_222] {strides = array<i32>} : memref<2x320xf32, #tpu.memory_space<vmem>>, vector<16xf32>,
      tpu.vector_store %arg7[%swap3A_221, %swap3A_222], %mul3A_219 {strides = array<i32>} : memref<2x320xf32, #tpu.memory_space<vmem>>, vector<16xf32>,
      %mul3A_224 = arith.mulf %scan3A_135#16, %div3A_141 : vector<16xf32>
      %swap3A_225 = arith.constant 0 : i32
      %swap3A_226 = arith.index_cast %swap3A_225 : i32 to index
      %swap3A_227 = arith.constant 128 : index
      %swap3A_228 = tpu.vector_load %arg7[%swap3A_226, %swap3A_227] {strides = array<i32>} : memref<2x320xf32, #tpu.memory_space<vmem>>, vector<16xf32>,
      tpu.vector_store %arg7[%swap3A_226, %swap3A_227], %mul3A_224 {strides = array<i32>} : memref<2x320xf32, #tpu.memory_space<vmem>>, vector<16xf32>,
      %mul3A_229 = arith.mulf %scan3A_135#17, %div3A_141 : vector<16xf32>
      %swap3A_230 = arith.constant 0 : i32
      %swap3A_231 = arith.index_cast %swap3A_230 : i32 to index
      %swap3A_232 = arith.constant 288 : index
      %swap3A_233 = tpu.vector_load %arg7[%swap3A_231, %swap3A_232] {strides = array<i32>} : memref<2x320xf32, #tpu.memory_space<vmem>>, vector<16xf32>,
      tpu.vector_store %arg7[%swap3A_231, %swap3A_232], %mul3A_229 {strides = array<i32>} : memref<2x320xf32, #tpu.memory_space<vmem>>, vector<16xf32>,
      %mul3A_234 = arith.mulf %scan3A_135#18, %div3A_141 : vector<16xf32>
      %swap3A_235 = arith.constant 0 : i32
      %swap3A_236 = arith.index_cast %swap3A_235 : i32 to index
      %swap3A_237 = arith.constant 144 : index
      %swap3A_238 = tpu.vector_load %arg7[%swap3A_236, %swap3A_237] {strides = array<i32>} : memref<2x320xf32, #tpu.memory_space<vmem>>, vector<16xf32>,
      tpu.vector_store %arg7[%swap3A_236, %swap3A_237], %mul3A_234 {strides = array<i32>} : memref<2x320xf32, #tpu.memory_space<vmem>>, vector<16xf32>,
      %mul3A_239 = arith.mulf %scan3A_135#19, %div3A_141 : vector<16xf32>
      %swap3A_240 = arith.constant 0 : i32
      %swap3A_241 = arith.index_cast %swap3A_240 : i32 to index
      %swap3A_242 = arith.constant 304 : index
      %swap3A_243 = tpu.vector_load %arg7[%swap3A_241, %swap3A_242] {strides = array<i32>} : memref<2x320xf32, #tpu.memory_space<vmem>>, vector<16xf32>,
      tpu.vector_store %arg7[%swap3A_241, %swap3A_242], %mul3A_239 {strides = array<i32>} : memref<2x320xf32, #tpu.memory_space<vmem>>, vector<16xf32>,
      %dma_start3A_244 = arith.constant 0 : i32
      %dma_start3A_245 = arith.constant 0 : i32
      %dma_start3A_246 = tpu.memref_slice %arg7[%dma_start3A_244, %dma_start3A_245] : memref<2x320xf32, #tpu.memory_space<vmem>> -> memref<1x320xf32, #tpu.memory_space<vmem>>
      %dma_start3A_247 = tpu.memref_squeeze %dma_start3A_246 : memref<1x320xf32, #tpu.memory_space<vmem>> -> memref<320xf32, #tpu.memory_space<vmem>>
      %dma_start3A_248 = arith.constant 0 : i32
      %dma_start3A_249 = tpu.memref_slice %arg4[%add3A_103, %dma_start3A_248] : memref<4096x320xf32, #tpu.memory_space<hbm>> -> memref<1x320xf32, #tpu.memory_space<hbm>>
      %dma_start3A_250 = tpu.memref_squeeze %dma_start3A_249 : memref<1x320xf32, #tpu.memory_space<hbm>> -> memref<320xf32, #tpu.memory_space<hbm>>
      %dma_start3A_251 = arith.constant 0 : i32
      %dma_start3A_252 = tpu.memref_slice %arg4[%add3A_103, %dma_start3A_251] : memref<4096x320xf32, #tpu.memory_space<hbm>> -> memref<1x320xf32, #tpu.memory_space<hbm>>
      %dma_start3A_253 = tpu.memref_squeeze %dma_start3A_252 : memref<1x320xf32, #tpu.memory_space<hbm>> -> memref<320xf32, #tpu.memory_space<hbm>>
      %dma_start3A_254 = arith.constant 0 : i32
      %dma_start3A_255 = tpu.memref_slice %arg7[%dma_start3A_244, %dma_start3A_254] : memref<2x320xf32, #tpu.memory_space<vmem>> -> memref<1x320xf32, #tpu.memory_space<vmem>>
      %dma_start3A_256 = tpu.memref_squeeze %dma_start3A_255 : memref<1x320xf32, #tpu.memory_space<vmem>> -> memref<320xf32, #tpu.memory_space<vmem>>
      tpu.enqueue_dma source(%dma_start3A_256 : memref<320xf32, #tpu.memory_space<vmem>>) target(%dma_start3A_253 : memref<320xf32, #tpu.memory_space<hbm>>) target_semaphore(%arg10 : memref<!tpu.dma_semaphore, #tpu.memory_space<semaphore_mem>>)
      %add3A_257 = arith.constant 0 : i32
      %add3A_258 = arith.addi %add3A_100, %add3A_257 : i32
      %add3A_259 = arith.constant 2 : i32
      %add3A_260 = arith.addi %add3A_258, %add3A_259 : i32
      %lt3A = arith.constant 128 : i32
      %lt3A_261 = arith.cmpi slt, %add3A_260, %lt3A : i32
      %convert_element_type3A_262 = arith.extui %lt3A_261 : i1 to i32
      %cond3A_263 = arith.constant 0 : i32
      %cond3A_264 = arith.cmpi ne, %convert_element_type3A_262, %cond3A_263 : i32
      scf.if %cond3A_264 {
        %add3A_438 = arith.constant 2 : i32
        %add3A_439 = arith.addi %add3A_103, %add3A_438 : i32
        %run_scoped3A_440 = arith.constant 0 : i32
        "tpu.region"() ({
          %run_scoped3A_465 = tpu.sem_alloc : memref<!tpu.dma_semaphore, #tpu.memory_space<semaphore_mem>>
          %dma_start3A_466 = arith.constant 0 : i32
          %dma_start3A_467 = tpu.memref_slice %arg5[%run_scoped3A_440, %dma_start3A_466] : memref<2x200xi32, #tpu.memory_space<vmem>> -> memref<1x200xi32, #tpu.memory_space<vmem>>
          %dma_start3A_468 = tpu.memref_squeeze %dma_start3A_467 : memref<1x200xi32, #tpu.memory_space<vmem>> -> memref<200xi32, #tpu.memory_space<vmem>>
          %dma_start3A_469 = arith.constant 0 : i32
          %dma_start3A_470 = tpu.memref_slice %arg3[%add3A_439, %dma_start3A_469] : memref<4096x200xi32, #tpu.memory_space<hbm>> -> memref<1x200xi32, #tpu.memory_space<hbm>>
          %dma_start3A_471 = tpu.memref_squeeze %dma_start3A_470 : memref<1x200xi32, #tpu.memory_space<hbm>> -> memref<200xi32, #tpu.memory_space<hbm>>
          %dma_start3A_472 = arith.constant 0 : i32
          %dma_start3A_473 = tpu.memref_slice %arg5[%run_scoped3A_440, %dma_start3A_472] : memref<2x200xi32, #tpu.memory_space<vmem>> -> memref<1x200xi32, #tpu.memory_space<vmem>>
          %dma_start3A_474 = tpu.memref_squeeze %dma_start3A_473 : memref<1x200xi32, #tpu.memory_space<vmem>> -> memref<200xi32, #tpu.memory_space<vmem>>
          %dma_start3A_475 = arith.constant 0 : i32
          %dma_start3A_476 = tpu.memref_slice %arg3[%add3A_439, %dma_start3A_475] : memref<4096x200xi32, #tpu.memory_space<hbm>> -> memref<1x200xi32, #tpu.memory_space<hbm>>
          %dma_start3A_477 = tpu.memref_squeeze %dma_start3A_476 : memref<1x200xi32, #tpu.memory_space<hbm>> -> memref<200xi32, #tpu.memory_space<hbm>>
          tpu.enqueue_dma source(%dma_start3A_477 : memref<200xi32, #tpu.memory_space<hbm>>) target(%dma_start3A_474 : memref<200xi32, #tpu.memory_space<vmem>>) target_semaphore(%run_scoped3A_465 : memref<!tpu.dma_semaphore, #tpu.memory_space<semaphore_mem>>)
          %dma_wait3A_478 = arith.constant 0 : i32
          %dma_wait3A_479 = tpu.memref_slice %arg5[%run_scoped3A_440, %dma_wait3A_478] : memref<2x200xi32, #tpu.memory_space<vmem>> -> memref<1x200xi32, #tpu.memory_space<vmem>>
          %dma_wait3A_480 = tpu.memref_squeeze %dma_wait3A_479 : memref<1x200xi32, #tpu.memory_space<vmem>> -> memref<200xi32, #tpu.memory_space<vmem>>
          %dma_wait3A_481 = arith.constant 0 : i32
          %dma_wait3A_482 = tpu.memref_slice %arg3[%add3A_439, %dma_wait3A_481] : memref<4096x200xi32, #tpu.memory_space<hbm>> -> memref<1x200xi32, #tpu.memory_space<hbm>>
          %dma_wait3A_483 = tpu.memref_squeeze %dma_wait3A_482 : memref<1x200xi32, #tpu.memory_space<hbm>> -> memref<200xi32, #tpu.memory_space<hbm>>
          %dma_wait3A_484 = arith.constant 0 : i32
          %dma_wait3A_485 = tpu.memref_slice %arg5[%run_scoped3A_440, %dma_wait3A_484] : memref<2x200xi32, #tpu.memory_space<vmem>> -> memref<1x200xi32, #tpu.memory_space<vmem>>
          %dma_wait3A_486 = tpu.memref_squeeze %dma_wait3A_485 : memref<1x200xi32, #tpu.memory_space<vmem>> -> memref<200xi32, #tpu.memory_space<vmem>>
          %dma_wait3A_487 = arith.constant 0 : i32
          %dma_wait3A_488 = tpu.memref_slice %arg3[%add3A_439, %dma_wait3A_487] : memref<4096x200xi32, #tpu.memory_space<hbm>> -> memref<1x200xi32, #tpu.memory_space<hbm>>
          %dma_wait3A_489 = tpu.memref_squeeze %dma_wait3A_488 : memref<1x200xi32, #tpu.memory_space<hbm>> -> memref<200xi32, #tpu.memory_space<hbm>>
          tpu.wait_dma2 semaphore(%run_scoped3A_465 : memref<!tpu.dma_semaphore, #tpu.memory_space<semaphore_mem>>) src(%dma_wait3A_489 : memref<200xi32, #tpu.memory_space<hbm>>) dst(%dma_wait3A_486 : memref<200xi32, #tpu.memory_space<vmem>>)
          tpu.yield
        }) : () -> ()
        %dma_start3A_441 = arith.constant 0 : i32
        %dma_start3A_442 = arith.constant 0 : i32
        %dma_start3A_443 = arith.constant 0 : i32
        %dma_start3A_444 = arith.constant 0 : i32
        %dma_start3A_445 = tpu.memref_slice %arg6[%dma_start3A_442, %dma_start3A_443, %dma_start3A_444] : memref<2x200x256xi32, #tpu.memory_space<vmem>> -> memref<1x128x256xi32, #tpu.memory_space<vmem>>
        %dma_start3A_446 = tpu.memref_squeeze %dma_start3A_445 : memref<1x128x256xi32, #tpu.memory_space<vmem>> -> memref<128x256xi32, #tpu.memory_space<vmem>>
        %dma_start3A_447 = arith.constant 0 : i32
        %dma_start3A_448 = tpu.memref_slice %arg5[%dma_start3A_441, %dma_start3A_447] : memref<2x200xi32, #tpu.memory_space<vmem>> -> memref<1x128xi32, #tpu.memory_space<vmem>>
        %dma_start3A_449 = tpu.memref_squeeze %dma_start3A_448 : memref<1x128xi32, #tpu.memory_space<vmem>> -> memref<128xi32, #tpu.memory_space<vmem>>
        %dma_start3A_450 = arith.constant 0 : i32
        %dma_start3A_451 = arith.constant 0 : i32
        %dma_start3A_452 = tpu.memref_slice %arg2[%dma_start3A_450, %dma_start3A_451] : memref<100000x256xi32, #tpu.memory_space<hbm>> -> memref<100000x256xi32, #tpu.memory_space<hbm>>
        tpu.enqueue_indirect_dma source(%dma_start3A_452 : memref<100000x256xi32, #tpu.memory_space<hbm>>) target(%dma_start3A_446 : memref<128x256xi32, #tpu.memory_space<vmem>>) offsets(%dma_start3A_449 : memref<128xi32, #tpu.memory_space<vmem>>) semaphore(%arg8 : memref<!tpu.dma_semaphore, #tpu.memory_space<semaphore_mem>>)
        %dma_start3A_453 = arith.constant 0 : i32
        %dma_start3A_454 = arith.constant 0 : i32
        %dma_start3A_455 = arith.constant 128 : i32
        %dma_start3A_456 = arith.constant 0 : i32
        %dma_start3A_457 = tpu.memref_slice %arg6[%dma_start3A_454, %dma_start3A_455, %dma_start3A_456] : memref<2x200x256xi32, #tpu.memory_space<vmem>> -> memref<1x72x256xi32, #tpu.memory_space<vmem>>
        %dma_start3A_458 = tpu.memref_squeeze %dma_start3A_457 : memref<1x72x256xi32, #tpu.memory_space<vmem>> -> memref<72x256xi32, #tpu.memory_space<vmem>>
        %dma_start3A_459 = arith.constant 128 : i32
        %dma_start3A_460 = tpu.memref_slice %arg5[%dma_start3A_453, %dma_start3A_459] : memref<2x200xi32, #tpu.memory_space<vmem>> -> memref<1x72xi32, #tpu.memory_space<vmem>>
        %dma_start3A_461 = tpu.memref_squeeze %dma_start3A_460 : memref<1x72xi32, #tpu.memory_space<vmem>> -> memref<72xi32, #tpu.memory_space<vmem>>
        %dma_start3A_462 = arith.constant 0 : i32
        %dma_start3A_463 = arith.constant 0 : i32
        %dma_start3A_464 = tpu.memref_slice %arg2[%dma_start3A_462, %dma_start3A_463] : memref<100000x256xi32, #tpu.memory_space<hbm>> -> memref<100000x256xi32, #tpu.memory_space<hbm>>
        tpu.enqueue_indirect_dma source(%dma_start3A_464 : memref<100000x256xi32, #tpu.memory_space<hbm>>) target(%dma_start3A_458 : memref<72x256xi32, #tpu.memory_space<vmem>>) offsets(%dma_start3A_461 : memref<72xi32, #tpu.memory_space<vmem>>) semaphore(%arg8 : memref<!tpu.dma_semaphore, #tpu.memory_space<semaphore_mem>>)
      } else {
      }
      %add3A_265 = arith.addi %mul3A_2, %add3A_100 : i32
      %add3A_266 = arith.constant 1 : i32
      %add3A_267 = arith.addi %add3A_265, %add3A_266 : i32
      %dma_wait3A_268 = arith.constant 1 : i32
      %dma_wait3A_269 = arith.constant 1 : i32
      %dma_wait3A_270 = arith.constant 0 : i32
      %dma_wait3A_271 = arith.constant 0 : i32
      %dma_wait3A_272 = tpu.memref_slice %arg6[%dma_wait3A_269, %dma_wait3A_270, %dma_wait3A_271] : memref<2x200x256xi32, #tpu.memory_space<vmem>> -> memref<1x128x256xi32, #tpu.memory_space<vmem>>
      %dma_wait3A_273 = tpu.memref_squeeze %dma_wait3A_272 : memref<1x128x256xi32, #tpu.memory_space<vmem>> -> memref<128x256xi32, #tpu.memory_space<vmem>>
      %dma_wait3A_274 = arith.constant 0 : i32
      %dma_wait3A_275 = tpu.memref_slice %arg5[%dma_wait3A_268, %dma_wait3A_274] : memref<2x200xi32, #tpu.memory_space<vmem>> -> memref<1x128xi32, #tpu.memory_space<vmem>>
      %dma_wait3A_276 = tpu.memref_squeeze %dma_wait3A_275 : memref<1x128xi32, #tpu.memory_space<vmem>> -> memref<128xi32, #tpu.memory_space<vmem>>
      %dma_wait3A_277 = arith.constant 0 : i32
      %dma_wait3A_278 = arith.constant 0 : i32
      %dma_wait3A_279 = tpu.memref_slice %arg2[%dma_wait3A_277, %dma_wait3A_278] : memref<100000x256xi32, #tpu.memory_space<hbm>> -> memref<100000x256xi32, #tpu.memory_space<hbm>>
      tpu.wait_indirect_dma semaphore(%arg9 : memref<!tpu.dma_semaphore, #tpu.memory_space<semaphore_mem>>) src(%dma_wait3A_279 : memref<100000x256xi32, #tpu.memory_space<hbm>>) dst(%dma_wait3A_273 : memref<128x256xi32, #tpu.memory_space<vmem>>)
      %dma_wait3A_280 = arith.constant 1 : i32
      %dma_wait3A_281 = arith.constant 1 : i32
      %dma_wait3A_282 = arith.constant 128 : i32
      %dma_wait3A_283 = arith.constant 0 : i32
      %dma_wait3A_284 = tpu.memref_slice %arg6[%dma_wait3A_281, %dma_wait3A_282, %dma_wait3A_283] : memref<2x200x256xi32, #tpu.memory_space<vmem>> -> memref<1x72x256xi32, #tpu.memory_space<vmem>>
      %dma_wait3A_285 = tpu.memref_squeeze %dma_wait3A_284 : memref<1x72x256xi32, #tpu.memory_space<vmem>> -> memref<72x256xi32, #tpu.memory_space<vmem>>
      %dma_wait3A_286 = arith.constant 128 : i32
      %dma_wait3A_287 = tpu.memref_slice %arg5[%dma_wait3A_280, %dma_wait3A_286] : memref<2x200xi32, #tpu.memory_space<vmem>> -> memref<1x72xi32, #tpu.memory_space<vmem>>
      %dma_wait3A_288 = tpu.memref_squeeze %dma_wait3A_287 : memref<1x72xi32, #tpu.memory_space<vmem>> -> memref<72xi32, #tpu.memory_space<vmem>>
      %dma_wait3A_289 = arith.constant 0 : i32
      %dma_wait3A_290 = arith.constant 0 : i32
      %dma_wait3A_291 = tpu.memref_slice %arg2[%dma_wait3A_289, %dma_wait3A_290] : memref<100000x256xi32, #tpu.memory_space<hbm>> -> memref<100000x256xi32, #tpu.memory_space<hbm>>
      tpu.wait_indirect_dma semaphore(%arg9 : memref<!tpu.dma_semaphore, #tpu.memory_space<semaphore_mem>>) src(%dma_wait3A_291 : memref<100000x256xi32, #tpu.memory_space<hbm>>) dst(%dma_wait3A_285 : memref<72x256xi32, #tpu.memory_space<vmem>>)
      %broadcast_in_dim3A_292 = arith.constant 0.000000e+00 : f32
      %broadcast_in_dim3A_293 = vector.broadcast %broadcast_in_dim3A_292 : f32 to vector<16xf32>
      %scan3A_294 = arith.constant 1 : i32
      %scan3A_295 = arith.constant 0 : i32
      %scan3A_296 = arith.constant 100 : i32
      %scan3A_297 = arith.addi %scan3A_295, %scan3A_296 : i32
      %scan3A_298 = arith.constant 2 : i32
      %scan3A_299:20 = scf.for %scan3A_438 = %scan3A_295 to %scan3A_297 step %scan3A_298 iter_args(%scan3A_439 = %broadcast_in_dim3A_293, %scan3A_440 = %broadcast_in_dim3A_293, %scan3A_441 = %broadcast_in_dim3A_293, %scan3A_442 = %broadcast_in_dim3A_293, %scan3A_443 = %broadcast_in_dim3A_293, %scan3A_444 = %broadcast_in_dim3A_293, %scan3A_445 = %broadcast_in_dim3A_293, %scan3A_446 = %broadcast_in_dim3A_293, %scan3A_447 = %broadcast_in_dim3A_293, %scan3A_448 = %broadcast_in_dim3A_293, %scan3A_449 = %broadcast_in_dim3A_293, %scan3A_450 = %broadcast_in_dim3A_293, %scan3A_451 = %broadcast_in_dim3A_293, %scan3A_452 = %broadcast_in_dim3A_293, %scan3A_453 = %broadcast_in_dim3A_293, %scan3A_454 = %broadcast_in_dim3A_293, %scan3A_455 = %broadcast_in_dim3A_293, %scan3A_456 = %broadcast_in_dim3A_293, %scan3A_457 = %broadcast_in_dim3A_293, %scan3A_458 = %broadcast_in_dim3A_293) -> (vector<16xf32>, vector<16xf32>, vector<16xf32>, vector<16xf32>, vector<16xf32>, vector<16xf32>, vector<16xf32>, vector<16xf32>, vector<16xf32>, vector<16xf32>, vector<16xf32>, vector<16xf32>, vector<16xf32>, vector<16xf32>, vector<16xf32>, vector<16xf32>, vector<16xf32>, vector<16xf32>, vector<16xf32>, vector<16xf32>)  : i32 {
        %mul3A_459 = arith.constant 2 : i32
        %mul3A_460 = arith.muli %mul3A_459, %scan3A_438 : i32
        %get3A = arith.constant 0 : i32
        %get3A_461 = arith.constant 0 : i32
        %get3A_462 = tpu.memref_slice %arg6[%scan3A_294, %get3A, %get3A_461] : memref<2x200x256xi32, #tpu.memory_space<vmem>> -> memref<1x200x256xi32, #tpu.memory_space<vmem>>
        %get3A_463 = tpu.memref_squeeze %get3A_462 : memref<1x200x256xi32, #tpu.memory_space<vmem>> -> memref<200x256xi32, #tpu.memory_space<vmem>>
        %get3A_464 = arith.index_cast %mul3A_460 : i32 to index
        %get3A_465 = arith.constant 0 : index
        %get3A_466 = tpu.vector_load %get3A_463[%get3A_464, %get3A_465] {strides = array<i32>} : memref<200x256xi32, #tpu.memory_space<vmem>>, vector<16xi32>,
        %mul3A_467 = arith.constant 2 : i32
        %mul3A_468 = arith.muli %mul3A_467, %scan3A_438 : i32
        %add3A_469 = arith.constant 1 : i32
        %add3A_470 = arith.addi %mul3A_468, %add3A_469 : i32
        %get3A_471 = arith.constant 0 : i32
        %get3A_472 = arith.constant 0 : i32
        %get3A_473 = tpu.memref_slice %arg6[%scan3A_294, %get3A_471, %get3A_472] : memref<2x200x256xi32, #tpu.memory_space<vmem>> -> memref<1x200x256xi32, #tpu.memory_space<vmem>>
        %get3A_474 = tpu.memref_squeeze %get3A_473 : memref<1x200x256xi32, #tpu.memory_space<vmem>> -> memref<200x256xi32, #tpu.memory_space<vmem>>
        %get3A_475 = arith.index_cast %add3A_470 : i32 to index
        %get3A_476 = arith.constant 0 : index
        %get3A_477 = tpu.vector_load %get3A_474[%get3A_475, %get3A_476] {strides = array<i32>} : memref<200x256xi32, #tpu.memory_space<vmem>>, vector<16xi32>,
        %bitcast3A = vector.bitcast %get3A_466 : vector<16xi32> to vector<32xbf16>
        %bitcast3A_478 = vector.bitcast %get3A_477 : vector<16xi32> to vector<32xbf16>
        %add3A_479 = arith.addf %bitcast3A, %bitcast3A_478 : vector<32xbf16>
        %bitcast3A_480 = vector.bitcast %add3A_479 : vector<32xbf16> to vector<16xi32>
        %shift_left3A = arith.constant 16 : i32
        %shift_left3A_481 = vector.broadcast %shift_left3A : i32 to vector<16xi32>
        %shift_left3A_482 = arith.shli %bitcast3A_480, %shift_left3A_481 : vector<16xi32>
        %bitcast3A_483 = vector.bitcast %shift_left3A_482 : vector<16xi32> to vector<16xf32>
        %and3A = arith.andi %bitcast3A_480, %broadcast_in_dim3A_3 : vector<16xi32>
        %bitcast3A_484 = vector.bitcast %and3A : vector<16xi32> to vector<16xf32>
        %add3A_485 = arith.addf %scan3A_439, %bitcast3A_483 : vector<16xf32>
        %add3A_486 = arith.addf %scan3A_440, %bitcast3A_484 : vector<16xf32>
        %mul3A_487 = arith.constant 2 : i32
        %mul3A_488 = arith.muli %mul3A_487, %scan3A_438 : i32
        %get3A_489 = arith.constant 0 : i32
        %get3A_490 = arith.constant 0 : i32
        %get3A_491 = tpu.memref_slice %arg6[%scan3A_294, %get3A_489, %get3A_490] : memref<2x200x256xi32, #tpu.memory_space<vmem>> -> memref<1x200x256xi32, #tpu.memory_space<vmem>>
        %get3A_492 = tpu.memref_squeeze %get3A_491 : memref<1x200x256xi32, #tpu.memory_space<vmem>> -> memref<200x256xi32, #tpu.memory_space<vmem>>
        %get3A_493 = arith.index_cast %mul3A_488 : i32 to index
        %get3A_494 = arith.constant 16 : index
        %get3A_495 = tpu.vector_load %get3A_492[%get3A_493, %get3A_494] {strides = array<i32>} : memref<200x256xi32, #tpu.memory_space<vmem>>, vector<16xi32>,
        %mul3A_496 = arith.constant 2 : i32
        %mul3A_497 = arith.muli %mul3A_496, %scan3A_438 : i32
        %add3A_498 = arith.constant 1 : i32
        %add3A_499 = arith.addi %mul3A_497, %add3A_498 : i32
        %get3A_500 = arith.constant 0 : i32
        %get3A_501 = arith.constant 0 : i32
        %get3A_502 = tpu.memref_slice %arg6[%scan3A_294, %get3A_500, %get3A_501] : memref<2x200x256xi32, #tpu.memory_space<vmem>> -> memref<1x200x256xi32, #tpu.memory_space<vmem>>
        %get3A_503 = tpu.memref_squeeze %get3A_502 : memref<1x200x256xi32, #tpu.memory_space<vmem>> -> memref<200x256xi32, #tpu.memory_space<vmem>>
        %get3A_504 = arith.index_cast %add3A_499 : i32 to index
        %get3A_505 = arith.constant 16 : index
        %get3A_506 = tpu.vector_load %get3A_503[%get3A_504, %get3A_505] {strides = array<i32>} : memref<200x256xi32, #tpu.memory_space<vmem>>, vector<16xi32>,
        %bitcast3A_507 = vector.bitcast %get3A_495 : vector<16xi32> to vector<32xbf16>
        %bitcast3A_508 = vector.bitcast %get3A_506 : vector<16xi32> to vector<32xbf16>
        %add3A_509 = arith.addf %bitcast3A_507, %bitcast3A_508 : vector<32xbf16>
        %bitcast3A_510 = vector.bitcast %add3A_509 : vector<32xbf16> to vector<16xi32>
        %shift_left3A_511 = arith.constant 16 : i32
        %shift_left3A_512 = vector.broadcast %shift_left3A_511 : i32 to vector<16xi32>
        %shift_left3A_513 = arith.shli %bitcast3A_510, %shift_left3A_512 : vector<16xi32>
        %bitcast3A_514 = vector.bitcast %shift_left3A_513 : vector<16xi32> to vector<16xf32>
        %and3A_515 = arith.andi %bitcast3A_510, %broadcast_in_dim3A_3 : vector<16xi32>
        %bitcast3A_516 = vector.bitcast %and3A_515 : vector<16xi32> to vector<16xf32>
        %add3A_517 = arith.addf %scan3A_441, %bitcast3A_514 : vector<16xf32>
        %add3A_518 = arith.addf %scan3A_442, %bitcast3A_516 : vector<16xf32>
        %mul3A_519 = arith.constant 2 : i32
        %mul3A_520 = arith.muli %mul3A_519, %scan3A_438 : i32
        %get3A_521 = arith.constant 0 : i32
        %get3A_522 = arith.constant 0 : i32
        %get3A_523 = tpu.memref_slice %arg6[%scan3A_294, %get3A_521, %get3A_522] : memref<2x200x256xi32, #tpu.memory_space<vmem>> -> memref<1x200x256xi32, #tpu.memory_space<vmem>>
        %get3A_524 = tpu.memref_squeeze %get3A_523 : memref<1x200x256xi32, #tpu.memory_space<vmem>> -> memref<200x256xi32, #tpu.memory_space<vmem>>
        %get3A_525 = arith.index_cast %mul3A_520 : i32 to index
        %get3A_526 = arith.constant 32 : index
        %get3A_527 = tpu.vector_load %get3A_524[%get3A_525, %get3A_526] {strides = array<i32>} : memref<200x256xi32, #tpu.memory_space<vmem>>, vector<16xi32>,
        %mul3A_528 = arith.constant 2 : i32
        %mul3A_529 = arith.muli %mul3A_528, %scan3A_438 : i32
        %add3A_530 = arith.constant 1 : i32
        %add3A_531 = arith.addi %mul3A_529, %add3A_530 : i32
        %get3A_532 = arith.constant 0 : i32
        %get3A_533 = arith.constant 0 : i32
        %get3A_534 = tpu.memref_slice %arg6[%scan3A_294, %get3A_532, %get3A_533] : memref<2x200x256xi32, #tpu.memory_space<vmem>> -> memref<1x200x256xi32, #tpu.memory_space<vmem>>
        %get3A_535 = tpu.memref_squeeze %get3A_534 : memref<1x200x256xi32, #tpu.memory_space<vmem>> -> memref<200x256xi32, #tpu.memory_space<vmem>>
        %get3A_536 = arith.index_cast %add3A_531 : i32 to index
        %get3A_537 = arith.constant 32 : index
        %get3A_538 = tpu.vector_load %get3A_535[%get3A_536, %get3A_537] {strides = array<i32>} : memref<200x256xi32, #tpu.memory_space<vmem>>, vector<16xi32>,
        %bitcast3A_539 = vector.bitcast %get3A_527 : vector<16xi32> to vector<32xbf16>
        %bitcast3A_540 = vector.bitcast %get3A_538 : vector<16xi32> to vector<32xbf16>
        %add3A_541 = arith.addf %bitcast3A_539, %bitcast3A_540 : vector<32xbf16>
        %bitcast3A_542 = vector.bitcast %add3A_541 : vector<32xbf16> to vector<16xi32>
        %shift_left3A_543 = arith.constant 16 : i32
        %shift_left3A_544 = vector.broadcast %shift_left3A_543 : i32 to vector<16xi32>
        %shift_left3A_545 = arith.shli %bitcast3A_542, %shift_left3A_544 : vector<16xi32>
        %bitcast3A_546 = vector.bitcast %shift_left3A_545 : vector<16xi32> to vector<16xf32>
        %and3A_547 = arith.andi %bitcast3A_542, %broadcast_in_dim3A_3 : vector<16xi32>
        %bitcast3A_548 = vector.bitcast %and3A_547 : vector<16xi32> to vector<16xf32>
        %add3A_549 = arith.addf %scan3A_443, %bitcast3A_546 : vector<16xf32>
        %add3A_550 = arith.addf %scan3A_444, %bitcast3A_548 : vector<16xf32>
        %mul3A_551 = arith.constant 2 : i32
        %mul3A_552 = arith.muli %mul3A_551, %scan3A_438 : i32
        %get3A_553 = arith.constant 0 : i32
        %get3A_554 = arith.constant 0 : i32
        %get3A_555 = tpu.memref_slice %arg6[%scan3A_294, %get3A_553, %get3A_554] : memref<2x200x256xi32, #tpu.memory_space<vmem>> -> memref<1x200x256xi32, #tpu.memory_space<vmem>>
        %get3A_556 = tpu.memref_squeeze %get3A_555 : memref<1x200x256xi32, #tpu.memory_space<vmem>> -> memref<200x256xi32, #tpu.memory_space<vmem>>
        %get3A_557 = arith.index_cast %mul3A_552 : i32 to index
        %get3A_558 = arith.constant 48 : index
        %get3A_559 = tpu.vector_load %get3A_556[%get3A_557, %get3A_558] {strides = array<i32>} : memref<200x256xi32, #tpu.memory_space<vmem>>, vector<16xi32>,
        %mul3A_560 = arith.constant 2 : i32
        %mul3A_561 = arith.muli %mul3A_560, %scan3A_438 : i32
        %add3A_562 = arith.constant 1 : i32
        %add3A_563 = arith.addi %mul3A_561, %add3A_562 : i32
        %get3A_564 = arith.constant 0 : i32
        %get3A_565 = arith.constant 0 : i32
        %get3A_566 = tpu.memref_slice %arg6[%scan3A_294, %get3A_564, %get3A_565] : memref<2x200x256xi32, #tpu.memory_space<vmem>> -> memref<1x200x256xi32, #tpu.memory_space<vmem>>
        %get3A_567 = tpu.memref_squeeze %get3A_566 : memref<1x200x256xi32, #tpu.memory_space<vmem>> -> memref<200x256xi32, #tpu.memory_space<vmem>>
        %get3A_568 = arith.index_cast %add3A_563 : i32 to index
        %get3A_569 = arith.constant 48 : index
        %get3A_570 = tpu.vector_load %get3A_567[%get3A_568, %get3A_569] {strides = array<i32>} : memref<200x256xi32, #tpu.memory_space<vmem>>, vector<16xi32>,
        %bitcast3A_571 = vector.bitcast %get3A_559 : vector<16xi32> to vector<32xbf16>
        %bitcast3A_572 = vector.bitcast %get3A_570 : vector<16xi32> to vector<32xbf16>
        %add3A_573 = arith.addf %bitcast3A_571, %bitcast3A_572 : vector<32xbf16>
        %bitcast3A_574 = vector.bitcast %add3A_573 : vector<32xbf16> to vector<16xi32>
        %shift_left3A_575 = arith.constant 16 : i32
        %shift_left3A_576 = vector.broadcast %shift_left3A_575 : i32 to vector<16xi32>
        %shift_left3A_577 = arith.shli %bitcast3A_574, %shift_left3A_576 : vector<16xi32>
        %bitcast3A_578 = vector.bitcast %shift_left3A_577 : vector<16xi32> to vector<16xf32>
        %and3A_579 = arith.andi %bitcast3A_574, %broadcast_in_dim3A_3 : vector<16xi32>
        %bitcast3A_580 = vector.bitcast %and3A_579 : vector<16xi32> to vector<16xf32>
        %add3A_581 = arith.addf %scan3A_445, %bitcast3A_578 : vector<16xf32>
        %add3A_582 = arith.addf %scan3A_446, %bitcast3A_580 : vector<16xf32>
        %mul3A_583 = arith.constant 2 : i32
        %mul3A_584 = arith.muli %mul3A_583, %scan3A_438 : i32
        %get3A_585 = arith.constant 0 : i32
        %get3A_586 = arith.constant 0 : i32
        %get3A_587 = tpu.memref_slice %arg6[%scan3A_294, %get3A_585, %get3A_586] : memref<2x200x256xi32, #tpu.memory_space<vmem>> -> memref<1x200x256xi32, #tpu.memory_space<vmem>>
        %get3A_588 = tpu.memref_squeeze %get3A_587 : memref<1x200x256xi32, #tpu.memory_space<vmem>> -> memref<200x256xi32, #tpu.memory_space<vmem>>
        %get3A_589 = arith.index_cast %mul3A_584 : i32 to index
        %get3A_590 = arith.constant 64 : index
        %get3A_591 = tpu.vector_load %get3A_588[%get3A_589, %get3A_590] {strides = array<i32>} : memref<200x256xi32, #tpu.memory_space<vmem>>, vector<16xi32>,
        %mul3A_592 = arith.constant 2 : i32
        %mul3A_593 = arith.muli %mul3A_592, %scan3A_438 : i32
        %add3A_594 = arith.constant 1 : i32
        %add3A_595 = arith.addi %mul3A_593, %add3A_594 : i32
        %get3A_596 = arith.constant 0 : i32
        %get3A_597 = arith.constant 0 : i32
        %get3A_598 = tpu.memref_slice %arg6[%scan3A_294, %get3A_596, %get3A_597] : memref<2x200x256xi32, #tpu.memory_space<vmem>> -> memref<1x200x256xi32, #tpu.memory_space<vmem>>
        %get3A_599 = tpu.memref_squeeze %get3A_598 : memref<1x200x256xi32, #tpu.memory_space<vmem>> -> memref<200x256xi32, #tpu.memory_space<vmem>>
        %get3A_600 = arith.index_cast %add3A_595 : i32 to index
        %get3A_601 = arith.constant 64 : index
        %get3A_602 = tpu.vector_load %get3A_599[%get3A_600, %get3A_601] {strides = array<i32>} : memref<200x256xi32, #tpu.memory_space<vmem>>, vector<16xi32>,
        %bitcast3A_603 = vector.bitcast %get3A_591 : vector<16xi32> to vector<32xbf16>
        %bitcast3A_604 = vector.bitcast %get3A_602 : vector<16xi32> to vector<32xbf16>
        %add3A_605 = arith.addf %bitcast3A_603, %bitcast3A_604 : vector<32xbf16>
        %bitcast3A_606 = vector.bitcast %add3A_605 : vector<32xbf16> to vector<16xi32>
        %shift_left3A_607 = arith.constant 16 : i32
        %shift_left3A_608 = vector.broadcast %shift_left3A_607 : i32 to vector<16xi32>
        %shift_left3A_609 = arith.shli %bitcast3A_606, %shift_left3A_608 : vector<16xi32>
        %bitcast3A_610 = vector.bitcast %shift_left3A_609 : vector<16xi32> to vector<16xf32>
        %and3A_611 = arith.andi %bitcast3A_606, %broadcast_in_dim3A_3 : vector<16xi32>
        %bitcast3A_612 = vector.bitcast %and3A_611 : vector<16xi32> to vector<16xf32>
        %add3A_613 = arith.addf %scan3A_447, %bitcast3A_610 : vector<16xf32>
        %add3A_614 = arith.addf %scan3A_448, %bitcast3A_612 : vector<16xf32>
        %mul3A_615 = arith.constant 2 : i32
        %mul3A_616 = arith.muli %mul3A_615, %scan3A_438 : i32
        %get3A_617 = arith.constant 0 : i32
        %get3A_618 = arith.constant 0 : i32
        %get3A_619 = tpu.memref_slice %arg6[%scan3A_294, %get3A_617, %get3A_618] : memref<2x200x256xi32, #tpu.memory_space<vmem>> -> memref<1x200x256xi32, #tpu.memory_space<vmem>>
        %get3A_620 = tpu.memref_squeeze %get3A_619 : memref<1x200x256xi32, #tpu.memory_space<vmem>> -> memref<200x256xi32, #tpu.memory_space<vmem>>
        %get3A_621 = arith.index_cast %mul3A_616 : i32 to index
        %get3A_622 = arith.constant 80 : index
        %get3A_623 = tpu.vector_load %get3A_620[%get3A_621, %get3A_622] {strides = array<i32>} : memref<200x256xi32, #tpu.memory_space<vmem>>, vector<16xi32>,
        %mul3A_624 = arith.constant 2 : i32
        %mul3A_625 = arith.muli %mul3A_624, %scan3A_438 : i32
        %add3A_626 = arith.constant 1 : i32
        %add3A_627 = arith.addi %mul3A_625, %add3A_626 : i32
        %get3A_628 = arith.constant 0 : i32
        %get3A_629 = arith.constant 0 : i32
        %get3A_630 = tpu.memref_slice %arg6[%scan3A_294, %get3A_628, %get3A_629] : memref<2x200x256xi32, #tpu.memory_space<vmem>> -> memref<1x200x256xi32, #tpu.memory_space<vmem>>
        %get3A_631 = tpu.memref_squeeze %get3A_630 : memref<1x200x256xi32, #tpu.memory_space<vmem>> -> memref<200x256xi32, #tpu.memory_space<vmem>>
        %get3A_632 = arith.index_cast %add3A_627 : i32 to index
        %get3A_633 = arith.constant 80 : index
        %get3A_634 = tpu.vector_load %get3A_631[%get3A_632, %get3A_633] {strides = array<i32>} : memref<200x256xi32, #tpu.memory_space<vmem>>, vector<16xi32>,
        %bitcast3A_635 = vector.bitcast %get3A_623 : vector<16xi32> to vector<32xbf16>
        %bitcast3A_636 = vector.bitcast %get3A_634 : vector<16xi32> to vector<32xbf16>
        %add3A_637 = arith.addf %bitcast3A_635, %bitcast3A_636 : vector<32xbf16>
        %bitcast3A_638 = vector.bitcast %add3A_637 : vector<32xbf16> to vector<16xi32>
        %shift_left3A_639 = arith.constant 16 : i32
        %shift_left3A_640 = vector.broadcast %shift_left3A_639 : i32 to vector<16xi32>
        %shift_left3A_641 = arith.shli %bitcast3A_638, %shift_left3A_640 : vector<16xi32>
        %bitcast3A_642 = vector.bitcast %shift_left3A_641 : vector<16xi32> to vector<16xf32>
        %and3A_643 = arith.andi %bitcast3A_638, %broadcast_in_dim3A_3 : vector<16xi32>
        %bitcast3A_644 = vector.bitcast %and3A_643 : vector<16xi32> to vector<16xf32>
        %add3A_645 = arith.addf %scan3A_449, %bitcast3A_642 : vector<16xf32>
        %add3A_646 = arith.addf %scan3A_450, %bitcast3A_644 : vector<16xf32>
        %mul3A_647 = arith.constant 2 : i32
        %mul3A_648 = arith.muli %mul3A_647, %scan3A_438 : i32
        %get3A_649 = arith.constant 0 : i32
        %get3A_650 = arith.constant 0 : i32
        %get3A_651 = tpu.memref_slice %arg6[%scan3A_294, %get3A_649, %get3A_650] : memref<2x200x256xi32, #tpu.memory_space<vmem>> -> memref<1x200x256xi32, #tpu.memory_space<vmem>>
        %get3A_652 = tpu.memref_squeeze %get3A_651 : memref<1x200x256xi32, #tpu.memory_space<vmem>> -> memref<200x256xi32, #tpu.memory_space<vmem>>
        %get3A_653 = arith.index_cast %mul3A_648 : i32 to index
        %get3A_654 = arith.constant 96 : index
        %get3A_655 = tpu.vector_load %get3A_652[%get3A_653, %get3A_654] {strides = array<i32>} : memref<200x256xi32, #tpu.memory_space<vmem>>, vector<16xi32>,
        %mul3A_656 = arith.constant 2 : i32
        %mul3A_657 = arith.muli %mul3A_656, %scan3A_438 : i32
        %add3A_658 = arith.constant 1 : i32
        %add3A_659 = arith.addi %mul3A_657, %add3A_658 : i32
        %get3A_660 = arith.constant 0 : i32
        %get3A_661 = arith.constant 0 : i32
        %get3A_662 = tpu.memref_slice %arg6[%scan3A_294, %get3A_660, %get3A_661] : memref<2x200x256xi32, #tpu.memory_space<vmem>> -> memref<1x200x256xi32, #tpu.memory_space<vmem>>
        %get3A_663 = tpu.memref_squeeze %get3A_662 : memref<1x200x256xi32, #tpu.memory_space<vmem>> -> memref<200x256xi32, #tpu.memory_space<vmem>>
        %get3A_664 = arith.index_cast %add3A_659 : i32 to index
        %get3A_665 = arith.constant 96 : index
        %get3A_666 = tpu.vector_load %get3A_663[%get3A_664, %get3A_665] {strides = array<i32>} : memref<200x256xi32, #tpu.memory_space<vmem>>, vector<16xi32>,
        %bitcast3A_667 = vector.bitcast %get3A_655 : vector<16xi32> to vector<32xbf16>
        %bitcast3A_668 = vector.bitcast %get3A_666 : vector<16xi32> to vector<32xbf16>
        %add3A_669 = arith.addf %bitcast3A_667, %bitcast3A_668 : vector<32xbf16>
        %bitcast3A_670 = vector.bitcast %add3A_669 : vector<32xbf16> to vector<16xi32>
        %shift_left3A_671 = arith.constant 16 : i32
        %shift_left3A_672 = vector.broadcast %shift_left3A_671 : i32 to vector<16xi32>
        %shift_left3A_673 = arith.shli %bitcast3A_670, %shift_left3A_672 : vector<16xi32>
        %bitcast3A_674 = vector.bitcast %shift_left3A_673 : vector<16xi32> to vector<16xf32>
        %and3A_675 = arith.andi %bitcast3A_670, %broadcast_in_dim3A_3 : vector<16xi32>
        %bitcast3A_676 = vector.bitcast %and3A_675 : vector<16xi32> to vector<16xf32>
        %add3A_677 = arith.addf %scan3A_451, %bitcast3A_674 : vector<16xf32>
        %add3A_678 = arith.addf %scan3A_452, %bitcast3A_676 : vector<16xf32>
        %mul3A_679 = arith.constant 2 : i32
        %mul3A_680 = arith.muli %mul3A_679, %scan3A_438 : i32
        %get3A_681 = arith.constant 0 : i32
        %get3A_682 = arith.constant 0 : i32
        %get3A_683 = tpu.memref_slice %arg6[%scan3A_294, %get3A_681, %get3A_682] : memref<2x200x256xi32, #tpu.memory_space<vmem>> -> memref<1x200x256xi32, #tpu.memory_space<vmem>>
        %get3A_684 = tpu.memref_squeeze %get3A_683 : memref<1x200x256xi32, #tpu.memory_space<vmem>> -> memref<200x256xi32, #tpu.memory_space<vmem>>
        %get3A_685 = arith.index_cast %mul3A_680 : i32 to index
        %get3A_686 = arith.constant 112 : index
        %get3A_687 = tpu.vector_load %get3A_684[%get3A_685, %get3A_686] {strides = array<i32>} : memref<200x256xi32, #tpu.memory_space<vmem>>, vector<16xi32>,
        %mul3A_688 = arith.constant 2 : i32
        %mul3A_689 = arith.muli %mul3A_688, %scan3A_438 : i32
        %add3A_690 = arith.constant 1 : i32
        %add3A_691 = arith.addi %mul3A_689, %add3A_690 : i32
        %get3A_692 = arith.constant 0 : i32
        %get3A_693 = arith.constant 0 : i32
        %get3A_694 = tpu.memref_slice %arg6[%scan3A_294, %get3A_692, %get3A_693] : memref<2x200x256xi32, #tpu.memory_space<vmem>> -> memref<1x200x256xi32, #tpu.memory_space<vmem>>
        %get3A_695 = tpu.memref_squeeze %get3A_694 : memref<1x200x256xi32, #tpu.memory_space<vmem>> -> memref<200x256xi32, #tpu.memory_space<vmem>>
        %get3A_696 = arith.index_cast %add3A_691 : i32 to index
        %get3A_697 = arith.constant 112 : index
        %get3A_698 = tpu.vector_load %get3A_695[%get3A_696, %get3A_697] {strides = array<i32>} : memref<200x256xi32, #tpu.memory_space<vmem>>, vector<16xi32>,
        %bitcast3A_699 = vector.bitcast %get3A_687 : vector<16xi32> to vector<32xbf16>
        %bitcast3A_700 = vector.bitcast %get3A_698 : vector<16xi32> to vector<32xbf16>
        %add3A_701 = arith.addf %bitcast3A_699, %bitcast3A_700 : vector<32xbf16>
        %bitcast3A_702 = vector.bitcast %add3A_701 : vector<32xbf16> to vector<16xi32>
        %shift_left3A_703 = arith.constant 16 : i32
        %shift_left3A_704 = vector.broadcast %shift_left3A_703 : i32 to vector<16xi32>
        %shift_left3A_705 = arith.shli %bitcast3A_702, %shift_left3A_704 : vector<16xi32>
        %bitcast3A_706 = vector.bitcast %shift_left3A_705 : vector<16xi32> to vector<16xf32>
        %and3A_707 = arith.andi %bitcast3A_702, %broadcast_in_dim3A_3 : vector<16xi32>
        %bitcast3A_708 = vector.bitcast %and3A_707 : vector<16xi32> to vector<16xf32>
        %add3A_709 = arith.addf %scan3A_453, %bitcast3A_706 : vector<16xf32>
        %add3A_710 = arith.addf %scan3A_454, %bitcast3A_708 : vector<16xf32>
        %mul3A_711 = arith.constant 2 : i32
        %mul3A_712 = arith.muli %mul3A_711, %scan3A_438 : i32
        %get3A_713 = arith.constant 0 : i32
        %get3A_714 = arith.constant 0 : i32
        %get3A_715 = tpu.memref_slice %arg6[%scan3A_294, %get3A_713, %get3A_714] : memref<2x200x256xi32, #tpu.memory_space<vmem>> -> memref<1x200x256xi32, #tpu.memory_space<vmem>>
        %get3A_716 = tpu.memref_squeeze %get3A_715 : memref<1x200x256xi32, #tpu.memory_space<vmem>> -> memref<200x256xi32, #tpu.memory_space<vmem>>
        %get3A_717 = arith.index_cast %mul3A_712 : i32 to index
        %get3A_718 = arith.constant 128 : index
        %get3A_719 = tpu.vector_load %get3A_716[%get3A_717, %get3A_718] {strides = array<i32>} : memref<200x256xi32, #tpu.memory_space<vmem>>, vector<16xi32>,
        %mul3A_720 = arith.constant 2 : i32
        %mul3A_721 = arith.muli %mul3A_720, %scan3A_438 : i32
        %add3A_722 = arith.constant 1 : i32
        %add3A_723 = arith.addi %mul3A_721, %add3A_722 : i32
        %get3A_724 = arith.constant 0 : i32
        %get3A_725 = arith.constant 0 : i32
        %get3A_726 = tpu.memref_slice %arg6[%scan3A_294, %get3A_724, %get3A_725] : memref<2x200x256xi32, #tpu.memory_space<vmem>> -> memref<1x200x256xi32, #tpu.memory_space<vmem>>
        %get3A_727 = tpu.memref_squeeze %get3A_726 : memref<1x200x256xi32, #tpu.memory_space<vmem>> -> memref<200x256xi32, #tpu.memory_space<vmem>>
        %get3A_728 = arith.index_cast %add3A_723 : i32 to index
        %get3A_729 = arith.constant 128 : index
        %get3A_730 = tpu.vector_load %get3A_727[%get3A_728, %get3A_729] {strides = array<i32>} : memref<200x256xi32, #tpu.memory_space<vmem>>, vector<16xi32>,
        %bitcast3A_731 = vector.bitcast %get3A_719 : vector<16xi32> to vector<32xbf16>
        %bitcast3A_732 = vector.bitcast %get3A_730 : vector<16xi32> to vector<32xbf16>
        %add3A_733 = arith.addf %bitcast3A_731, %bitcast3A_732 : vector<32xbf16>
        %bitcast3A_734 = vector.bitcast %add3A_733 : vector<32xbf16> to vector<16xi32>
        %shift_left3A_735 = arith.constant 16 : i32
        %shift_left3A_736 = vector.broadcast %shift_left3A_735 : i32 to vector<16xi32>
        %shift_left3A_737 = arith.shli %bitcast3A_734, %shift_left3A_736 : vector<16xi32>
        %bitcast3A_738 = vector.bitcast %shift_left3A_737 : vector<16xi32> to vector<16xf32>
        %and3A_739 = arith.andi %bitcast3A_734, %broadcast_in_dim3A_3 : vector<16xi32>
        %bitcast3A_740 = vector.bitcast %and3A_739 : vector<16xi32> to vector<16xf32>
        %add3A_741 = arith.addf %scan3A_455, %bitcast3A_738 : vector<16xf32>
        %add3A_742 = arith.addf %scan3A_456, %bitcast3A_740 : vector<16xf32>
        %mul3A_743 = arith.constant 2 : i32
        %mul3A_744 = arith.muli %mul3A_743, %scan3A_438 : i32
        %get3A_745 = arith.constant 0 : i32
        %get3A_746 = arith.constant 0 : i32
        %get3A_747 = tpu.memref_slice %arg6[%scan3A_294, %get3A_745, %get3A_746] : memref<2x200x256xi32, #tpu.memory_space<vmem>> -> memref<1x200x256xi32, #tpu.memory_space<vmem>>
        %get3A_748 = tpu.memref_squeeze %get3A_747 : memref<1x200x256xi32, #tpu.memory_space<vmem>> -> memref<200x256xi32, #tpu.memory_space<vmem>>
        %get3A_749 = arith.index_cast %mul3A_744 : i32 to index
        %get3A_750 = arith.constant 144 : index
        %get3A_751 = tpu.vector_load %get3A_748[%get3A_749, %get3A_750] {strides = array<i32>} : memref<200x256xi32, #tpu.memory_space<vmem>>, vector<16xi32>,
        %mul3A_752 = arith.constant 2 : i32
        %mul3A_753 = arith.muli %mul3A_752, %scan3A_438 : i32
        %add3A_754 = arith.constant 1 : i32
        %add3A_755 = arith.addi %mul3A_753, %add3A_754 : i32
        %get3A_756 = arith.constant 0 : i32
        %get3A_757 = arith.constant 0 : i32
        %get3A_758 = tpu.memref_slice %arg6[%scan3A_294, %get3A_756, %get3A_757] : memref<2x200x256xi32, #tpu.memory_space<vmem>> -> memref<1x200x256xi32, #tpu.memory_space<vmem>>
        %get3A_759 = tpu.memref_squeeze %get3A_758 : memref<1x200x256xi32, #tpu.memory_space<vmem>> -> memref<200x256xi32, #tpu.memory_space<vmem>>
        %get3A_760 = arith.index_cast %add3A_755 : i32 to index
        %get3A_761 = arith.constant 144 : index
        %get3A_762 = tpu.vector_load %get3A_759[%get3A_760, %get3A_761] {strides = array<i32>} : memref<200x256xi32, #tpu.memory_space<vmem>>, vector<16xi32>,
        %bitcast3A_763 = vector.bitcast %get3A_751 : vector<16xi32> to vector<32xbf16>
        %bitcast3A_764 = vector.bitcast %get3A_762 : vector<16xi32> to vector<32xbf16>
        %add3A_765 = arith.addf %bitcast3A_763, %bitcast3A_764 : vector<32xbf16>
        %bitcast3A_766 = vector.bitcast %add3A_765 : vector<32xbf16> to vector<16xi32>
        %shift_left3A_767 = arith.constant 16 : i32
        %shift_left3A_768 = vector.broadcast %shift_left3A_767 : i32 to vector<16xi32>
        %shift_left3A_769 = arith.shli %bitcast3A_766, %shift_left3A_768 : vector<16xi32>
        %bitcast3A_770 = vector.bitcast %shift_left3A_769 : vector<16xi32> to vector<16xf32>
        %and3A_771 = arith.andi %bitcast3A_766, %broadcast_in_dim3A_3 : vector<16xi32>
        %bitcast3A_772 = vector.bitcast %and3A_771 : vector<16xi32> to vector<16xf32>
        %add3A_773 = arith.addf %scan3A_457, %bitcast3A_770 : vector<16xf32>
        %add3A_774 = arith.addf %scan3A_458, %bitcast3A_772 : vector<16xf32>
        %scan3A_775 = arith.constant 1 : i32
        %scan3A_776 = arith.addi %scan3A_438, %scan3A_775 : i32
        %mul3A_777 = arith.constant 2 : i32
        %mul3A_778 = arith.muli %mul3A_777, %scan3A_776 : i32
        %get3A_779 = arith.constant 0 : i32
        %get3A_780 = arith.constant 0 : i32
        %get3A_781 = tpu.memref_slice %arg6[%scan3A_294, %get3A_779, %get3A_780] : memref<2x200x256xi32, #tpu.memory_space<vmem>> -> memref<1x200x256xi32, #tpu.memory_space<vmem>>
        %get3A_782 = tpu.memref_squeeze %get3A_781 : memref<1x200x256xi32, #tpu.memory_space<vmem>> -> memref<200x256xi32, #tpu.memory_space<vmem>>
        %get3A_783 = arith.index_cast %mul3A_778 : i32 to index
        %get3A_784 = arith.constant 0 : index
        %get3A_785 = tpu.vector_load %get3A_782[%get3A_783, %get3A_784] {strides = array<i32>} : memref<200x256xi32, #tpu.memory_space<vmem>>, vector<16xi32>,
        %mul3A_786 = arith.constant 2 : i32
        %mul3A_787 = arith.muli %mul3A_786, %scan3A_776 : i32
        %add3A_788 = arith.constant 1 : i32
        %add3A_789 = arith.addi %mul3A_787, %add3A_788 : i32
        %get3A_790 = arith.constant 0 : i32
        %get3A_791 = arith.constant 0 : i32
        %get3A_792 = tpu.memref_slice %arg6[%scan3A_294, %get3A_790, %get3A_791] : memref<2x200x256xi32, #tpu.memory_space<vmem>> -> memref<1x200x256xi32, #tpu.memory_space<vmem>>
        %get3A_793 = tpu.memref_squeeze %get3A_792 : memref<1x200x256xi32, #tpu.memory_space<vmem>> -> memref<200x256xi32, #tpu.memory_space<vmem>>
        %get3A_794 = arith.index_cast %add3A_789 : i32 to index
        %get3A_795 = arith.constant 0 : index
        %get3A_796 = tpu.vector_load %get3A_793[%get3A_794, %get3A_795] {strides = array<i32>} : memref<200x256xi32, #tpu.memory_space<vmem>>, vector<16xi32>,
        %bitcast3A_797 = vector.bitcast %get3A_785 : vector<16xi32> to vector<32xbf16>
        %bitcast3A_798 = vector.bitcast %get3A_796 : vector<16xi32> to vector<32xbf16>
        %add3A_799 = arith.addf %bitcast3A_797, %bitcast3A_798 : vector<32xbf16>
        %bitcast3A_800 = vector.bitcast %add3A_799 : vector<32xbf16> to vector<16xi32>
        %shift_left3A_801 = arith.constant 16 : i32
        %shift_left3A_802 = vector.broadcast %shift_left3A_801 : i32 to vector<16xi32>
        %shift_left3A_803 = arith.shli %bitcast3A_800, %shift_left3A_802 : vector<16xi32>
        %bitcast3A_804 = vector.bitcast %shift_left3A_803 : vector<16xi32> to vector<16xf32>
        %and3A_805 = arith.andi %bitcast3A_800, %broadcast_in_dim3A_3 : vector<16xi32>
        %bitcast3A_806 = vector.bitcast %and3A_805 : vector<16xi32> to vector<16xf32>
        %add3A_807 = arith.addf %add3A_485, %bitcast3A_804 : vector<16xf32>
        %add3A_808 = arith.addf %add3A_486, %bitcast3A_806 : vector<16xf32>
        %mul3A_809 = arith.constant 2 : i32
        %mul3A_810 = arith.muli %mul3A_809, %scan3A_776 : i32
        %get3A_811 = arith.constant 0 : i32
        %get3A_812 = arith.constant 0 : i32
        %get3A_813 = tpu.memref_slice %arg6[%scan3A_294, %get3A_811, %get3A_812] : memref<2x200x256xi32, #tpu.memory_space<vmem>> -> memref<1x200x256xi32, #tpu.memory_space<vmem>>
        %get3A_814 = tpu.memref_squeeze %get3A_813 : memref<1x200x256xi32, #tpu.memory_space<vmem>> -> memref<200x256xi32, #tpu.memory_space<vmem>>
        %get3A_815 = arith.index_cast %mul3A_810 : i32 to index
        %get3A_816 = arith.constant 16 : index
        %get3A_817 = tpu.vector_load %get3A_814[%get3A_815, %get3A_816] {strides = array<i32>} : memref<200x256xi32, #tpu.memory_space<vmem>>, vector<16xi32>,
        %mul3A_818 = arith.constant 2 : i32
        %mul3A_819 = arith.muli %mul3A_818, %scan3A_776 : i32
        %add3A_820 = arith.constant 1 : i32
        %add3A_821 = arith.addi %mul3A_819, %add3A_820 : i32
        %get3A_822 = arith.constant 0 : i32
        %get3A_823 = arith.constant 0 : i32
        %get3A_824 = tpu.memref_slice %arg6[%scan3A_294, %get3A_822, %get3A_823] : memref<2x200x256xi32, #tpu.memory_space<vmem>> -> memref<1x200x256xi32, #tpu.memory_space<vmem>>
        %get3A_825 = tpu.memref_squeeze %get3A_824 : memref<1x200x256xi32, #tpu.memory_space<vmem>> -> memref<200x256xi32, #tpu.memory_space<vmem>>
        %get3A_826 = arith.index_cast %add3A_821 : i32 to index
        %get3A_827 = arith.constant 16 : index
        %get3A_828 = tpu.vector_load %get3A_825[%get3A_826, %get3A_827] {strides = array<i32>} : memref<200x256xi32, #tpu.memory_space<vmem>>, vector<16xi32>,
        %bitcast3A_829 = vector.bitcast %get3A_817 : vector<16xi32> to vector<32xbf16>
        %bitcast3A_830 = vector.bitcast %get3A_828 : vector<16xi32> to vector<32xbf16>
        %add3A_831 = arith.addf %bitcast3A_829, %bitcast3A_830 : vector<32xbf16>
        %bitcast3A_832 = vector.bitcast %add3A_831 : vector<32xbf16> to vector<16xi32>
        %shift_left3A_833 = arith.constant 16 : i32
        %shift_left3A_834 = vector.broadcast %shift_left3A_833 : i32 to vector<16xi32>
        %shift_left3A_835 = arith.shli %bitcast3A_832, %shift_left3A_834 : vector<16xi32>
        %bitcast3A_836 = vector.bitcast %shift_left3A_835 : vector<16xi32> to vector<16xf32>
        %and3A_837 = arith.andi %bitcast3A_832, %broadcast_in_dim3A_3 : vector<16xi32>
        %bitcast3A_838 = vector.bitcast %and3A_837 : vector<16xi32> to vector<16xf32>
        %add3A_839 = arith.addf %add3A_517, %bitcast3A_836 : vector<16xf32>
        %add3A_840 = arith.addf %add3A_518, %bitcast3A_838 : vector<16xf32>
        %mul3A_841 = arith.constant 2 : i32
        %mul3A_842 = arith.muli %mul3A_841, %scan3A_776 : i32
        %get3A_843 = arith.constant 0 : i32
        %get3A_844 = arith.constant 0 : i32
        %get3A_845 = tpu.memref_slice %arg6[%scan3A_294, %get3A_843, %get3A_844] : memref<2x200x256xi32, #tpu.memory_space<vmem>> -> memref<1x200x256xi32, #tpu.memory_space<vmem>>
        %get3A_846 = tpu.memref_squeeze %get3A_845 : memref<1x200x256xi32, #tpu.memory_space<vmem>> -> memref<200x256xi32, #tpu.memory_space<vmem>>
        %get3A_847 = arith.index_cast %mul3A_842 : i32 to index
        %get3A_848 = arith.constant 32 : index
        %get3A_849 = tpu.vector_load %get3A_846[%get3A_847, %get3A_848] {strides = array<i32>} : memref<200x256xi32, #tpu.memory_space<vmem>>, vector<16xi32>,
        %mul3A_850 = arith.constant 2 : i32
        %mul3A_851 = arith.muli %mul3A_850, %scan3A_776 : i32
        %add3A_852 = arith.constant 1 : i32
        %add3A_853 = arith.addi %mul3A_851, %add3A_852 : i32
        %get3A_854 = arith.constant 0 : i32
        %get3A_855 = arith.constant 0 : i32
        %get3A_856 = tpu.memref_slice %arg6[%scan3A_294, %get3A_854, %get3A_855] : memref<2x200x256xi32, #tpu.memory_space<vmem>> -> memref<1x200x256xi32, #tpu.memory_space<vmem>>
        %get3A_857 = tpu.memref_squeeze %get3A_856 : memref<1x200x256xi32, #tpu.memory_space<vmem>> -> memref<200x256xi32, #tpu.memory_space<vmem>>
        %get3A_858 = arith.index_cast %add3A_853 : i32 to index
        %get3A_859 = arith.constant 32 : index
        %get3A_860 = tpu.vector_load %get3A_857[%get3A_858, %get3A_859] {strides = array<i32>} : memref<200x256xi32, #tpu.memory_space<vmem>>, vector<16xi32>,
        %bitcast3A_861 = vector.bitcast %get3A_849 : vector<16xi32> to vector<32xbf16>
        %bitcast3A_862 = vector.bitcast %get3A_860 : vector<16xi32> to vector<32xbf16>
        %add3A_863 = arith.addf %bitcast3A_861, %bitcast3A_862 : vector<32xbf16>
        %bitcast3A_864 = vector.bitcast %add3A_863 : vector<32xbf16> to vector<16xi32>
        %shift_left3A_865 = arith.constant 16 : i32
        %shift_left3A_866 = vector.broadcast %shift_left3A_865 : i32 to vector<16xi32>
        %shift_left3A_867 = arith.shli %bitcast3A_864, %shift_left3A_866 : vector<16xi32>
        %bitcast3A_868 = vector.bitcast %shift_left3A_867 : vector<16xi32> to vector<16xf32>
        %and3A_869 = arith.andi %bitcast3A_864, %broadcast_in_dim3A_3 : vector<16xi32>
        %bitcast3A_870 = vector.bitcast %and3A_869 : vector<16xi32> to vector<16xf32>
        %add3A_871 = arith.addf %add3A_549, %bitcast3A_868 : vector<16xf32>
        %add3A_872 = arith.addf %add3A_550, %bitcast3A_870 : vector<16xf32>
        %mul3A_873 = arith.constant 2 : i32
        %mul3A_874 = arith.muli %mul3A_873, %scan3A_776 : i32
        %get3A_875 = arith.constant 0 : i32
        %get3A_876 = arith.constant 0 : i32
        %get3A_877 = tpu.memref_slice %arg6[%scan3A_294, %get3A_875, %get3A_876] : memref<2x200x256xi32, #tpu.memory_space<vmem>> -> memref<1x200x256xi32, #tpu.memory_space<vmem>>
        %get3A_878 = tpu.memref_squeeze %get3A_877 : memref<1x200x256xi32, #tpu.memory_space<vmem>> -> memref<200x256xi32, #tpu.memory_space<vmem>>
        %get3A_879 = arith.index_cast %mul3A_874 : i32 to index
        %get3A_880 = arith.constant 48 : index
        %get3A_881 = tpu.vector_load %get3A_878[%get3A_879, %get3A_880] {strides = array<i32>} : memref<200x256xi32, #tpu.memory_space<vmem>>, vector<16xi32>,
        %mul3A_882 = arith.constant 2 : i32
        %mul3A_883 = arith.muli %mul3A_882, %scan3A_776 : i32
        %add3A_884 = arith.constant 1 : i32
        %add3A_885 = arith.addi %mul3A_883, %add3A_884 : i32
        %get3A_886 = arith.constant 0 : i32
        %get3A_887 = arith.constant 0 : i32
        %get3A_888 = tpu.memref_slice %arg6[%scan3A_294, %get3A_886, %get3A_887] : memref<2x200x256xi32, #tpu.memory_space<vmem>> -> memref<1x200x256xi32, #tpu.memory_space<vmem>>
        %get3A_889 = tpu.memref_squeeze %get3A_888 : memref<1x200x256xi32, #tpu.memory_space<vmem>> -> memref<200x256xi32, #tpu.memory_space<vmem>>
        %get3A_890 = arith.index_cast %add3A_885 : i32 to index
        %get3A_891 = arith.constant 48 : index
        %get3A_892 = tpu.vector_load %get3A_889[%get3A_890, %get3A_891] {strides = array<i32>} : memref<200x256xi32, #tpu.memory_space<vmem>>, vector<16xi32>,
        %bitcast3A_893 = vector.bitcast %get3A_881 : vector<16xi32> to vector<32xbf16>
        %bitcast3A_894 = vector.bitcast %get3A_892 : vector<16xi32> to vector<32xbf16>
        %add3A_895 = arith.addf %bitcast3A_893, %bitcast3A_894 : vector<32xbf16>
        %bitcast3A_896 = vector.bitcast %add3A_895 : vector<32xbf16> to vector<16xi32>
        %shift_left3A_897 = arith.constant 16 : i32
        %shift_left3A_898 = vector.broadcast %shift_left3A_897 : i32 to vector<16xi32>
        %shift_left3A_899 = arith.shli %bitcast3A_896, %shift_left3A_898 : vector<16xi32>
        %bitcast3A_900 = vector.bitcast %shift_left3A_899 : vector<16xi32> to vector<16xf32>
        %and3A_901 = arith.andi %bitcast3A_896, %broadcast_in_dim3A_3 : vector<16xi32>
        %bitcast3A_902 = vector.bitcast %and3A_901 : vector<16xi32> to vector<16xf32>
        %add3A_903 = arith.addf %add3A_581, %bitcast3A_900 : vector<16xf32>
        %add3A_904 = arith.addf %add3A_582, %bitcast3A_902 : vector<16xf32>
        %mul3A_905 = arith.constant 2 : i32
        %mul3A_906 = arith.muli %mul3A_905, %scan3A_776 : i32
        %get3A_907 = arith.constant 0 : i32
        %get3A_908 = arith.constant 0 : i32
        %get3A_909 = tpu.memref_slice %arg6[%scan3A_294, %get3A_907, %get3A_908] : memref<2x200x256xi32, #tpu.memory_space<vmem>> -> memref<1x200x256xi32, #tpu.memory_space<vmem>>
        %get3A_910 = tpu.memref_squeeze %get3A_909 : memref<1x200x256xi32, #tpu.memory_space<vmem>> -> memref<200x256xi32, #tpu.memory_space<vmem>>
        %get3A_911 = arith.index_cast %mul3A_906 : i32 to index
        %get3A_912 = arith.constant 64 : index
        %get3A_913 = tpu.vector_load %get3A_910[%get3A_911, %get3A_912] {strides = array<i32>} : memref<200x256xi32, #tpu.memory_space<vmem>>, vector<16xi32>,
        %mul3A_914 = arith.constant 2 : i32
        %mul3A_915 = arith.muli %mul3A_914, %scan3A_776 : i32
        %add3A_916 = arith.constant 1 : i32
        %add3A_917 = arith.addi %mul3A_915, %add3A_916 : i32
        %get3A_918 = arith.constant 0 : i32
        %get3A_919 = arith.constant 0 : i32
        %get3A_920 = tpu.memref_slice %arg6[%scan3A_294, %get3A_918, %get3A_919] : memref<2x200x256xi32, #tpu.memory_space<vmem>> -> memref<1x200x256xi32, #tpu.memory_space<vmem>>
        %get3A_921 = tpu.memref_squeeze %get3A_920 : memref<1x200x256xi32, #tpu.memory_space<vmem>> -> memref<200x256xi32, #tpu.memory_space<vmem>>
        %get3A_922 = arith.index_cast %add3A_917 : i32 to index
        %get3A_923 = arith.constant 64 : index
        %get3A_924 = tpu.vector_load %get3A_921[%get3A_922, %get3A_923] {strides = array<i32>} : memref<200x256xi32, #tpu.memory_space<vmem>>, vector<16xi32>,
        %bitcast3A_925 = vector.bitcast %get3A_913 : vector<16xi32> to vector<32xbf16>
        %bitcast3A_926 = vector.bitcast %get3A_924 : vector<16xi32> to vector<32xbf16>
        %add3A_927 = arith.addf %bitcast3A_925, %bitcast3A_926 : vector<32xbf16>
        %bitcast3A_928 = vector.bitcast %add3A_927 : vector<32xbf16> to vector<16xi32>
        %shift_left3A_929 = arith.constant 16 : i32
        %shift_left3A_930 = vector.broadcast %shift_left3A_929 : i32 to vector<16xi32>
        %shift_left3A_931 = arith.shli %bitcast3A_928, %shift_left3A_930 : vector<16xi32>
        %bitcast3A_932 = vector.bitcast %shift_left3A_931 : vector<16xi32> to vector<16xf32>
        %and3A_933 = arith.andi %bitcast3A_928, %broadcast_in_dim3A_3 : vector<16xi32>
        %bitcast3A_934 = vector.bitcast %and3A_933 : vector<16xi32> to vector<16xf32>
        %add3A_935 = arith.addf %add3A_613, %bitcast3A_932 : vector<16xf32>
        %add3A_936 = arith.addf %add3A_614, %bitcast3A_934 : vector<16xf32>
        %mul3A_937 = arith.constant 2 : i32
        %mul3A_938 = arith.muli %mul3A_937, %scan3A_776 : i32
        %get3A_939 = arith.constant 0 : i32
        %get3A_940 = arith.constant 0 : i32
        %get3A_941 = tpu.memref_slice %arg6[%scan3A_294, %get3A_939, %get3A_940] : memref<2x200x256xi32, #tpu.memory_space<vmem>> -> memref<1x200x256xi32, #tpu.memory_space<vmem>>
        %get3A_942 = tpu.memref_squeeze %get3A_941 : memref<1x200x256xi32, #tpu.memory_space<vmem>> -> memref<200x256xi32, #tpu.memory_space<vmem>>
        %get3A_943 = arith.index_cast %mul3A_938 : i32 to index
        %get3A_944 = arith.constant 80 : index
        %get3A_945 = tpu.vector_load %get3A_942[%get3A_943, %get3A_944] {strides = array<i32>} : memref<200x256xi32, #tpu.memory_space<vmem>>, vector<16xi32>,
        %mul3A_946 = arith.constant 2 : i32
        %mul3A_947 = arith.muli %mul3A_946, %scan3A_776 : i32
        %add3A_948 = arith.constant 1 : i32
        %add3A_949 = arith.addi %mul3A_947, %add3A_948 : i32
        %get3A_950 = arith.constant 0 : i32
        %get3A_951 = arith.constant 0 : i32
        %get3A_952 = tpu.memref_slice %arg6[%scan3A_294, %get3A_950, %get3A_951] : memref<2x200x256xi32, #tpu.memory_space<vmem>> -> memref<1x200x256xi32, #tpu.memory_space<vmem>>
        %get3A_953 = tpu.memref_squeeze %get3A_952 : memref<1x200x256xi32, #tpu.memory_space<vmem>> -> memref<200x256xi32, #tpu.memory_space<vmem>>
        %get3A_954 = arith.index_cast %add3A_949 : i32 to index
        %get3A_955 = arith.constant 80 : index
        %get3A_956 = tpu.vector_load %get3A_953[%get3A_954, %get3A_955] {strides = array<i32>} : memref<200x256xi32, #tpu.memory_space<vmem>>, vector<16xi32>,
        %bitcast3A_957 = vector.bitcast %get3A_945 : vector<16xi32> to vector<32xbf16>
        %bitcast3A_958 = vector.bitcast %get3A_956 : vector<16xi32> to vector<32xbf16>
        %add3A_959 = arith.addf %bitcast3A_957, %bitcast3A_958 : vector<32xbf16>
        %bitcast3A_960 = vector.bitcast %add3A_959 : vector<32xbf16> to vector<16xi32>
        %shift_left3A_961 = arith.constant 16 : i32
        %shift_left3A_962 = vector.broadcast %shift_left3A_961 : i32 to vector<16xi32>
        %shift_left3A_963 = arith.shli %bitcast3A_960, %shift_left3A_962 : vector<16xi32>
        %bitcast3A_964 = vector.bitcast %shift_left3A_963 : vector<16xi32> to vector<16xf32>
        %and3A_965 = arith.andi %bitcast3A_960, %broadcast_in_dim3A_3 : vector<16xi32>
        %bitcast3A_966 = vector.bitcast %and3A_965 : vector<16xi32> to vector<16xf32>
        %add3A_967 = arith.addf %add3A_645, %bitcast3A_964 : vector<16xf32>
        %add3A_968 = arith.addf %add3A_646, %bitcast3A_966 : vector<16xf32>
        %mul3A_969 = arith.constant 2 : i32
        %mul3A_970 = arith.muli %mul3A_969, %scan3A_776 : i32
        %get3A_971 = arith.constant 0 : i32
        %get3A_972 = arith.constant 0 : i32
        %get3A_973 = tpu.memref_slice %arg6[%scan3A_294, %get3A_971, %get3A_972] : memref<2x200x256xi32, #tpu.memory_space<vmem>> -> memref<1x200x256xi32, #tpu.memory_space<vmem>>
        %get3A_974 = tpu.memref_squeeze %get3A_973 : memref<1x200x256xi32, #tpu.memory_space<vmem>> -> memref<200x256xi32, #tpu.memory_space<vmem>>
        %get3A_975 = arith.index_cast %mul3A_970 : i32 to index
        %get3A_976 = arith.constant 96 : index
        %get3A_977 = tpu.vector_load %get3A_974[%get3A_975, %get3A_976] {strides = array<i32>} : memref<200x256xi32, #tpu.memory_space<vmem>>, vector<16xi32>,
        %mul3A_978 = arith.constant 2 : i32
        %mul3A_979 = arith.muli %mul3A_978, %scan3A_776 : i32
        %add3A_980 = arith.constant 1 : i32
        %add3A_981 = arith.addi %mul3A_979, %add3A_980 : i32
        %get3A_982 = arith.constant 0 : i32
        %get3A_983 = arith.constant 0 : i32
        %get3A_984 = tpu.memref_slice %arg6[%scan3A_294, %get3A_982, %get3A_983] : memref<2x200x256xi32, #tpu.memory_space<vmem>> -> memref<1x200x256xi32, #tpu.memory_space<vmem>>
        %get3A_985 = tpu.memref_squeeze %get3A_984 : memref<1x200x256xi32, #tpu.memory_space<vmem>> -> memref<200x256xi32, #tpu.memory_space<vmem>>
        %get3A_986 = arith.index_cast %add3A_981 : i32 to index
        %get3A_987 = arith.constant 96 : index
        %get3A_988 = tpu.vector_load %get3A_985[%get3A_986, %get3A_987] {strides = array<i32>} : memref<200x256xi32, #tpu.memory_space<vmem>>, vector<16xi32>,
        %bitcast3A_989 = vector.bitcast %get3A_977 : vector<16xi32> to vector<32xbf16>
        %bitcast3A_990 = vector.bitcast %get3A_988 : vector<16xi32> to vector<32xbf16>
        %add3A_991 = arith.addf %bitcast3A_989, %bitcast3A_990 : vector<32xbf16>
        %bitcast3A_992 = vector.bitcast %add3A_991 : vector<32xbf16> to vector<16xi32>
        %shift_left3A_993 = arith.constant 16 : i32
        %shift_left3A_994 = vector.broadcast %shift_left3A_993 : i32 to vector<16xi32>
        %shift_left3A_995 = arith.shli %bitcast3A_992, %shift_left3A_994 : vector<16xi32>
        %bitcast3A_996 = vector.bitcast %shift_left3A_995 : vector<16xi32> to vector<16xf32>
        %and3A_997 = arith.andi %bitcast3A_992, %broadcast_in_dim3A_3 : vector<16xi32>
        %bitcast3A_998 = vector.bitcast %and3A_997 : vector<16xi32> to vector<16xf32>
        %add3A_999 = arith.addf %add3A_677, %bitcast3A_996 : vector<16xf32>
        %add3A_1000 = arith.addf %add3A_678, %bitcast3A_998 : vector<16xf32>
        %mul3A_1001 = arith.constant 2 : i32
        %mul3A_1002 = arith.muli %mul3A_1001, %scan3A_776 : i32
        %get3A_1003 = arith.constant 0 : i32
        %get3A_1004 = arith.constant 0 : i32
        %get3A_1005 = tpu.memref_slice %arg6[%scan3A_294, %get3A_1003, %get3A_1004] : memref<2x200x256xi32, #tpu.memory_space<vmem>> -> memref<1x200x256xi32, #tpu.memory_space<vmem>>
        %get3A_1006 = tpu.memref_squeeze %get3A_1005 : memref<1x200x256xi32, #tpu.memory_space<vmem>> -> memref<200x256xi32, #tpu.memory_space<vmem>>
        %get3A_1007 = arith.index_cast %mul3A_1002 : i32 to index
        %get3A_1008 = arith.constant 112 : index
        %get3A_1009 = tpu.vector_load %get3A_1006[%get3A_1007, %get3A_1008] {strides = array<i32>} : memref<200x256xi32, #tpu.memory_space<vmem>>, vector<16xi32>,
        %mul3A_1010 = arith.constant 2 : i32
        %mul3A_1011 = arith.muli %mul3A_1010, %scan3A_776 : i32
        %add3A_1012 = arith.constant 1 : i32
        %add3A_1013 = arith.addi %mul3A_1011, %add3A_1012 : i32
        %get3A_1014 = arith.constant 0 : i32
        %get3A_1015 = arith.constant 0 : i32
        %get3A_1016 = tpu.memref_slice %arg6[%scan3A_294, %get3A_1014, %get3A_1015] : memref<2x200x256xi32, #tpu.memory_space<vmem>> -> memref<1x200x256xi32, #tpu.memory_space<vmem>>
        %get3A_1017 = tpu.memref_squeeze %get3A_1016 : memref<1x200x256xi32, #tpu.memory_space<vmem>> -> memref<200x256xi32, #tpu.memory_space<vmem>>
        %get3A_1018 = arith.index_cast %add3A_1013 : i32 to index
        %get3A_1019 = arith.constant 112 : index
        %get3A_1020 = tpu.vector_load %get3A_1017[%get3A_1018, %get3A_1019] {strides = array<i32>} : memref<200x256xi32, #tpu.memory_space<vmem>>, vector<16xi32>,
        %bitcast3A_1021 = vector.bitcast %get3A_1009 : vector<16xi32> to vector<32xbf16>
        %bitcast3A_1022 = vector.bitcast %get3A_1020 : vector<16xi32> to vector<32xbf16>
        %add3A_1023 = arith.addf %bitcast3A_1021, %bitcast3A_1022 : vector<32xbf16>
        %bitcast3A_1024 = vector.bitcast %add3A_1023 : vector<32xbf16> to vector<16xi32>
        %shift_left3A_1025 = arith.constant 16 : i32
        %shift_left3A_1026 = vector.broadcast %shift_left3A_1025 : i32 to vector<16xi32>
        %shift_left3A_1027 = arith.shli %bitcast3A_1024, %shift_left3A_1026 : vector<16xi32>
        %bitcast3A_1028 = vector.bitcast %shift_left3A_1027 : vector<16xi32> to vector<16xf32>
        %and3A_1029 = arith.andi %bitcast3A_1024, %broadcast_in_dim3A_3 : vector<16xi32>
        %bitcast3A_1030 = vector.bitcast %and3A_1029 : vector<16xi32> to vector<16xf32>
        %add3A_1031 = arith.addf %add3A_709, %bitcast3A_1028 : vector<16xf32>
        %add3A_1032 = arith.addf %add3A_710, %bitcast3A_1030 : vector<16xf32>
        %mul3A_1033 = arith.constant 2 : i32
        %mul3A_1034 = arith.muli %mul3A_1033, %scan3A_776 : i32
        %get3A_1035 = arith.constant 0 : i32
        %get3A_1036 = arith.constant 0 : i32
        %get3A_1037 = tpu.memref_slice %arg6[%scan3A_294, %get3A_1035, %get3A_1036] : memref<2x200x256xi32, #tpu.memory_space<vmem>> -> memref<1x200x256xi32, #tpu.memory_space<vmem>>
        %get3A_1038 = tpu.memref_squeeze %get3A_1037 : memref<1x200x256xi32, #tpu.memory_space<vmem>> -> memref<200x256xi32, #tpu.memory_space<vmem>>
        %get3A_1039 = arith.index_cast %mul3A_1034 : i32 to index
        %get3A_1040 = arith.constant 128 : index
        %get3A_1041 = tpu.vector_load %get3A_1038[%get3A_1039, %get3A_1040] {strides = array<i32>} : memref<200x256xi32, #tpu.memory_space<vmem>>, vector<16xi32>,
        %mul3A_1042 = arith.constant 2 : i32
        %mul3A_1043 = arith.muli %mul3A_1042, %scan3A_776 : i32
        %add3A_1044 = arith.constant 1 : i32
        %add3A_1045 = arith.addi %mul3A_1043, %add3A_1044 : i32
        %get3A_1046 = arith.constant 0 : i32
        %get3A_1047 = arith.constant 0 : i32
        %get3A_1048 = tpu.memref_slice %arg6[%scan3A_294, %get3A_1046, %get3A_1047] : memref<2x200x256xi32, #tpu.memory_space<vmem>> -> memref<1x200x256xi32, #tpu.memory_space<vmem>>
        %get3A_1049 = tpu.memref_squeeze %get3A_1048 : memref<1x200x256xi32, #tpu.memory_space<vmem>> -> memref<200x256xi32, #tpu.memory_space<vmem>>
        %get3A_1050 = arith.index_cast %add3A_1045 : i32 to index
        %get3A_1051 = arith.constant 128 : index
        %get3A_1052 = tpu.vector_load %get3A_1049[%get3A_1050, %get3A_1051] {strides = array<i32>} : memref<200x256xi32, #tpu.memory_space<vmem>>, vector<16xi32>,
        %bitcast3A_1053 = vector.bitcast %get3A_1041 : vector<16xi32> to vector<32xbf16>
        %bitcast3A_1054 = vector.bitcast %get3A_1052 : vector<16xi32> to vector<32xbf16>
        %add3A_1055 = arith.addf %bitcast3A_1053, %bitcast3A_1054 : vector<32xbf16>
        %bitcast3A_1056 = vector.bitcast %add3A_1055 : vector<32xbf16> to vector<16xi32>
        %shift_left3A_1057 = arith.constant 16 : i32
        %shift_left3A_1058 = vector.broadcast %shift_left3A_1057 : i32 to vector<16xi32>
        %shift_left3A_1059 = arith.shli %bitcast3A_1056, %shift_left3A_1058 : vector<16xi32>
        %bitcast3A_1060 = vector.bitcast %shift_left3A_1059 : vector<16xi32> to vector<16xf32>
        %and3A_1061 = arith.andi %bitcast3A_1056, %broadcast_in_dim3A_3 : vector<16xi32>
        %bitcast3A_1062 = vector.bitcast %and3A_1061 : vector<16xi32> to vector<16xf32>
        %add3A_1063 = arith.addf %add3A_741, %bitcast3A_1060 : vector<16xf32>
        %add3A_1064 = arith.addf %add3A_742, %bitcast3A_1062 : vector<16xf32>
        %mul3A_1065 = arith.constant 2 : i32
        %mul3A_1066 = arith.muli %mul3A_1065, %scan3A_776 : i32
        %get3A_1067 = arith.constant 0 : i32
        %get3A_1068 = arith.constant 0 : i32
        %get3A_1069 = tpu.memref_slice %arg6[%scan3A_294, %get3A_1067, %get3A_1068] : memref<2x200x256xi32, #tpu.memory_space<vmem>> -> memref<1x200x256xi32, #tpu.memory_space<vmem>>
        %get3A_1070 = tpu.memref_squeeze %get3A_1069 : memref<1x200x256xi32, #tpu.memory_space<vmem>> -> memref<200x256xi32, #tpu.memory_space<vmem>>
        %get3A_1071 = arith.index_cast %mul3A_1066 : i32 to index
        %get3A_1072 = arith.constant 144 : index
        %get3A_1073 = tpu.vector_load %get3A_1070[%get3A_1071, %get3A_1072] {strides = array<i32>} : memref<200x256xi32, #tpu.memory_space<vmem>>, vector<16xi32>,
        %mul3A_1074 = arith.constant 2 : i32
        %mul3A_1075 = arith.muli %mul3A_1074, %scan3A_776 : i32
        %add3A_1076 = arith.constant 1 : i32
        %add3A_1077 = arith.addi %mul3A_1075, %add3A_1076 : i32
        %get3A_1078 = arith.constant 0 : i32
        %get3A_1079 = arith.constant 0 : i32
        %get3A_1080 = tpu.memref_slice %arg6[%scan3A_294, %get3A_1078, %get3A_1079] : memref<2x200x256xi32, #tpu.memory_space<vmem>> -> memref<1x200x256xi32, #tpu.memory_space<vmem>>
        %get3A_1081 = tpu.memref_squeeze %get3A_1080 : memref<1x200x256xi32, #tpu.memory_space<vmem>> -> memref<200x256xi32, #tpu.memory_space<vmem>>
        %get3A_1082 = arith.index_cast %add3A_1077 : i32 to index
        %get3A_1083 = arith.constant 144 : index
        %get3A_1084 = tpu.vector_load %get3A_1081[%get3A_1082, %get3A_1083] {strides = array<i32>} : memref<200x256xi32, #tpu.memory_space<vmem>>, vector<16xi32>,
        %bitcast3A_1085 = vector.bitcast %get3A_1073 : vector<16xi32> to vector<32xbf16>
        %bitcast3A_1086 = vector.bitcast %get3A_1084 : vector<16xi32> to vector<32xbf16>
        %add3A_1087 = arith.addf %bitcast3A_1085, %bitcast3A_1086 : vector<32xbf16>
        %bitcast3A_1088 = vector.bitcast %add3A_1087 : vector<32xbf16> to vector<16xi32>
        %shift_left3A_1089 = arith.constant 16 : i32
        %shift_left3A_1090 = vector.broadcast %shift_left3A_1089 : i32 to vector<16xi32>
        %shift_left3A_1091 = arith.shli %bitcast3A_1088, %shift_left3A_1090 : vector<16xi32>
        %bitcast3A_1092 = vector.bitcast %shift_left3A_1091 : vector<16xi32> to vector<16xf32>
        %and3A_1093 = arith.andi %bitcast3A_1088, %broadcast_in_dim3A_3 : vector<16xi32>
        %bitcast3A_1094 = vector.bitcast %and3A_1093 : vector<16xi32> to vector<16xf32>
        %add3A_1095 = arith.addf %add3A_773, %bitcast3A_1092 : vector<16xf32>
        %add3A_1096 = arith.addf %add3A_774, %bitcast3A_1094 : vector<16xf32>
        scf.yield %add3A_807, %add3A_808, %add3A_839, %add3A_840, %add3A_871, %add3A_872, %add3A_903, %add3A_904, %add3A_935, %add3A_936, %add3A_967, %add3A_968, %add3A_999, %add3A_1000, %add3A_1031, %add3A_1032, %add3A_1063, %add3A_1064, %add3A_1095, %add3A_1096 : vector<16xf32>, vector<16xf32>, vector<16xf32>, vector<16xf32>, vector<16xf32>, vector<16xf32>, vector<16xf32>, vector<16xf32>, vector<16xf32>, vector<16xf32>, vector<16xf32>, vector<16xf32>, vector<16xf32>, vector<16xf32>, vector<16xf32>, vector<16xf32>, vector<16xf32>, vector<16xf32>, vector<16xf32>, vector<16xf32>
      }
      %scan3A_300 = arith.constant 100 : i32
      %slice3A_301 = vector.extract_strided_slice %scan3A_299#17 {offsets = [12], sizes = [1], strides = [1]} : vector<16xf32> to vector<1xf32>
      %squeeze3A_302 = vector.extract %slice3A_301[0] : f32 from vector<1xf32>
      %broadcast_in_dim3A_303 = vector.broadcast %squeeze3A_302 : f32 to vector<16xf32>
      %max3A_304 = arith.constant 1.000000e+00 : f32
      %max3A_305 = vector.broadcast %max3A_304 : f32 to vector<16xf32>
      %max3A_306 = arith.maximumf %broadcast_in_dim3A_303, %max3A_305 : vector<16xf32>
      %div3A_307 = arith.constant 1.000000e+00 : f32
      %div3A_308 = vector.broadcast %div3A_307 : f32 to vector<16xf32>
      %div3A_309 = arith.divf %div3A_308, %max3A_306 : vector<16xf32>
      %sub3A_310 = arith.subi %add3A_267, %mul3A_2 : i32
      %ge3A_311 = arith.constant 2 : i32
      %ge3A_312 = arith.cmpi sge, %sub3A_310, %ge3A_311 : i32
      %convert_element_type3A_313 = arith.extui %ge3A_312 : i1 to i32
      %cond3A_314 = arith.constant 0 : i32
      %cond3A_315 = arith.cmpi ne, %convert_element_type3A_313, %cond3A_314 : i32
      scf.if %cond3A_315 {
        %sub3A_438 = arith.constant 2 : i32
        %sub3A_439 = arith.subi %add3A_267, %sub3A_438 : i32
        %dma_wait3A_440 = arith.constant 1 : i32
        %dma_wait3A_441 = arith.constant 0 : i32
        %dma_wait3A_442 = tpu.memref_slice %arg7[%dma_wait3A_440, %dma_wait3A_441] : memref<2x320xf32, #tpu.memory_space<vmem>> -> memref<1x320xf32, #tpu.memory_space<vmem>>
        %dma_wait3A_443 = tpu.memref_squeeze %dma_wait3A_442 : memref<1x320xf32, #tpu.memory_space<vmem>> -> memref<320xf32, #tpu.memory_space<vmem>>
        %dma_wait3A_444 = arith.constant 0 : i32
        %dma_wait3A_445 = tpu.memref_slice %arg4[%sub3A_439, %dma_wait3A_444] : memref<4096x320xf32, #tpu.memory_space<hbm>> -> memref<1x320xf32, #tpu.memory_space<hbm>>
        %dma_wait3A_446 = tpu.memref_squeeze %dma_wait3A_445 : memref<1x320xf32, #tpu.memory_space<hbm>> -> memref<320xf32, #tpu.memory_space<hbm>>
        %dma_wait3A_447 = arith.constant 0 : i32
        %dma_wait3A_448 = tpu.memref_slice %arg4[%sub3A_439, %dma_wait3A_447] : memref<4096x320xf32, #tpu.memory_space<hbm>> -> memref<1x320xf32, #tpu.memory_space<hbm>>
        %dma_wait3A_449 = tpu.memref_squeeze %dma_wait3A_448 : memref<1x320xf32, #tpu.memory_space<hbm>> -> memref<320xf32, #tpu.memory_space<hbm>>
        %dma_wait3A_450 = arith.constant 0 : i32
        %dma_wait3A_451 = tpu.memref_slice %arg7[%dma_wait3A_440, %dma_wait3A_450] : memref<2x320xf32, #tpu.memory_space<vmem>> -> memref<1x320xf32, #tpu.memory_space<vmem>>
        %dma_wait3A_452 = tpu.memref_squeeze %dma_wait3A_451 : memref<1x320xf32, #tpu.memory_space<vmem>> -> memref<320xf32, #tpu.memory_space<vmem>>
        tpu.wait_dma2 semaphore(%arg11 : memref<!tpu.dma_semaphore, #tpu.memory_space<semaphore_mem>>) src(%dma_wait3A_452 : memref<320xf32, #tpu.memory_space<vmem>>) dst(%dma_wait3A_449 : memref<320xf32, #tpu.memory_space<hbm>>)
      } else {
      }
      %mul3A_316 = arith.mulf %scan3A_299#0, %div3A_309 : vector<16xf32>
      %swap3A_317 = arith.constant 1 : i32
      %swap3A_318 = arith.index_cast %swap3A_317 : i32 to index
      %swap3A_319 = arith.constant 0 : index
      %swap3A_320 = tpu.vector_load %arg7[%swap3A_318, %swap3A_319] {strides = array<i32>} : memref<2x320xf32, #tpu.memory_space<vmem>>, vector<16xf32>,
      tpu.vector_store %arg7[%swap3A_318, %swap3A_319], %mul3A_316 {strides = array<i32>} : memref<2x320xf32, #tpu.memory_space<vmem>>, vector<16xf32>,
      %mul3A_321 = arith.mulf %scan3A_299#1, %div3A_309 : vector<16xf32>
      %swap3A_322 = arith.constant 1 : i32
      %swap3A_323 = arith.index_cast %swap3A_322 : i32 to index
      %swap3A_324 = arith.constant 160 : index
      %swap3A_325 = tpu.vector_load %arg7[%swap3A_323, %swap3A_324] {strides = array<i32>} : memref<2x320xf32, #tpu.memory_space<vmem>>, vector<16xf32>,
      tpu.vector_store %arg7[%swap3A_323, %swap3A_324], %mul3A_321 {strides = array<i32>} : memref<2x320xf32, #tpu.memory_space<vmem>>, vector<16xf32>,
      %mul3A_326 = arith.mulf %scan3A_299#2, %div3A_309 : vector<16xf32>
      %swap3A_327 = arith.constant 1 : i32
      %swap3A_328 = arith.index_cast %swap3A_327 : i32 to index
      %swap3A_329 = arith.constant 16 : index
      %swap3A_330 = tpu.vector_load %arg7[%swap3A_328, %swap3A_329] {strides = array<i32>} : memref<2x320xf32, #tpu.memory_space<vmem>>, vector<16xf32>,
      tpu.vector_store %arg7[%swap3A_328, %swap3A_329], %mul3A_326 {strides = array<i32>} : memref<2x320xf32, #tpu.memory_space<vmem>>, vector<16xf32>,
      %mul3A_331 = arith.mulf %scan3A_299#3, %div3A_309 : vector<16xf32>
      %swap3A_332 = arith.constant 1 : i32
      %swap3A_333 = arith.index_cast %swap3A_332 : i32 to index
      %swap3A_334 = arith.constant 176 : index
      %swap3A_335 = tpu.vector_load %arg7[%swap3A_333, %swap3A_334] {strides = array<i32>} : memref<2x320xf32, #tpu.memory_space<vmem>>, vector<16xf32>,
      tpu.vector_store %arg7[%swap3A_333, %swap3A_334], %mul3A_331 {strides = array<i32>} : memref<2x320xf32, #tpu.memory_space<vmem>>, vector<16xf32>,
      %mul3A_336 = arith.mulf %scan3A_299#4, %div3A_309 : vector<16xf32>
      %swap3A_337 = arith.constant 1 : i32
      %swap3A_338 = arith.index_cast %swap3A_337 : i32 to index
      %swap3A_339 = arith.constant 32 : index
      %swap3A_340 = tpu.vector_load %arg7[%swap3A_338, %swap3A_339] {strides = array<i32>} : memref<2x320xf32, #tpu.memory_space<vmem>>, vector<16xf32>,
      tpu.vector_store %arg7[%swap3A_338, %swap3A_339], %mul3A_336 {strides = array<i32>} : memref<2x320xf32, #tpu.memory_space<vmem>>, vector<16xf32>,
      %mul3A_341 = arith.mulf %scan3A_299#5, %div3A_309 : vector<16xf32>
      %swap3A_342 = arith.constant 1 : i32
      %swap3A_343 = arith.index_cast %swap3A_342 : i32 to index
      %swap3A_344 = arith.constant 192 : index
      %swap3A_345 = tpu.vector_load %arg7[%swap3A_343, %swap3A_344] {strides = array<i32>} : memref<2x320xf32, #tpu.memory_space<vmem>>, vector<16xf32>,
      tpu.vector_store %arg7[%swap3A_343, %swap3A_344], %mul3A_341 {strides = array<i32>} : memref<2x320xf32, #tpu.memory_space<vmem>>, vector<16xf32>,
      %mul3A_346 = arith.mulf %scan3A_299#6, %div3A_309 : vector<16xf32>
      %swap3A_347 = arith.constant 1 : i32
      %swap3A_348 = arith.index_cast %swap3A_347 : i32 to index
      %swap3A_349 = arith.constant 48 : index
      %swap3A_350 = tpu.vector_load %arg7[%swap3A_348, %swap3A_349] {strides = array<i32>} : memref<2x320xf32, #tpu.memory_space<vmem>>, vector<16xf32>,
      tpu.vector_store %arg7[%swap3A_348, %swap3A_349], %mul3A_346 {strides = array<i32>} : memref<2x320xf32, #tpu.memory_space<vmem>>, vector<16xf32>,
      %mul3A_351 = arith.mulf %scan3A_299#7, %div3A_309 : vector<16xf32>
      %swap3A_352 = arith.constant 1 : i32
      %swap3A_353 = arith.index_cast %swap3A_352 : i32 to index
      %swap3A_354 = arith.constant 208 : index
      %swap3A_355 = tpu.vector_load %arg7[%swap3A_353, %swap3A_354] {strides = array<i32>} : memref<2x320xf32, #tpu.memory_space<vmem>>, vector<16xf32>,
      tpu.vector_store %arg7[%swap3A_353, %swap3A_354], %mul3A_351 {strides = array<i32>} : memref<2x320xf32, #tpu.memory_space<vmem>>, vector<16xf32>,
      %mul3A_356 = arith.mulf %scan3A_299#8, %div3A_309 : vector<16xf32>
      %swap3A_357 = arith.constant 1 : i32
      %swap3A_358 = arith.index_cast %swap3A_357 : i32 to index
      %swap3A_359 = arith.constant 64 : index
      %swap3A_360 = tpu.vector_load %arg7[%swap3A_358, %swap3A_359] {strides = array<i32>} : memref<2x320xf32, #tpu.memory_space<vmem>>, vector<16xf32>,
      tpu.vector_store %arg7[%swap3A_358, %swap3A_359], %mul3A_356 {strides = array<i32>} : memref<2x320xf32, #tpu.memory_space<vmem>>, vector<16xf32>,
      %mul3A_361 = arith.mulf %scan3A_299#9, %div3A_309 : vector<16xf32>
      %swap3A_362 = arith.constant 1 : i32
      %swap3A_363 = arith.index_cast %swap3A_362 : i32 to index
      %swap3A_364 = arith.constant 224 : index
      %swap3A_365 = tpu.vector_load %arg7[%swap3A_363, %swap3A_364] {strides = array<i32>} : memref<2x320xf32, #tpu.memory_space<vmem>>, vector<16xf32>,
      tpu.vector_store %arg7[%swap3A_363, %swap3A_364], %mul3A_361 {strides = array<i32>} : memref<2x320xf32, #tpu.memory_space<vmem>>, vector<16xf32>,
      %mul3A_366 = arith.mulf %scan3A_299#10, %div3A_309 : vector<16xf32>
      %swap3A_367 = arith.constant 1 : i32
      %swap3A_368 = arith.index_cast %swap3A_367 : i32 to index
      %swap3A_369 = arith.constant 80 : index
      %swap3A_370 = tpu.vector_load %arg7[%swap3A_368, %swap3A_369] {strides = array<i32>} : memref<2x320xf32, #tpu.memory_space<vmem>>, vector<16xf32>,
      tpu.vector_store %arg7[%swap3A_368, %swap3A_369], %mul3A_366 {strides = array<i32>} : memref<2x320xf32, #tpu.memory_space<vmem>>, vector<16xf32>,
      %mul3A_371 = arith.mulf %scan3A_299#11, %div3A_309 : vector<16xf32>
      %swap3A_372 = arith.constant 1 : i32
      %swap3A_373 = arith.index_cast %swap3A_372 : i32 to index
      %swap3A_374 = arith.constant 240 : index
      %swap3A_375 = tpu.vector_load %arg7[%swap3A_373, %swap3A_374] {strides = array<i32>} : memref<2x320xf32, #tpu.memory_space<vmem>>, vector<16xf32>,
      tpu.vector_store %arg7[%swap3A_373, %swap3A_374], %mul3A_371 {strides = array<i32>} : memref<2x320xf32, #tpu.memory_space<vmem>>, vector<16xf32>,
      %mul3A_376 = arith.mulf %scan3A_299#12, %div3A_309 : vector<16xf32>
      %swap3A_377 = arith.constant 1 : i32
      %swap3A_378 = arith.index_cast %swap3A_377 : i32 to index
      %swap3A_379 = arith.constant 96 : index
      %swap3A_380 = tpu.vector_load %arg7[%swap3A_378, %swap3A_379] {strides = array<i32>} : memref<2x320xf32, #tpu.memory_space<vmem>>, vector<16xf32>,
      tpu.vector_store %arg7[%swap3A_378, %swap3A_379], %mul3A_376 {strides = array<i32>} : memref<2x320xf32, #tpu.memory_space<vmem>>, vector<16xf32>,
      %mul3A_381 = arith.mulf %scan3A_299#13, %div3A_309 : vector<16xf32>
      %swap3A_382 = arith.constant 1 : i32
      %swap3A_383 = arith.index_cast %swap3A_382 : i32 to index
      %swap3A_384 = arith.constant 256 : index
      %swap3A_385 = tpu.vector_load %arg7[%swap3A_383, %swap3A_384] {strides = array<i32>} : memref<2x320xf32, #tpu.memory_space<vmem>>, vector<16xf32>,
      tpu.vector_store %arg7[%swap3A_383, %swap3A_384], %mul3A_381 {strides = array<i32>} : memref<2x320xf32, #tpu.memory_space<vmem>>, vector<16xf32>,
      %mul3A_386 = arith.mulf %scan3A_299#14, %div3A_309 : vector<16xf32>
      %swap3A_387 = arith.constant 1 : i32
      %swap3A_388 = arith.index_cast %swap3A_387 : i32 to index
      %swap3A_389 = arith.constant 112 : index
      %swap3A_390 = tpu.vector_load %arg7[%swap3A_388, %swap3A_389] {strides = array<i32>} : memref<2x320xf32, #tpu.memory_space<vmem>>, vector<16xf32>,
      tpu.vector_store %arg7[%swap3A_388, %swap3A_389], %mul3A_386 {strides = array<i32>} : memref<2x320xf32, #tpu.memory_space<vmem>>, vector<16xf32>,
      %mul3A_391 = arith.mulf %scan3A_299#15, %div3A_309 : vector<16xf32>
      %swap3A_392 = arith.constant 1 : i32
      %swap3A_393 = arith.index_cast %swap3A_392 : i32 to index
      %swap3A_394 = arith.constant 272 : index
      %swap3A_395 = tpu.vector_load %arg7[%swap3A_393, %swap3A_394] {strides = array<i32>} : memref<2x320xf32, #tpu.memory_space<vmem>>, vector<16xf32>,
      tpu.vector_store %arg7[%swap3A_393, %swap3A_394], %mul3A_391 {strides = array<i32>} : memref<2x320xf32, #tpu.memory_space<vmem>>, vector<16xf32>,
      %mul3A_396 = arith.mulf %scan3A_299#16, %div3A_309 : vector<16xf32>
      %swap3A_397 = arith.constant 1 : i32
      %swap3A_398 = arith.index_cast %swap3A_397 : i32 to index
      %swap3A_399 = arith.constant 128 : index
      %swap3A_400 = tpu.vector_load %arg7[%swap3A_398, %swap3A_399] {strides = array<i32>} : memref<2x320xf32, #tpu.memory_space<vmem>>, vector<16xf32>,
      tpu.vector_store %arg7[%swap3A_398, %swap3A_399], %mul3A_396 {strides = array<i32>} : memref<2x320xf32, #tpu.memory_space<vmem>>, vector<16xf32>,
      %mul3A_401 = arith.mulf %scan3A_299#17, %div3A_309 : vector<16xf32>
      %swap3A_402 = arith.constant 1 : i32
      %swap3A_403 = arith.index_cast %swap3A_402 : i32 to index
      %swap3A_404 = arith.constant 288 : index
      %swap3A_405 = tpu.vector_load %arg7[%swap3A_403, %swap3A_404] {strides = array<i32>} : memref<2x320xf32, #tpu.memory_space<vmem>>, vector<16xf32>,
      tpu.vector_store %arg7[%swap3A_403, %swap3A_404], %mul3A_401 {strides = array<i32>} : memref<2x320xf32, #tpu.memory_space<vmem>>, vector<16xf32>,
      %mul3A_406 = arith.mulf %scan3A_299#18, %div3A_309 : vector<16xf32>
      %swap3A_407 = arith.constant 1 : i32
      %swap3A_408 = arith.index_cast %swap3A_407 : i32 to index
      %swap3A_409 = arith.constant 144 : index
      %swap3A_410 = tpu.vector_load %arg7[%swap3A_408, %swap3A_409] {strides = array<i32>} : memref<2x320xf32, #tpu.memory_space<vmem>>, vector<16xf32>,
      tpu.vector_store %arg7[%swap3A_408, %swap3A_409], %mul3A_406 {strides = array<i32>} : memref<2x320xf32, #tpu.memory_space<vmem>>, vector<16xf32>,
      %mul3A_411 = arith.mulf %scan3A_299#19, %div3A_309 : vector<16xf32>
      %swap3A_412 = arith.constant 1 : i32
      %swap3A_413 = arith.index_cast %swap3A_412 : i32 to index
      %swap3A_414 = arith.constant 304 : index
      %swap3A_415 = tpu.vector_load %arg7[%swap3A_413, %swap3A_414] {strides = array<i32>} : memref<2x320xf32, #tpu.memory_space<vmem>>, vector<16xf32>,
      tpu.vector_store %arg7[%swap3A_413, %swap3A_414], %mul3A_411 {strides = array<i32>} : memref<2x320xf32, #tpu.memory_space<vmem>>, vector<16xf32>,
      %dma_start3A_416 = arith.constant 1 : i32
      %dma_start3A_417 = arith.constant 0 : i32
      %dma_start3A_418 = tpu.memref_slice %arg7[%dma_start3A_416, %dma_start3A_417] : memref<2x320xf32, #tpu.memory_space<vmem>> -> memref<1x320xf32, #tpu.memory_space<vmem>>
      %dma_start3A_419 = tpu.memref_squeeze %dma_start3A_418 : memref<1x320xf32, #tpu.memory_space<vmem>> -> memref<320xf32, #tpu.memory_space<vmem>>
      %dma_start3A_420 = arith.constant 0 : i32
      %dma_start3A_421 = tpu.memref_slice %arg4[%add3A_267, %dma_start3A_420] : memref<4096x320xf32, #tpu.memory_space<hbm>> -> memref<1x320xf32, #tpu.memory_space<hbm>>
      %dma_start3A_422 = tpu.memref_squeeze %dma_start3A_421 : memref<1x320xf32, #tpu.memory_space<hbm>> -> memref<320xf32, #tpu.memory_space<hbm>>
      %dma_start3A_423 = arith.constant 0 : i32
      %dma_start3A_424 = tpu.memref_slice %arg4[%add3A_267, %dma_start3A_423] : memref<4096x320xf32, #tpu.memory_space<hbm>> -> memref<1x320xf32, #tpu.memory_space<hbm>>
      %dma_start3A_425 = tpu.memref_squeeze %dma_start3A_424 : memref<1x320xf32, #tpu.memory_space<hbm>> -> memref<320xf32, #tpu.memory_space<hbm>>
      %dma_start3A_426 = arith.constant 0 : i32
      %dma_start3A_427 = tpu.memref_slice %arg7[%dma_start3A_416, %dma_start3A_426] : memref<2x320xf32, #tpu.memory_space<vmem>> -> memref<1x320xf32, #tpu.memory_space<vmem>>
      %dma_start3A_428 = tpu.memref_squeeze %dma_start3A_427 : memref<1x320xf32, #tpu.memory_space<vmem>> -> memref<320xf32, #tpu.memory_space<vmem>>
      tpu.enqueue_dma source(%dma_start3A_428 : memref<320xf32, #tpu.memory_space<vmem>>) target(%dma_start3A_425 : memref<320xf32, #tpu.memory_space<hbm>>) target_semaphore(%arg11 : memref<!tpu.dma_semaphore, #tpu.memory_space<semaphore_mem>>)
      %add3A_429 = arith.constant 1 : i32
      %add3A_430 = arith.addi %add3A_100, %add3A_429 : i32
      %add3A_431 = arith.constant 2 : i32
      %add3A_432 = arith.addi %add3A_430, %add3A_431 : i32
      %lt3A_433 = arith.constant 128 : i32
      %lt3A_434 = arith.cmpi slt, %add3A_432, %lt3A_433 : i32
      %convert_element_type3A_435 = arith.extui %lt3A_434 : i1 to i32
      %cond3A_436 = arith.constant 0 : i32
      %cond3A_437 = arith.cmpi ne, %convert_element_type3A_435, %cond3A_436 : i32
      scf.if %cond3A_437 {
        %add3A_438 = arith.constant 2 : i32
        %add3A_439 = arith.addi %add3A_267, %add3A_438 : i32
        %run_scoped3A_440 = arith.constant 1 : i32
        "tpu.region"() ({
          %run_scoped3A_465 = tpu.sem_alloc : memref<!tpu.dma_semaphore, #tpu.memory_space<semaphore_mem>>
          %dma_start3A_466 = arith.constant 0 : i32
          %dma_start3A_467 = tpu.memref_slice %arg5[%run_scoped3A_440, %dma_start3A_466] : memref<2x200xi32, #tpu.memory_space<vmem>> -> memref<1x200xi32, #tpu.memory_space<vmem>>
          %dma_start3A_468 = tpu.memref_squeeze %dma_start3A_467 : memref<1x200xi32, #tpu.memory_space<vmem>> -> memref<200xi32, #tpu.memory_space<vmem>>
          %dma_start3A_469 = arith.constant 0 : i32
          %dma_start3A_470 = tpu.memref_slice %arg3[%add3A_439, %dma_start3A_469] : memref<4096x200xi32, #tpu.memory_space<hbm>> -> memref<1x200xi32, #tpu.memory_space<hbm>>
          %dma_start3A_471 = tpu.memref_squeeze %dma_start3A_470 : memref<1x200xi32, #tpu.memory_space<hbm>> -> memref<200xi32, #tpu.memory_space<hbm>>
          %dma_start3A_472 = arith.constant 0 : i32
          %dma_start3A_473 = tpu.memref_slice %arg5[%run_scoped3A_440, %dma_start3A_472] : memref<2x200xi32, #tpu.memory_space<vmem>> -> memref<1x200xi32, #tpu.memory_space<vmem>>
          %dma_start3A_474 = tpu.memref_squeeze %dma_start3A_473 : memref<1x200xi32, #tpu.memory_space<vmem>> -> memref<200xi32, #tpu.memory_space<vmem>>
          %dma_start3A_475 = arith.constant 0 : i32
          %dma_start3A_476 = tpu.memref_slice %arg3[%add3A_439, %dma_start3A_475] : memref<4096x200xi32, #tpu.memory_space<hbm>> -> memref<1x200xi32, #tpu.memory_space<hbm>>
          %dma_start3A_477 = tpu.memref_squeeze %dma_start3A_476 : memref<1x200xi32, #tpu.memory_space<hbm>> -> memref<200xi32, #tpu.memory_space<hbm>>
          tpu.enqueue_dma source(%dma_start3A_477 : memref<200xi32, #tpu.memory_space<hbm>>) target(%dma_start3A_474 : memref<200xi32, #tpu.memory_space<vmem>>) target_semaphore(%run_scoped3A_465 : memref<!tpu.dma_semaphore, #tpu.memory_space<semaphore_mem>>)
          %dma_wait3A_478 = arith.constant 0 : i32
          %dma_wait3A_479 = tpu.memref_slice %arg5[%run_scoped3A_440, %dma_wait3A_478] : memref<2x200xi32, #tpu.memory_space<vmem>> -> memref<1x200xi32, #tpu.memory_space<vmem>>
          %dma_wait3A_480 = tpu.memref_squeeze %dma_wait3A_479 : memref<1x200xi32, #tpu.memory_space<vmem>> -> memref<200xi32, #tpu.memory_space<vmem>>
          %dma_wait3A_481 = arith.constant 0 : i32
          %dma_wait3A_482 = tpu.memref_slice %arg3[%add3A_439, %dma_wait3A_481] : memref<4096x200xi32, #tpu.memory_space<hbm>> -> memref<1x200xi32, #tpu.memory_space<hbm>>
          %dma_wait3A_483 = tpu.memref_squeeze %dma_wait3A_482 : memref<1x200xi32, #tpu.memory_space<hbm>> -> memref<200xi32, #tpu.memory_space<hbm>>
          %dma_wait3A_484 = arith.constant 0 : i32
          %dma_wait3A_485 = tpu.memref_slice %arg5[%run_scoped3A_440, %dma_wait3A_484] : memref<2x200xi32, #tpu.memory_space<vmem>> -> memref<1x200xi32, #tpu.memory_space<vmem>>
          %dma_wait3A_486 = tpu.memref_squeeze %dma_wait3A_485 : memref<1x200xi32, #tpu.memory_space<vmem>> -> memref<200xi32, #tpu.memory_space<vmem>>
          %dma_wait3A_487 = arith.constant 0 : i32
          %dma_wait3A_488 = tpu.memref_slice %arg3[%add3A_439, %dma_wait3A_487] : memref<4096x200xi32, #tpu.memory_space<hbm>> -> memref<1x200xi32, #tpu.memory_space<hbm>>
          %dma_wait3A_489 = tpu.memref_squeeze %dma_wait3A_488 : memref<1x200xi32, #tpu.memory_space<hbm>> -> memref<200xi32, #tpu.memory_space<hbm>>
          tpu.wait_dma2 semaphore(%run_scoped3A_465 : memref<!tpu.dma_semaphore, #tpu.memory_space<semaphore_mem>>) src(%dma_wait3A_489 : memref<200xi32, #tpu.memory_space<hbm>>) dst(%dma_wait3A_486 : memref<200xi32, #tpu.memory_space<vmem>>)
          tpu.yield
        }) : () -> ()
        %dma_start3A_441 = arith.constant 1 : i32
        %dma_start3A_442 = arith.constant 1 : i32
        %dma_start3A_443 = arith.constant 0 : i32
        %dma_start3A_444 = arith.constant 0 : i32
        %dma_start3A_445 = tpu.memref_slice %arg6[%dma_start3A_442, %dma_start3A_443, %dma_start3A_444] : memref<2x200x256xi32, #tpu.memory_space<vmem>> -> memref<1x128x256xi32, #tpu.memory_space<vmem>>
        %dma_start3A_446 = tpu.memref_squeeze %dma_start3A_445 : memref<1x128x256xi32, #tpu.memory_space<vmem>> -> memref<128x256xi32, #tpu.memory_space<vmem>>
        %dma_start3A_447 = arith.constant 0 : i32
        %dma_start3A_448 = tpu.memref_slice %arg5[%dma_start3A_441, %dma_start3A_447] : memref<2x200xi32, #tpu.memory_space<vmem>> -> memref<1x128xi32, #tpu.memory_space<vmem>>
        %dma_start3A_449 = tpu.memref_squeeze %dma_start3A_448 : memref<1x128xi32, #tpu.memory_space<vmem>> -> memref<128xi32, #tpu.memory_space<vmem>>
        %dma_start3A_450 = arith.constant 0 : i32
        %dma_start3A_451 = arith.constant 0 : i32
        %dma_start3A_452 = tpu.memref_slice %arg2[%dma_start3A_450, %dma_start3A_451] : memref<100000x256xi32, #tpu.memory_space<hbm>> -> memref<100000x256xi32, #tpu.memory_space<hbm>>
        tpu.enqueue_indirect_dma source(%dma_start3A_452 : memref<100000x256xi32, #tpu.memory_space<hbm>>) target(%dma_start3A_446 : memref<128x256xi32, #tpu.memory_space<vmem>>) offsets(%dma_start3A_449 : memref<128xi32, #tpu.memory_space<vmem>>) semaphore(%arg9 : memref<!tpu.dma_semaphore, #tpu.memory_space<semaphore_mem>>)
        %dma_start3A_453 = arith.constant 1 : i32
        %dma_start3A_454 = arith.constant 1 : i32
        %dma_start3A_455 = arith.constant 128 : i32
        %dma_start3A_456 = arith.constant 0 : i32
        %dma_start3A_457 = tpu.memref_slice %arg6[%dma_start3A_454, %dma_start3A_455, %dma_start3A_456] : memref<2x200x256xi32, #tpu.memory_space<vmem>> -> memref<1x72x256xi32, #tpu.memory_space<vmem>>
        %dma_start3A_458 = tpu.memref_squeeze %dma_start3A_457 : memref<1x72x256xi32, #tpu.memory_space<vmem>> -> memref<72x256xi32, #tpu.memory_space<vmem>>
        %dma_start3A_459 = arith.constant 128 : i32
        %dma_start3A_460 = tpu.memref_slice %arg5[%dma_start3A_453, %dma_start3A_459] : memref<2x200xi32, #tpu.memory_space<vmem>> -> memref<1x72xi32, #tpu.memory_space<vmem>>
        %dma_start3A_461 = tpu.memref_squeeze %dma_start3A_460 : memref<1x72xi32, #tpu.memory_space<vmem>> -> memref<72xi32, #tpu.memory_space<vmem>>
        %dma_start3A_462 = arith.constant 0 : i32
        %dma_start3A_463 = arith.constant 0 : i32
        %dma_start3A_464 = tpu.memref_slice %arg2[%dma_start3A_462, %dma_start3A_463] : memref<100000x256xi32, #tpu.memory_space<hbm>> -> memref<100000x256xi32, #tpu.memory_space<hbm>>
        tpu.enqueue_indirect_dma source(%dma_start3A_464 : memref<100000x256xi32, #tpu.memory_space<hbm>>) target(%dma_start3A_458 : memref<72x256xi32, #tpu.memory_space<vmem>>) offsets(%dma_start3A_461 : memref<72xi32, #tpu.memory_space<vmem>>) semaphore(%arg9 : memref<!tpu.dma_semaphore, #tpu.memory_space<semaphore_mem>>)
      } else {
      }
    }
    %scan3A_59 = arith.constant 64 : i32
    %add3A_60 = arith.constant 128 : i32
    %add3A_61 = arith.addi %mul3A_2, %add3A_60 : i32
    %sub3A = arith.constant 2 : i32
    %sub3A_62 = arith.subi %add3A_61, %sub3A : i32
    %add3A_63 = arith.constant 0 : i32
    %add3A_64 = arith.addi %sub3A_62, %add3A_63 : i32
    %dma_wait3A = arith.constant 0 : i32
    %dma_wait3A_65 = arith.constant 0 : i32
    %dma_wait3A_66 = tpu.memref_slice %arg7[%dma_wait3A, %dma_wait3A_65] : memref<2x320xf32, #tpu.memory_space<vmem>> -> memref<1x320xf32, #tpu.memory_space<vmem>>
    %dma_wait3A_67 = tpu.memref_squeeze %dma_wait3A_66 : memref<1x320xf32, #tpu.memory_space<vmem>> -> memref<320xf32, #tpu.memory_space<vmem>>
    %dma_wait3A_68 = arith.constant 0 : i32
    %dma_wait3A_69 = tpu.memref_slice %arg4[%add3A_64, %dma_wait3A_68] : memref<4096x320xf32, #tpu.memory_space<hbm>> -> memref<1x320xf32, #tpu.memory_space<hbm>>
    %dma_wait3A_70 = tpu.memref_squeeze %dma_wait3A_69 : memref<1x320xf32, #tpu.memory_space<hbm>> -> memref<320xf32, #tpu.memory_space<hbm>>
    %dma_wait3A_71 = arith.constant 0 : i32
    %dma_wait3A_72 = tpu.memref_slice %arg4[%add3A_64, %dma_wait3A_71] : memref<4096x320xf32, #tpu.memory_space<hbm>> -> memref<1x320xf32, #tpu.memory_space<hbm>>
    %dma_wait3A_73 = tpu.memref_squeeze %dma_wait3A_72 : memref<1x320xf32, #tpu.memory_space<hbm>> -> memref<320xf32, #tpu.memory_space<hbm>>
    %dma_wait3A_74 = arith.constant 0 : i32
    %dma_wait3A_75 = tpu.memref_slice %arg7[%dma_wait3A, %dma_wait3A_74] : memref<2x320xf32, #tpu.memory_space<vmem>> -> memref<1x320xf32, #tpu.memory_space<vmem>>
    %dma_wait3A_76 = tpu.memref_squeeze %dma_wait3A_75 : memref<1x320xf32, #tpu.memory_space<vmem>> -> memref<320xf32, #tpu.memory_space<vmem>>
    tpu.wait_dma2 semaphore(%arg10 : memref<!tpu.dma_semaphore, #tpu.memory_space<semaphore_mem>>) src(%dma_wait3A_76 : memref<320xf32, #tpu.memory_space<vmem>>) dst(%dma_wait3A_73 : memref<320xf32, #tpu.memory_space<hbm>>)
    %add3A_77 = arith.constant 128 : i32
    %add3A_78 = arith.addi %mul3A_2, %add3A_77 : i32
    %sub3A_79 = arith.constant 2 : i32
    %sub3A_80 = arith.subi %add3A_78, %sub3A_79 : i32
    %add3A_81 = arith.constant 1 : i32
    %add3A_82 = arith.addi %sub3A_80, %add3A_81 : i32
    %dma_wait3A_83 = arith.constant 1 : i32
    %dma_wait3A_84 = arith.constant 0 : i32
    %dma_wait3A_85 = tpu.memref_slice %arg7[%dma_wait3A_83, %dma_wait3A_84] : memref<2x320xf32, #tpu.memory_space<vmem>> -> memref<1x320xf32, #tpu.memory_space<vmem>>
    %dma_wait3A_86 = tpu.memref_squeeze %dma_wait3A_85 : memref<1x320xf32, #tpu.memory_space<vmem>> -> memref<320xf32, #tpu.memory_space<vmem>>
    %dma_wait3A_87 = arith.constant 0 : i32
    %dma_wait3A_88 = tpu.memref_slice %arg4[%add3A_82, %dma_wait3A_87] : memref<4096x320xf32, #tpu.memory_space<hbm>> -> memref<1x320xf32, #tpu.memory_space<hbm>>
    %dma_wait3A_89 = tpu.memref_squeeze %dma_wait3A_88 : memref<1x320xf32, #tpu.memory_space<hbm>> -> memref<320xf32, #tpu.memory_space<hbm>>
    %dma_wait3A_90 = arith.constant 0 : i32
    %dma_wait3A_91 = tpu.memref_slice %arg4[%add3A_82, %dma_wait3A_90] : memref<4096x320xf32, #tpu.memory_space<hbm>> -> memref<1x320xf32, #tpu.memory_space<hbm>>
    %dma_wait3A_92 = tpu.memref_squeeze %dma_wait3A_91 : memref<1x320xf32, #tpu.memory_space<hbm>> -> memref<320xf32, #tpu.memory_space<hbm>>
    %dma_wait3A_93 = arith.constant 0 : i32
    %dma_wait3A_94 = tpu.memref_slice %arg7[%dma_wait3A_83, %dma_wait3A_93] : memref<2x320xf32, #tpu.memory_space<vmem>> -> memref<1x320xf32, #tpu.memory_space<vmem>>
    %dma_wait3A_95 = tpu.memref_squeeze %dma_wait3A_94 : memref<1x320xf32, #tpu.memory_space<vmem>> -> memref<320xf32, #tpu.memory_space<vmem>>
    tpu.wait_dma2 semaphore(%arg11 : memref<!tpu.dma_semaphore, #tpu.memory_space<semaphore_mem>>) src(%dma_wait3A_95 : memref<320xf32, #tpu.memory_space<vmem>>) dst(%dma_wait3A_92 : memref<320xf32, #tpu.memory_space<hbm>>)
    return
  }
}

module attributes {stable_mosaic.version = 14 : i64} {
  func.func @body(%arg0: i32, %arg1: memref<300x2048xf32, #tpu.memory_space<vmem>>, %arg2: memref<2048x256xi32, #tpu.memory_space<vmem>>) attributes {dimension_semantics = [#tpu.dimension_semantics<arbitrary>], iteration_bounds = array<i64: 49>, scalar_prefetch = 0 : i64, scratch_operands = 0 : i64, tpu.core_type = #tpu.core_type<tc>, window_params = [{transform_indices = @transform_0, window_bounds = array<i64: 300, 2048>}, {transform_indices = @transform_1, window_bounds = array<i64: 2048, 256>}]} {
    %get3A = arith.constant 0 : index
    %get3A_0 = arith.constant 0 : index
    %get3A_1 = vector.load %arg1[%get3A, %get3A_0] : memref<300x2048xf32, #tpu.memory_space<vmem>>, vector<300x2048xf32>
    %transpose3A = tpu.transpose %get3A_1, [1, 0] : vector<300x2048xf32> -> vector<2048x300xf32>
    %abs3A = math.absf %transpose3A : vector<2048x300xf32>
    %reduce_max3A = arith.constant dense<0xFF800000> : vector<2048xf32>
    %reduce_max3A_2 = vector.multi_reduction <maximumf>, %abs3A, %reduce_max3A [1] : vector<2048x300xf32> to vector<2048xf32>
    %broadcast_in_dim3A = vector.shape_cast %reduce_max3A_2 : vector<2048xf32> to vector<2048x1xf32>
    %gt3A = arith.constant 0.000000e+00 : f32
    %gt3A_3 = vector.broadcast %gt3A : f32 to vector<2048x1xf32>
    %gt3A_4 = arith.cmpf ogt, %broadcast_in_dim3A, %gt3A_3 : vector<2048x1xf32>
    %convert_element_type3A = arith.extui %gt3A_4 : vector<2048x1xi1> to vector<2048x1xi32>
    %convert_element_type3A_5 = arith.sitofp %convert_element_type3A : vector<2048x1xi32> to vector<2048x1xf32>
    %broadcast_in_dim3A_6 = arith.constant 0.000000e+00 : f32
    %broadcast_in_dim3A_7 = vector.broadcast %broadcast_in_dim3A_6 : f32 to vector<2048x19xf32>
    %concatenate3A = tpu.concatenate %transpose3A, %convert_element_type3A_5, %broadcast_in_dim3A_7 in 1 : vector<2048x300xf32>, vector<2048x1xf32>, vector<2048x19xf32> -> vector<2048x320xf32>
    %slice3A = vector.extract_strided_slice %concatenate3A {offsets = [0, 0], sizes = [2048, 160], strides = [1, 1]} : vector<2048x320xf32> to vector<2048x160xf32>
    %convert_element_type3A_8 = arith.truncf %slice3A : vector<2048x160xf32> to vector<2048x160xbf16>
    %bitcast_convert_type3A = tpu.bitcast %convert_element_type3A_8 : vector<2048x160xbf16> -> vector<2048x160xi16>
    %convert_element_type3A_9 = arith.extui %bitcast_convert_type3A : vector<2048x160xi16> to vector<2048x160xi32>
    %slice3A_10 = vector.extract_strided_slice %concatenate3A {offsets = [0, 160], sizes = [2048, 160], strides = [1, 1]} : vector<2048x320xf32> to vector<2048x160xf32>
    %convert_element_type3A_11 = arith.truncf %slice3A_10 : vector<2048x160xf32> to vector<2048x160xbf16>
    %bitcast_convert_type3A_12 = tpu.bitcast %convert_element_type3A_11 : vector<2048x160xbf16> -> vector<2048x160xi16>
    %convert_element_type3A_13 = arith.extui %bitcast_convert_type3A_12 : vector<2048x160xi16> to vector<2048x160xi32>
    %broadcast_in_dim3A_14 = arith.constant 0 : i32
    %broadcast_in_dim3A_15 = vector.broadcast %broadcast_in_dim3A_14 : i32 to vector<2048x96xi32>
    %shift_left3A = arith.constant 16 : i32
    %shift_left3A_16 = vector.broadcast %shift_left3A : i32 to vector<2048x160xi32>
    %shift_left3A_17 = arith.shli %convert_element_type3A_13, %shift_left3A_16 : vector<2048x160xi32>
    %or3A = arith.ori %convert_element_type3A_9, %shift_left3A_17 : vector<2048x160xi32>
    %concatenate3A_18 = tpu.concatenate %or3A, %broadcast_in_dim3A_15 in 1 : vector<2048x160xi32>, vector<2048x96xi32> -> vector<2048x256xi32>
    %swap3A = arith.constant 0 : index
    %swap3A_19 = arith.constant 0 : index
    %swap3A_20 = vector.load %arg2[%swap3A, %swap3A_19] : memref<2048x256xi32, #tpu.memory_space<vmem>>, vector<2048x256xi32>
    tpu.vector_store %arg2[%swap3A, %swap3A_19], %concatenate3A_18 {strides = array<i32>} : memref<2048x256xi32, #tpu.memory_space<vmem>>, vector<2048x256xi32>,
    return
  }
  func.func @transform_0(%arg0: i32) -> (i32, i32) {
    %c0_i32 = arith.constant 0 : i32
    %c0_i32_0 = arith.constant 0 : i32
    return %c0_i32, %arg0 : i32, i32
  }
  func.func @transform_1(%arg0: i32) -> (i32, i32) {
    %c0_i32 = arith.constant 0 : i32
    %c0_i32_0 = arith.constant 0 : i32
    return %arg0, %c0_i32 : i32, i32
  }
}

</mosaic_0001>

<sc_bundles>
// kernel: kernel.4.cloned.1.call-start
scs
__scs_entry_jumppad:
0x0: {  	(pc) =	sbr.rel $0x88, $3  }
0x1: {  	(tag) =	ssettag $0x0;
	lr =	simm.s32 $0x1  }
0x2: {  	[smem:$0x3F9F] =	sst lr;
	_ =	strace $0xD0000000  }
0x3: {  	_ = 	snop  }
0x4: {  	_ = 	snop  }
0x5: {  	_ = 	snop  }
0x6: {  	_ = 	snop  }
0x7: {  	_ = 	snop  }
__scs_overlays_trampoline_lowered:
0x8: {  	[smem:$0x3FAE] =	sst s0  }
0x9: {  	[smem:$0x3FAF] =	sst s1  }
0xa: {  	[smem:$0x3FB0] =	sst s2  }
0xb: {  	[smem:$0x3FB1] =	sst s3  }
0xc: {  	[smem:$0x3FB2] =	sst s4  }
0xd: {  	[smem:$0x3FB3] =	sst s5  }
0xe: {  	[smem:$0x3FB4] =	sst s6  }
0xf: {  	[smem:$0x3FB5] =	sst s7  }
0x10: {  	[smem:$0x3FB6] =	sst s8  }
0x11: {  	[smem:$0x3FB7] =	sst s9;
	s0 =	simm.s32 @!p0 $0x0  }
0x12: {  	s1 =	sld [smem:$0x3F9D];
	s0 =	simm.s32 @p0 $0x1  }
0x13: {  	[smem:$0x3FB8] =	sst s0;
	s0 =	simm.s32 @!p1 $0x0  }
0x14: {  	s2 =	sld [smem:$0x3F9C];
	s0 =	simm.s32 @p1 $0x1  }
0x15: {  	[smem:$0x3FB9] =	sst s0;
	s0 =	simm.s32 @!p2 $0x0  }
0x16: {  	s3 =	sld [smem:$0x3FDB];
	s0 =	simm.s32 @p2 $0x1  }
0x17: {  	s4 =	simm.s32 $0x1BF5;
	[smem:$0x3FBB] =	sst s0  }
0x18: {  	s0 =	sld [smem:$0x3F9E];
	_ =	swait.ge [sflag:s4], $0x0  }
0x19: {  	s7 =	sld [smem:$0x3F9F]  }
0x1a: {  	s8 =	sadd.s32 $0xFFFFE003, lr  }
0x1b: {  	s9 =	sadd.s32 $0xFFFFFEF7, lr;
	s5 =	simm.s32 $0xFFFFFFFF;
	p2 =	slt.u32 s8, $0xFFFFF086  }
0x1c: {  	p1 =	slt.u32 s9, $0xF7A;
	s5 =	simm.s32 @!p2 $0x0  }
0x1d: {  	s5 =	simm.s32 @p1 $0x1;
	p0 =	seq.s32 s7, s2  }
0x1e: {  	s7 =	smul.u32 @!p0 $0xF7A, s2;
	p2 =	seq.s32 @!p0 s5, $0x0  }
0x1f: {  	s9 =	smul.u32 $0xF7A, s1;
	s8 =	simm.s32 @!p0 $0x1BF5;
	p2 =	por !p2, p0  }
0x20: {  	[sflag:s8] =	ssyncset.s32 @!p0 $0xFFFFF086;
	s6 =	sadd.s32 @!p0 s3, s7;
	s7 =	simm.s32 @!p0 $0x108  }
0x21: {  	s3 =	sadd.s32 s3, s9;
	s6 =	sadd.s32 @!p0 $0x88, s6;
	s7 =	simm.s32 @p2 $0x1082  }
0x22: {  	[simem:s7], [sflag:s8] =	dma.local @!p0 [hbm:s6], $0xF7A  }
0x23: {  	s9 =	sor.u32 $0xD0000000, s2;
	s6 =	simm.s32 $0x108;
	_ =	swait.ge @!p0 [sflag:s8], $0x0  }
0x24: {  	s3 =	sadd.s32 $0x88, s3;
	s6 =	simm.s32 @!p1 $0x1082;
	[sflag:s4] =	ssyncset.s32 $0xFFFFF086  }
0x25: {  	[simem:s6], [sflag:s4] =	dma.local [hbm:s3], $0xF7A  }
0x26: {  	[smem:$0x3F9F] =	sst s1;
	(tag) =	ssettag s2;
	_ =	strace s9  }
0x27: {  	s1 =	sld [smem:$0x3FAF]  }
0x28: {  	s2 =	sld [smem:$0x3FB0]  }
0x29: {  	s4 =	sld [smem:$0x3FB2]  }
0x2a: {  	p0 =	seq.s32 s5, $0x0;
	s5 =	sld [smem:$0x3FB3]  }
0x2b: {  	s6 =	sld [smem:$0x3FB4]  }
0x2c: {  	s7 =	sld [smem:$0x3FB5]  }
0x2d: {  	s3 =	simm.s32 $0x108;
	s8 =	sld [smem:$0x3FB6]  }
0x2e: {  	s3 =	simm.s32 @!p0 $0x1082;
	s9 =	sld [smem:$0x3FB7]  }
0x2f: {  	lr =	sadd.s32 s0, s3;
	s0 =	sld [smem:$0x3FAE]  }
0x30: {  	s3 =	sld [smem:$0x3FB1]  }
0x31: {  	[smem:$0x3FBA] =	sst s10  }
0x32: {  	s10 =	sld [smem:$0x3FB8];
	_ =	sdelay $0x3  }
0x33: {  	p0 =	seq.s32 s10, $0x1;
	s10 =	sld [smem:$0x3FBA];
	_ =	sdelay $0x3  }
0x34: {  	[smem:$0x3FBA] =	sst s10  }
0x35: {  	s10 =	sld [smem:$0x3FB9];
	_ =	sdelay $0x3  }
0x36: {  	p1 =	seq.s32 s10, $0x1;
	s10 =	sld [smem:$0x3FBA];
	_ =	sdelay $0x3  }
0x37: {  	[smem:$0x3FBA] =	sst s10  }
0x38: {  	s10 =	sld [smem:$0x3FBB]  }
0x39: {  	_ = 	snop;
	(pc) =	sbr.ind lr, $3  }
0x3a: {  	_ = 	snop  }
0x3b: {  	_ = 	snop  }
0x3c: {  	p2 =	seq.s32 s10, $0x1;
	s10 =	sld [smem:$0x3FBA]  }
0x3d: {  	_ =	shalt  }
0x3e: {  	_ =	shalt  }
0x3f: {  	_ =	shalt  }
0x40: {  	_ =	shalt  }
0x41: {  	_ =	shalt  }
0x42: {  	_ =	shalt  }
0x43: {  	_ =	shalt  }
0x44: {  	_ =	shalt  }
0x45: {  	_ =	shalt  }
0x46: {  	_ =	shalt  }
0x47: {  	_ =	shalt  }
0x48: {  	_ =	shalt  }
0x49: {  	_ =	shalt  }
0x4a: {  	_ =	shalt  }
0x4b: {  	_ =	shalt  }
0x4c: {  	_ =	shalt  }
0x4d: {  	_ =	shalt  }
0x4e: {  	_ =	shalt  }
0x4f: {  	_ =	shalt  }
0x50: {  	_ =	shalt  }
0x51: {  	_ =	shalt  }
0x52: {  	_ =	shalt  }
0x53: {  	_ =	shalt  }
0x54: {  	_ =	shalt  }
0x55: {  	_ =	shalt  }
0x56: {  	_ =	shalt  }
0x57: {  	_ =	shalt  }
0x58: {  	_ =	shalt  }
0x59: {  	_ =	shalt  }
0x5a: {  	_ =	shalt  }
0x5b: {  	_ =	shalt  }
0x5c: {  	_ =	shalt  }
0x5d: {  	_ =	shalt  }
0x5e: {  	_ =	shalt  }
0x5f: {  	_ =	shalt  }
0x60: {  	_ =	shalt  }
0x61: {  	_ =	shalt  }
0x62: {  	_ =	shalt  }
0x63: {  	_ =	shalt  }
0x64: {  	_ =	shalt  }
0x65: {  	_ =	shalt  }
0x66: {  	_ =	shalt  }
0x67: {  	_ =	shalt  }
0x68: {  	_ =	shalt  }
0x69: {  	_ =	shalt  }
0x6a: {  	_ =	shalt  }
0x6b: {  	_ =	shalt  }
0x6c: {  	_ =	shalt  }
0x6d: {  	_ =	shalt  }
0x6e: {  	_ =	shalt  }
0x6f: {  	_ =	shalt  }
0x70: {  	_ =	shalt  }
0x71: {  	_ =	shalt  }
0x72: {  	_ =	shalt  }
0x73: {  	_ =	shalt  }
0x74: {  	_ =	shalt  }
0x75: {  	_ =	shalt  }
0x76: {  	_ =	shalt  }
0x77: {  	_ =	shalt  }
0x78: {  	_ =	shalt  }
0x79: {  	_ =	shalt  }
0x7a: {  	_ =	shalt  }
0x7b: {  	_ =	shalt  }
0x7c: {  	_ =	shalt  }
0x7d: {  	_ =	shalt  }
0x7e: {  	_ =	shalt  }
0x7f: {  	_ =	shalt  }
0x80: {  	_ =	shalt  }
0x81: {  	_ =	shalt  }
0x82: {  	_ =	shalt  }
0x83: {  	_ =	shalt  }
0x84: {  	_ =	shalt  }
0x85: {  	_ =	shalt  }
0x86: {  	_ =	shalt  }
0x87: {  	_ =	shalt  }
.Lfunc_end0:
.L_simem_size_0:
called_computation_lowered:
.L_overlay_start_0:
0x88: {  	s2 =	sld [smem:$0x3FD9]  }
0x89: {  	s3 =	sld [smem:$0x3FFE];
	_ =	sdelay $0x1  }
0x8a: {  	s1 =	srdreg.scid  }
0x8b: {  	s0 =	sand.u32 $0x1, s1  }
0x8c: {  	s17 =	sshll.u32 s0, $0xA;
	s2 =	sadd.s32 s3, s2  }
0x8d: {  	s2 =	sadd.s32 s2, s17  }
0x8e: {  	[smem:$0x3FC6] =	sst s2  }
0x8f: {  	_ = 	snop  }
0x90: {  	s2 =	sld [smem:$0x3FD0];
	(tm) =	ssettm $0x1  }
0x91: {  	s18 =	sld [smem:$0x3FFB];
	_ =	sdelay $0x3  }
0x92: {  	_ =	strace s18  }
0x93: {  	s3 =	sld [smem:$0x3FFC];
	_ =	sdelay $0x3  }
0x94: {  	_ =	strace s3  }
0x95: {  	s3 =	sld [smem:$0x3FFD];
	_ =	sdelay $0x3  }
0x96: {  	_ =	strace s3  }
0x97: {  	_ =	strace $0x8FFFFFFF  }
0x98: {  	s19 =	sld [smem:$0x3FDB];
	_ =	sdelay $0x1  }
0x99: {  	s4 =	simm.s32 $_scs_section_size  }
0x9a: {  	s5 =	simm.s32 $_size__tile_overlayer_lowered;
	s6 =	simm.s32 $_tile_overlayer_lowered  }
0x9b: {  	s22 =	simm.s32 $0x1BFF;
	s21 =	sshll.u32 s6, $0x1;
	s3 =	sadd.s32 s4, s19  }
0x9c: {  	s7 =	simm.s32 $0x0;
	s20 =	sshll.u32 s5, $0x1;
	s5 =	sadd.s32 s21, s3  }
0x9d: {  	[timem:s7], [sflag:s22] =	dma.local [hbm:s5], s20  }
0x9e: {  	_ =	swait.ge [sflag:s22], s20  }
0x9f: {  	s4 =	ssub.s32 $0x0, s20;
	[sflag:s22] =	ssyncset.done $0x0  }
0xa0: {  	[sflag:s22] =	ssyncadd.s32 s4;
	_ =	sdelay $0x1  }
0xa1: {  	s23 =	simm.s32 $0x1B8B  }
0xa2: {  	_ =	swait.ge [sflag:s23], $0x1  }
0xa3: {  	[sflag:s23] =	ssyncset.done $0x0  }
0xa4: {  	s25 =	simm.s32 $0x1B8E;
	s24 =	sld [smem:$0x3FFE];
	[sflag:s23] =	ssyncadd.s32 $0xFFFFFFFF  }
0xa5: {  	s26 =	simm.s32 $execute0_lowered;
	[smem:$0x3FD2] =	sst s25  }
0xa6: {  	s5 =	sshll.u32 s26, $0x1;
	_ =	strace $0x80000046;
	[dreg:$0x1] =	wrdreg $0xFFFFFFFF  }
0xa7: {  	s28 =	simm.s32 $_size_execute0_lowered;
	s3 =	sadd.s32 s3, s5;
	[dreg:$0x0] =	wrdreg $0x0  }
0xa8: {  	s5 =	sshll.u32 s28, $0x1;
	[dreg:$0x2] =	wrdreg s3  }
0xa9: {  	[dreg:$0x3] =	wrdreg s5  }
0xaa: {  	[dreg:$0x4] =	wrdreg $0xC0  }
0xab: {  	_ =	task [dreg:s7], $0x5FFFF  }
0xac: {  	[dreg:$0x1] =	wrdreg $0xFFFFFFFF  }
0xad: {  	[dreg:$0x0] =	wrdreg $0x60  }
0xae: {  	[dreg:$0x2] =	wrdreg s24  }
0xaf: {  	[dreg:$0x3] =	wrdreg s2  }
0xb0: {  	[dreg:$0x4] =	wrdreg $0x9  }
0xb1: {  	_ =	task.clear_ibuf [dreg:s7], $0x5FFFF;
	_ =	strace $0x90000046  }
0xb2: {  	s29 =	simm.s32 $0x9;
	_ =	strace $0x80000048  }
0xb3: {  	_ =	swait.ge [sflag:s29], $0x1  }
0xb4: {  	[sflag:s29] =	ssyncadd.s32 $0xFFFFFFFF  }
0xb5: {  	_ =	strace $0x90000048  }
0xb6: {  	_ =	sfence  }
0xb7: {  	s30 =	sld [smem:$0x0];
	_ =	sdelay $0x2  }
0xb8: {  	s31 =	sshll.u32 s1, $0xD;
	s1 =	sshrl.u32 s1, $0x2  }
0xb9: {  	s3 =	sand.u32 $0x4000, s31;
	s1 =	sadd.s32 s1, s30  }
0xba: {  	s0 =	sor.u32 s3, s0;
	s1 =	sshll.u32 s1, $0x11  }
0xbb: {  	s0 =	sor.u32 s1, s0  }
0xbc: {  	s0 =	sadd.s32 $0x8F2B, s0  }
0xbd: {  	[sflag:s0] =	ssyncadd.remote.s32 $0x1  }
0xbe: {  	_ =	sfence.sel $0xFFFF  }
0xbf: {  	[dreg:$0x0] =	wrdreg $0xFFFFFFFF;
	(pc) =	sbr.abs _section_cstart, $3  }
0xc0: {  	[dreg:$0x1] =	wrdreg $0xFFFFFFFF  }
0xc1: {  	_ =	task.clear_ibuf [dreg:s7], $0x2FFFF;
	_ =	strace $0x9FFFFFFF  }
0xc2: {  	(tm) =	ssettm $0x7FFFFFFF  }
0xc3: {  	_ =	shalt  }
tec
execute0_lowered:
.L_overlay_start_1:
0x0: {  	(tag) =	ssettag $0x1  }
0x1: {  	s0 =	rddreg [dreg:$0x0]  }
0x2: {  	s2 =	rddreg [dreg:$0x1]  }
0x3: {  	s1 =	srdreg.scid;
	s4 =	stileid.u32;
	s3 =	simm.s32 $0x0  }
0x4: {  	s12 =	simm.s32 $0x5;
	s13 =	simm.s32 $0x18200;
	s14 =	simm.s32 $0x18A00  }
0x5: {  	s15 =	simm.s32 $0x1;
	s16 =	simm.s32 $0x19200;
	s17 =	simm.s32 $0x19300  }
0x6: {  	s18 =	simm.s32 $0x19400;
	s19 =	simm.s32 $0x2;
	s1 =	sand.u32 $0x1, s1  }
0x7: {  	s20 =	simm.s32 $0x19280;
	s5 =	sshll.u32 s1, $0x7;
	s1 =	ssub.s32 $0x2, s1  }
0x8: {  	s21 =	simm.s32 $0x19380;
	s4 =	sshll.u32 s4, $0x8;
	s6 =	sshrl.u32 s1, $0x1  }
0x9: {  	[smem:$0x7FF] =	sst s3;
	s4 =	sor.u32 s5, s4;
	s1 =	ssub.s32 s1, s6  }
.Ltmp0:
0xa: {  	s7 =	sshll.u32 s4, $0x5;
	s30 =	smax.u32 s1, $0x1;
	(pc) =	sbr.rel .LBB2_1-.Ltmp0, $4  }
0xb: {  	_ =	strace $0x80000047;
	s28 =	sadd.s32 s2, s7;
	[dreg:$0x5] =	wrdreg s30  }
0xc: {  	v2 =	vlaneseq.u32;
	s22 =	simm.s32 $0x19480;
	s29 =	sadd.s32 $0x10, s28;
	[dreg:$0x3] =	wrdreg s28  }
0xd: {  	vm0 =	vmmov $0xffff;
	v1 =	vshrl.u32 v2, $0x3;
	s5 =	sadd.s32 $0x400, s0;
	s31 =	sadd.s32 $0x80, s28;
	[dreg:$0x4] =	wrdreg s29  }
0xe: {  	v0 =	vand.u32 $0x7, v2;
	v2 =	vor.u32 $0x8, v2;
	v1 =	vmul.u32 $0x8, v1;
	s6 =	simm.s32 $0x0;
	s7 =	sadd.s32 $0x30D800, s0;
	[dreg:$0x6] =	wrdreg s31  }
.LBB2_10:
0xf: {  	s0 =	simm.s32 $0x3  }
0x10: {  	_ =	swait.ge [sflag:s0], $0x180  }
0x11: {  	[sflag:s0] =	ssyncset.done $0x0  }
0x12: {  	s1 =	simm.s32 $0x4;
	[sflag:s0] =	ssyncadd.s32 $0xFFFFFE80  }
0x13: {  	_ =	swait.ge [sflag:s1], $0x180  }
0x14: {  	s6 =	rddreg [dreg:$0x7]  }
0x15: {  	s31 =	rddreg [dreg:$0x5];
	s6 =	sadd.s32 $0x1, s6  }
0x16: {  	p0 =	sne.s32 s6, s31  }
.Ltmp1:
0x17: {  	_ = 	snop;
	(pc) =	sbr.rel @!p0 .LBB2_11-.Ltmp1, $3  }
0x18: {  	_ =	sdelay $0x1  }
0x19: {  	[sflag:s1] =	ssyncset.done $0x0  }
0x1a: {  	[sflag:s1] =	ssyncadd.s32 $0xFFFFFE80  }
.LBB2_1:
0x1b: {  	[dreg:$0x7] =	wrdreg s6  }
0x1c: {  	s0 =	rddreg [dreg:$0x3]  }
0x1d: {  	[tilespmem:s3], [sflag:$0x5] =	stream.linear.gather [hbm4b:s0+s3], $0x80, $0x38;
	[tilespmem:$0x19500] =	vst v63  }
0x1e: {  	s10 =	rddreg [dreg:$0x6];
	s1 =	simm.s32 $0x100  }
0x1f: {  	[tilespmem:s1], [sflag:$0x5] =	stream.linear.gather [hbm4b:s10+s3], $0x80, $0x38;
	[tilespmem:$0x19500] =	vst v63  }
0x20: {  	_ =	swait.ge [sflag:s12], $0x100  }
0x21: {  	[sflag:s12] =	ssyncset.done $0x0  }
0x22: {  	[sflag:s12] =	ssyncadd.s32 $0xFFFFFF00  }
0x23: {  	v3 =	vld [tilespmem:$0x0];
	_ =	sdelay $0x4  }
0x24: {  	v4 =	vshll.u32 v3, $0x1  }
0x25: {  	v3 =	vand.u32 $0x7, v3;
	v4 =	vand.u32 $0xFFFFFFF0, v4  }
0x26: {  	v3 =	vor.u32 v3, v4  }
0x27: {  	v4 =	vperm.xlane v3, v0;
	_ =	sdelay $0x1  }
0x28: {  	v3 =	vperm.xlane v3, v2;
	v4 =	vadd.s32 v1, v4;
	_ =	sdelay $0x1  }
0x29: {  	v3 =	vadd.s32 v1, v3;
	_ =	sdelay $0x1  }
0x2a: {  	s11 =	simm.s32 $0x200  }
0x2b: {  	[tilespmem:s11], [sflag:$0x1] =	stream.indirect_vreg.gather [hbm4b:s5+s3], $0x80, v4, vm0, $0xb8;
	[tilespmem:$0x19500] =	vst v63  }
0x2c: {  	s23 =	simm.s32 $0xA00  }
0x2d: {  	[tilespmem:s23], [sflag:$0x1] =	stream.indirect_vreg.gather [hbm4b:s5+s3], $0x80, v3, vm0, $0xb8;
	[tilespmem:$0x19500] =	vst v63  }
0x2e: {  	v3 =	vld [tilespmem:$0x10];
	_ =	sdelay $0x4  }
0x2f: {  	v39 =	vshll.u32 v3, $0x1  }
0x30: {  	v3 =	vand.u32 $0x7, v3;
	v4 =	vand.u32 $0xFFFFFFF0, v39  }
0x31: {  	v3 =	vor.u32 v3, v4  }
0x32: {  	v4 =	vperm.xlane v3, v0;
	_ =	sdelay $0x1  }
0x33: {  	v3 =	vperm.xlane v3, v2;
	v4 =	vadd.s32 v1, v4;
	_ =	sdelay $0x1  }
0x34: {  	v3 =	vadd.s32 v1, v3;
	_ =	sdelay $0x1  }
0x35: {  	s24 =	simm.s32 $0x1200  }
0x36: {  	[tilespmem:s24], [sflag:$0x1] =	stream.indirect_vreg.gather [hbm4b:s5+s3], $0x80, v4, vm0, $0xb8;
	[tilespmem:$0x19500] =	vst v63  }
0x37: {  	s25 =	simm.s32 $0x1A00  }
0x38: {  	[tilespmem:s25], [sflag:$0x1] =	stream.indirect_vreg.gather [hbm4b:s5+s3], $0x80, v3, vm0, $0xb8;
	[tilespmem:$0x19500] =	vst v63  }
0x39: {  	v3 =	vld [tilespmem:$0x20];
	_ =	sdelay $0x4  }
0x3a: {  	v40 =	vshll.u32 v3, $0x1  }
0x3b: {  	v3 =	vand.u32 $0x7, v3;
	v4 =	vand.u32 $0xFFFFFFF0, v40  }
0x3c: {  	v3 =	vor.u32 v3, v4  }
0x3d: {  	v4 =	vperm.xlane v3, v0;
	_ =	sdelay $0x1  }
0x3e: {  	v3 =	vperm.xlane v3, v2;
	v4 =	vadd.s32 v1, v4;
	_ =	sdelay $0x1  }
0x3f: {  	v3 =	vadd.s32 v1, v3;
	_ =	sdelay $0x1  }
0x40: {  	s26 =	simm.s32 $0x2200  }
0x41: {  	[tilespmem:s26], [sflag:$0x1] =	stream.indirect_vreg.gather [hbm4b:s5+s3], $0x80, v4, vm0, $0xb8;
	[tilespmem:$0x19500] =	vst v63  }
0x42: {  	s28 =	simm.s32 $0x2A00  }
0x43: {  	[tilespmem:s28], [sflag:$0x1] =	stream.indirect_vreg.gather [hbm4b:s5+s3], $0x80, v3, vm0, $0xb8;
	[tilespmem:$0x19500] =	vst v63  }
0x44: {  	v3 =	vld [tilespmem:$0x30];
	_ =	sdelay $0x4  }
0x45: {  	v41 =	vshll.u32 v3, $0x1  }
0x46: {  	v3 =	vand.u32 $0x7, v3;
	v4 =	vand.u32 $0xFFFFFFF0, v41  }
0x47: {  	v3 =	vor.u32 v3, v4  }
0x48: {  	v4 =	vperm.xlane v3, v0;
	_ =	sdelay $0x1  }
0x49: {  	v3 =	vperm.xlane v3, v2;
	v4 =	vadd.s32 v1, v4;
	_ =	sdelay $0x1  }
0x4a: {  	v3 =	vadd.s32 v1, v3;
	_ =	sdelay $0x1  }
0x4b: {  	s29 =	simm.s32 $0x3200  }
0x4c: {  	[tilespmem:s29], [sflag:$0x1] =	stream.indirect_vreg.gather [hbm4b:s5+s3], $0x80, v4, vm0, $0xb8;
	[tilespmem:$0x19500] =	vst v63  }
0x4d: {  	s30 =	simm.s32 $0x3A00  }
0x4e: {  	[tilespmem:s30], [sflag:$0x1] =	stream.indirect_vreg.gather [hbm4b:s5+s3], $0x80, v3, vm0, $0xb8;
	[tilespmem:$0x19500] =	vst v63  }
0x4f: {  	v3 =	vld [tilespmem:$0x40];
	_ =	sdelay $0x4  }
0x50: {  	v42 =	vshll.u32 v3, $0x1  }
0x51: {  	v3 =	vand.u32 $0x7, v3;
	v4 =	vand.u32 $0xFFFFFFF0, v42  }
0x52: {  	v3 =	vor.u32 v3, v4  }
0x53: {  	v4 =	vperm.xlane v3, v0;
	_ =	sdelay $0x1  }
0x54: {  	v3 =	vperm.xlane v3, v2;
	v4 =	vadd.s32 v1, v4;
	_ =	sdelay $0x1  }
0x55: {  	v3 =	vadd.s32 v1, v3;
	_ =	sdelay $0x1  }
0x56: {  	s31 =	simm.s32 $0x4200  }
0x57: {  	[tilespmem:s31], [sflag:$0x1] =	stream.indirect_vreg.gather [hbm4b:s5+s3], $0x80, v4, vm0, $0xb8;
	[tilespmem:$0x19500] =	vst v63  }
0x58: {  	s1 =	simm.s32 $0x4A00  }
0x59: {  	[tilespmem:s1], [sflag:$0x1] =	stream.indirect_vreg.gather [hbm4b:s5+s3], $0x80, v3, vm0, $0xb8;
	[tilespmem:$0x19500] =	vst v63  }
0x5a: {  	v3 =	vld [tilespmem:$0x50];
	_ =	sdelay $0x4  }
0x5b: {  	v43 =	vshll.u32 v3, $0x1  }
0x5c: {  	v3 =	vand.u32 $0x7, v3;
	v4 =	vand.u32 $0xFFFFFFF0, v43  }
0x5d: {  	v3 =	vor.u32 v3, v4  }
0x5e: {  	v4 =	vperm.xlane v3, v0;
	_ =	sdelay $0x1  }
0x5f: {  	v3 =	vperm.xlane v3, v2;
	v4 =	vadd.s32 v1, v4;
	_ =	sdelay $0x1  }
0x60: {  	v3 =	vadd.s32 v1, v3;
	_ =	sdelay $0x1  }
0x61: {  	s6 =	simm.s32 $0x5200  }
0x62: {  	[tilespmem:s6], [sflag:$0x1] =	stream.indirect_vreg.gather [hbm4b:s5+s3], $0x80, v4, vm0, $0xb8;
	[tilespmem:$0x19500] =	vst v63  }
0x63: {  	s8 =	simm.s32 $0x5A00  }
0x64: {  	[tilespmem:s8], [sflag:$0x1] =	stream.indirect_vreg.gather [hbm4b:s5+s3], $0x80, v3, vm0, $0xb8;
	[tilespmem:$0x19500] =	vst v63  }
0x65: {  	v3 =	vld [tilespmem:$0x60];
	_ =	sdelay $0x4  }
0x66: {  	v44 =	vshll.u32 v3, $0x1  }
0x67: {  	v3 =	vand.u32 $0x7, v3;
	v4 =	vand.u32 $0xFFFFFFF0, v44  }
0x68: {  	v3 =	vor.u32 v3, v4  }
0x69: {  	v4 =	vperm.xlane v3, v0;
	_ =	sdelay $0x1  }
0x6a: {  	v3 =	vperm.xlane v3, v2;
	v4 =	vadd.s32 v1, v4;
	_ =	sdelay $0x1  }
0x6b: {  	v3 =	vadd.s32 v1, v3;
	_ =	sdelay $0x1  }
0x6c: {  	s9 =	simm.s32 $0x6200  }
0x6d: {  	[tilespmem:s9], [sflag:$0x1] =	stream.indirect_vreg.gather [hbm4b:s5+s3], $0x80, v4, vm0, $0xb8;
	[tilespmem:$0x19500] =	vst v63  }
0x6e: {  	s10 =	simm.s32 $0x6A00  }
0x6f: {  	[tilespmem:s10], [sflag:$0x1] =	stream.indirect_vreg.gather [hbm4b:s5+s3], $0x80, v3, vm0, $0xb8;
	[tilespmem:$0x19500] =	vst v63  }
0x70: {  	v3 =	vld [tilespmem:$0x70];
	_ =	sdelay $0x4  }
0x71: {  	v45 =	vshll.u32 v3, $0x1  }
0x72: {  	v3 =	vand.u32 $0x7, v3;
	v4 =	vand.u32 $0xFFFFFFF0, v45  }
0x73: {  	v3 =	vor.u32 v3, v4  }
0x74: {  	v4 =	vperm.xlane v3, v0;
	_ =	sdelay $0x1  }
0x75: {  	v3 =	vperm.xlane v3, v2;
	v4 =	vadd.s32 v1, v4;
	_ =	sdelay $0x1  }
0x76: {  	v3 =	vadd.s32 v1, v3;
	_ =	sdelay $0x1  }
0x77: {  	s11 =	simm.s32 $0x7200  }
0x78: {  	[tilespmem:s11], [sflag:$0x1] =	stream.indirect_vreg.gather [hbm4b:s5+s3], $0x80, v4, vm0, $0xb8;
	[tilespmem:$0x19500] =	vst v63  }
0x79: {  	s23 =	simm.s32 $0x7A00  }
0x7a: {  	[tilespmem:s23], [sflag:$0x1] =	stream.indirect_vreg.gather [hbm4b:s5+s3], $0x80, v3, vm0, $0xb8;
	[tilespmem:$0x19500] =	vst v63  }
0x7b: {  	v3 =	vld [tilespmem:$0x100];
	_ =	sdelay $0x4  }
0x7c: {  	v46 =	vshll.u32 v3, $0x1  }
0x7d: {  	v3 =	vand.u32 $0x7, v3;
	v4 =	vand.u32 $0xFFFFFFF0, v46  }
0x7e: {  	v3 =	vor.u32 v3, v4  }
0x7f: {  	v4 =	vperm.xlane v3, v0;
	_ =	sdelay $0x1  }
0x80: {  	v3 =	vperm.xlane v3, v2;
	v4 =	vadd.s32 v1, v4;
	_ =	sdelay $0x1  }
0x81: {  	v3 =	vadd.s32 v1, v3;
	_ =	sdelay $0x1  }
0x82: {  	s24 =	simm.s32 $0x8200  }
0x83: {  	[tilespmem:s24], [sflag:$0x1] =	stream.indirect_vreg.gather [hbm4b:s5+s3], $0x80, v4, vm0, $0xb8;
	[tilespmem:$0x19500] =	vst v63  }
0x84: {  	s25 =	simm.s32 $0x8A00  }
0x85: {  	[tilespmem:s25], [sflag:$0x1] =	stream.indirect_vreg.gather [hbm4b:s5+s3], $0x80, v3, vm0, $0xb8;
	[tilespmem:$0x19500] =	vst v63  }
0x86: {  	v3 =	vld [tilespmem:$0x110];
	_ =	sdelay $0x4  }
0x87: {  	v47 =	vshll.u32 v3, $0x1  }
0x88: {  	v3 =	vand.u32 $0x7, v3;
	v4 =	vand.u32 $0xFFFFFFF0, v47  }
0x89: {  	v3 =	vor.u32 v3, v4  }
0x8a: {  	v4 =	vperm.xlane v3, v0;
	_ =	sdelay $0x1  }
0x8b: {  	v3 =	vperm.xlane v3, v2;
	v4 =	vadd.s32 v1, v4;
	_ =	sdelay $0x1  }
0x8c: {  	v3 =	vadd.s32 v1, v3;
	_ =	sdelay $0x1  }
0x8d: {  	s26 =	simm.s32 $0x9200  }
0x8e: {  	[tilespmem:s26], [sflag:$0x1] =	stream.indirect_vreg.gather [hbm4b:s5+s3], $0x80, v4, vm0, $0xb8;
	[tilespmem:$0x19500] =	vst v63  }
0x8f: {  	s28 =	simm.s32 $0x9A00  }
0x90: {  	[tilespmem:s28], [sflag:$0x1] =	stream.indirect_vreg.gather [hbm4b:s5+s3], $0x80, v3, vm0, $0xb8;
	[tilespmem:$0x19500] =	vst v63  }
0x91: {  	v3 =	vld [tilespmem:$0x120];
	_ =	sdelay $0x4  }
0x92: {  	v48 =	vshll.u32 v3, $0x1  }
0x93: {  	v3 =	vand.u32 $0x7, v3;
	v4 =	vand.u32 $0xFFFFFFF0, v48  }
0x94: {  	v3 =	vor.u32 v3, v4  }
0x95: {  	v4 =	vperm.xlane v3, v0;
	_ =	sdelay $0x1  }
0x96: {  	v3 =	vperm.xlane v3, v2;
	v4 =	vadd.s32 v1, v4;
	_ =	sdelay $0x1  }
0x97: {  	v3 =	vadd.s32 v1, v3;
	_ =	sdelay $0x1  }
0x98: {  	s29 =	simm.s32 $0xA200  }
0x99: {  	[tilespmem:s29], [sflag:$0x1] =	stream.indirect_vreg.gather [hbm4b:s5+s3], $0x80, v4, vm0, $0xb8;
	[tilespmem:$0x19500] =	vst v63  }
0x9a: {  	s30 =	simm.s32 $0xAA00  }
0x9b: {  	[tilespmem:s30], [sflag:$0x1] =	stream.indirect_vreg.gather [hbm4b:s5+s3], $0x80, v3, vm0, $0xb8;
	[tilespmem:$0x19500] =	vst v63  }
0x9c: {  	v3 =	vld [tilespmem:$0x130];
	_ =	sdelay $0x4  }
0x9d: {  	v49 =	vshll.u32 v3, $0x1  }
0x9e: {  	v3 =	vand.u32 $0x7, v3;
	v4 =	vand.u32 $0xFFFFFFF0, v49  }
0x9f: {  	v3 =	vor.u32 v3, v4  }
0xa0: {  	v4 =	vperm.xlane v3, v0;
	_ =	sdelay $0x1  }
0xa1: {  	v3 =	vperm.xlane v3, v2;
	v4 =	vadd.s32 v1, v4;
	_ =	sdelay $0x1  }
0xa2: {  	v3 =	vadd.s32 v1, v3;
	_ =	sdelay $0x1  }
0xa3: {  	s31 =	simm.s32 $0xB200  }
0xa4: {  	[tilespmem:s31], [sflag:$0x1] =	stream.indirect_vreg.gather [hbm4b:s5+s3], $0x80, v4, vm0, $0xb8;
	[tilespmem:$0x19500] =	vst v63  }
0xa5: {  	s1 =	simm.s32 $0xBA00  }
0xa6: {  	[tilespmem:s1], [sflag:$0x1] =	stream.indirect_vreg.gather [hbm4b:s5+s3], $0x80, v3, vm0, $0xb8;
	[tilespmem:$0x19500] =	vst v63  }
0xa7: {  	v3 =	vld.msk [tilespmem:$0x140], $0xff;
	_ =	sdelay $0x4  }
0xa8: {  	v50 =	vshll.u32 v3, $0x1  }
0xa9: {  	v3 =	vand.u32 $0x7, v3;
	v4 =	vand.u32 $0xFFFFFFF0, v50  }
0xaa: {  	v3 =	vor.u32 v3, v4  }
0xab: {  	v3 =	vperm.xlane v3, v0;
	_ =	sdelay $0x1  }
0xac: {  	v3 =	vadd.s32 v1, v3;
	_ =	sdelay $0x3  }
0xad: {  	s6 =	simm.s32 $0xC200  }
0xae: {  	[tilespmem:s6], [sflag:$0x1] =	stream.indirect_vreg.gather [hbm4b:s5+s3], $0x80, v3, vm0, $0xb8;
	[tilespmem:$0x19500] =	vst v63  }
0xaf: {  	s8 =	rddreg [dreg:$0x4];
	s9 =	simm.s32 $0x80  }
0xb0: {  	[tilespmem:s9], [sflag:$0x5] =	stream.linear.gather [hbm4b:s8+s3], $0x80, $0x38;
	[tilespmem:$0x19500] =	vst v63  }
0xb1: {  	s0 =	sadd.s32 $0x80, s8;
	s10 =	simm.s32 $0x180  }
0xb2: {  	[tilespmem:s10], [sflag:$0x5] =	stream.linear.gather [hbm4b:s0+s3], $0x80, $0x38;
	[tilespmem:$0x19500] =	vst v63  }
0xb3: {  	_ =	swait.ge [sflag:s12], $0x100  }
0xb4: {  	[sflag:s12] =	ssyncset.done $0x0  }
0xb5: {  	[sflag:s12] =	ssyncadd.s32 $0xFFFFFF00  }
0xb6: {  	v3 =	vld [tilespmem:$0x80];
	_ =	sdelay $0x4  }
0xb7: {  	v51 =	vshll.u32 v3, $0x1  }
0xb8: {  	v3 =	vand.u32 $0x7, v3;
	v4 =	vand.u32 $0xFFFFFFF0, v51  }
0xb9: {  	v3 =	vor.u32 v3, v4  }
0xba: {  	v4 =	vperm.xlane v3, v0;
	_ =	sdelay $0x1  }
0xbb: {  	v3 =	vperm.xlane v3, v2;
	v4 =	vadd.s32 v1, v4;
	_ =	sdelay $0x1  }
0xbc: {  	v3 =	vadd.s32 v1, v3;
	_ =	sdelay $0x1  }
0xbd: {  	s11 =	simm.s32 $0xCA00  }
0xbe: {  	[tilespmem:s11], [sflag:$0x2] =	stream.indirect_vreg.gather [hbm4b:s5+s3], $0x80, v4, vm0, $0xb8;
	[tilespmem:$0x19500] =	vst v63  }
0xbf: {  	s23 =	simm.s32 $0xD200  }
0xc0: {  	[tilespmem:s23], [sflag:$0x2] =	stream.indirect_vreg.gather [hbm4b:s5+s3], $0x80, v3, vm0, $0xb8;
	[tilespmem:$0x19500] =	vst v63  }
0xc1: {  	v3 =	vld [tilespmem:$0x90];
	_ =	sdelay $0x4  }
0xc2: {  	v52 =	vshll.u32 v3, $0x1  }
0xc3: {  	v3 =	vand.u32 $0x7, v3;
	v4 =	vand.u32 $0xFFFFFFF0, v52  }
0xc4: {  	v3 =	vor.u32 v3, v4  }
0xc5: {  	v4 =	vperm.xlane v3, v0;
	_ =	sdelay $0x1  }
0xc6: {  	v3 =	vperm.xlane v3, v2;
	v4 =	vadd.s32 v1, v4;
	_ =	sdelay $0x1  }
0xc7: {  	v3 =	vadd.s32 v1, v3;
	_ =	sdelay $0x1  }
0xc8: {  	s24 =	simm.s32 $0xDA00  }
0xc9: {  	[tilespmem:s24], [sflag:$0x2] =	stream.indirect_vreg.gather [hbm4b:s5+s3], $0x80, v4, vm0, $0xb8;
	[tilespmem:$0x19500] =	vst v63  }
0xca: {  	s25 =	simm.s32 $0xE200  }
0xcb: {  	[tilespmem:s25], [sflag:$0x2] =	stream.indirect_vreg.gather [hbm4b:s5+s3], $0x80, v3, vm0, $0xb8;
	[tilespmem:$0x19500] =	vst v63  }
0xcc: {  	v3 =	vld [tilespmem:$0xA0];
	_ =	sdelay $0x4  }
0xcd: {  	v53 =	vshll.u32 v3, $0x1  }
0xce: {  	v3 =	vand.u32 $0x7, v3;
	v4 =	vand.u32 $0xFFFFFFF0, v53  }
0xcf: {  	v3 =	vor.u32 v3, v4  }
0xd0: {  	v4 =	vperm.xlane v3, v0;
	_ =	sdelay $0x1  }
0xd1: {  	v3 =	vperm.xlane v3, v2;
	v4 =	vadd.s32 v1, v4;
	_ =	sdelay $0x1  }
0xd2: {  	v3 =	vadd.s32 v1, v3;
	_ =	sdelay $0x1  }
0xd3: {  	s26 =	simm.s32 $0xEA00  }
0xd4: {  	[tilespmem:s26], [sflag:$0x2] =	stream.indirect_vreg.gather [hbm4b:s5+s3], $0x80, v4, vm0, $0xb8;
	[tilespmem:$0x19500] =	vst v63  }
0xd5: {  	s28 =	simm.s32 $0xF200  }
0xd6: {  	[tilespmem:s28], [sflag:$0x2] =	stream.indirect_vreg.gather [hbm4b:s5+s3], $0x80, v3, vm0, $0xb8;
	[tilespmem:$0x19500] =	vst v63  }
0xd7: {  	v3 =	vld [tilespmem:$0xB0];
	_ =	sdelay $0x4  }
0xd8: {  	v54 =	vshll.u32 v3, $0x1  }
0xd9: {  	v3 =	vand.u32 $0x7, v3;
	v4 =	vand.u32 $0xFFFFFFF0, v54  }
0xda: {  	v3 =	vor.u32 v3, v4  }
0xdb: {  	v4 =	vperm.xlane v3, v0;
	_ =	sdelay $0x1  }
0xdc: {  	v3 =	vperm.xlane v3, v2;
	v4 =	vadd.s32 v1, v4;
	_ =	sdelay $0x1  }
0xdd: {  	v3 =	vadd.s32 v1, v3;
	_ =	sdelay $0x1  }
0xde: {  	s29 =	simm.s32 $0xFA00  }
0xdf: {  	[tilespmem:s29], [sflag:$0x2] =	stream.indirect_vreg.gather [hbm4b:s5+s3], $0x80, v4, vm0, $0xb8;
	[tilespmem:$0x19500] =	vst v63  }
0xe0: {  	s30 =	simm.s32 $0x10200  }
0xe1: {  	[tilespmem:s30], [sflag:$0x2] =	stream.indirect_vreg.gather [hbm4b:s5+s3], $0x80, v3, vm0, $0xb8;
	[tilespmem:$0x19500] =	vst v63  }
0xe2: {  	v3 =	vld [tilespmem:$0xC0];
	_ =	sdelay $0x4  }
0xe3: {  	v55 =	vshll.u32 v3, $0x1  }
0xe4: {  	v3 =	vand.u32 $0x7, v3;
	v4 =	vand.u32 $0xFFFFFFF0, v55  }
0xe5: {  	v3 =	vor.u32 v3, v4  }
0xe6: {  	v4 =	vperm.xlane v3, v0;
	_ =	sdelay $0x1  }
0xe7: {  	v3 =	vperm.xlane v3, v2;
	v4 =	vadd.s32 v1, v4;
	_ =	sdelay $0x1  }
0xe8: {  	v3 =	vadd.s32 v1, v3;
	_ =	sdelay $0x1  }
0xe9: {  	s31 =	simm.s32 $0x10A00  }
0xea: {  	[tilespmem:s31], [sflag:$0x2] =	stream.indirect_vreg.gather [hbm4b:s5+s3], $0x80, v4, vm0, $0xb8;
	[tilespmem:$0x19500] =	vst v63  }
0xeb: {  	s1 =	simm.s32 $0x11200  }
0xec: {  	[tilespmem:s1], [sflag:$0x2] =	stream.indirect_vreg.gather [hbm4b:s5+s3], $0x80, v3, vm0, $0xb8;
	[tilespmem:$0x19500] =	vst v63  }
0xed: {  	v3 =	vld [tilespmem:$0xD0];
	_ =	sdelay $0x4  }
0xee: {  	v56 =	vshll.u32 v3, $0x1  }
0xef: {  	v3 =	vand.u32 $0x7, v3;
	v4 =	vand.u32 $0xFFFFFFF0, v56  }
0xf0: {  	v3 =	vor.u32 v3, v4  }
0xf1: {  	v4 =	vperm.xlane v3, v0;
	_ =	sdelay $0x1  }
0xf2: {  	v3 =	vperm.xlane v3, v2;
	v4 =	vadd.s32 v1, v4;
	_ =	sdelay $0x1  }
0xf3: {  	v3 =	vadd.s32 v1, v3;
	_ =	sdelay $0x1  }
0xf4: {  	s6 =	simm.s32 $0x11A00  }
0xf5: {  	[tilespmem:s6], [sflag:$0x2] =	stream.indirect_vreg.gather [hbm4b:s5+s3], $0x80, v4, vm0, $0xb8;
	[tilespmem:$0x19500] =	vst v63  }
0xf6: {  	s8 =	simm.s32 $0x12200  }
0xf7: {  	[tilespmem:s8], [sflag:$0x2] =	stream.indirect_vreg.gather [hbm4b:s5+s3], $0x80, v3, vm0, $0xb8;
	[tilespmem:$0x19500] =	vst v63  }
0xf8: {  	v3 =	vld [tilespmem:$0xE0];
	_ =	sdelay $0x4  }
0xf9: {  	v57 =	vshll.u32 v3, $0x1  }
0xfa: {  	v3 =	vand.u32 $0x7, v3;
	v4 =	vand.u32 $0xFFFFFFF0, v57  }
0xfb: {  	v3 =	vor.u32 v3, v4  }
0xfc: {  	v4 =	vperm.xlane v3, v0;
	_ =	sdelay $0x1  }
0xfd: {  	v3 =	vperm.xlane v3, v2;
	v4 =	vadd.s32 v1, v4;
	_ =	sdelay $0x1  }
0xfe: {  	v3 =	vadd.s32 v1, v3;
	_ =	sdelay $0x1  }
0xff: {  	s9 =	simm.s32 $0x12A00  }
0x100: {  	[tilespmem:s9], [sflag:$0x2] =	stream.indirect_vreg.gather [hbm4b:s5+s3], $0x80, v4, vm0, $0xb8;
	[tilespmem:$0x19500] =	vst v63  }
0x101: {  	s10 =	simm.s32 $0x13200  }
0x102: {  	[tilespmem:s10], [sflag:$0x2] =	stream.indirect_vreg.gather [hbm4b:s5+s3], $0x80, v3, vm0, $0xb8;
	[tilespmem:$0x19500] =	vst v63  }
0x103: {  	v3 =	vld [tilespmem:$0xF0];
	_ =	sdelay $0x4  }
0x104: {  	v58 =	vshll.u32 v3, $0x1  }
0x105: {  	v3 =	vand.u32 $0x7, v3;
	v4 =	vand.u32 $0xFFFFFFF0, v58  }
0x106: {  	v3 =	vor.u32 v3, v4  }
0x107: {  	v4 =	vperm.xlane v3, v0;
	_ =	sdelay $0x1  }
0x108: {  	v3 =	vperm.xlane v3, v2;
	v4 =	vadd.s32 v1, v4;
	_ =	sdelay $0x1  }
0x109: {  	v3 =	vadd.s32 v1, v3;
	_ =	sdelay $0x1  }
0x10a: {  	s11 =	simm.s32 $0x13A00  }
0x10b: {  	[tilespmem:s11], [sflag:$0x2] =	stream.indirect_vreg.gather [hbm4b:s5+s3], $0x80, v4, vm0, $0xb8;
	[tilespmem:$0x19500] =	vst v63  }
0x10c: {  	s23 =	simm.s32 $0x14200  }
0x10d: {  	[tilespmem:s23], [sflag:$0x2] =	stream.indirect_vreg.gather [hbm4b:s5+s3], $0x80, v3, vm0, $0xb8;
	[tilespmem:$0x19500] =	vst v63  }
0x10e: {  	v3 =	vld [tilespmem:$0x180];
	_ =	sdelay $0x4  }
0x10f: {  	v59 =	vshll.u32 v3, $0x1  }
0x110: {  	v3 =	vand.u32 $0x7, v3;
	v4 =	vand.u32 $0xFFFFFFF0, v59  }
0x111: {  	v3 =	vor.u32 v3, v4  }
0x112: {  	v4 =	vperm.xlane v3, v0;
	_ =	sdelay $0x1  }
0x113: {  	v3 =	vperm.xlane v3, v2;
	v4 =	vadd.s32 v1, v4;
	_ =	sdelay $0x1  }
0x114: {  	v3 =	vadd.s32 v1, v3;
	_ =	sdelay $0x1  }
0x115: {  	s24 =	simm.s32 $0x14A00  }
0x116: {  	[tilespmem:s24], [sflag:$0x2] =	stream.indirect_vreg.gather [hbm4b:s5+s3], $0x80, v4, vm0, $0xb8;
	[tilespmem:$0x19500] =	vst v63  }
0x117: {  	s25 =	simm.s32 $0x15200  }
0x118: {  	[tilespmem:s25], [sflag:$0x2] =	stream.indirect_vreg.gather [hbm4b:s5+s3], $0x80, v3, vm0, $0xb8;
	[tilespmem:$0x19500] =	vst v63  }
0x119: {  	v3 =	vld [tilespmem:$0x190];
	_ =	sdelay $0x4  }
0x11a: {  	v60 =	vshll.u32 v3, $0x1  }
0x11b: {  	v3 =	vand.u32 $0x7, v3;
	v4 =	vand.u32 $0xFFFFFFF0, v60  }
0x11c: {  	v3 =	vor.u32 v3, v4  }
0x11d: {  	v4 =	vperm.xlane v3, v0;
	_ =	sdelay $0x1  }
0x11e: {  	v3 =	vperm.xlane v3, v2;
	v4 =	vadd.s32 v1, v4;
	_ =	sdelay $0x1  }
0x11f: {  	v3 =	vadd.s32 v1, v3;
	_ =	sdelay $0x1  }
0x120: {  	s26 =	simm.s32 $0x15A00  }
0x121: {  	[tilespmem:s26], [sflag:$0x2] =	stream.indirect_vreg.gather [hbm4b:s5+s3], $0x80, v4, vm0, $0xb8;
	[tilespmem:$0x19500] =	vst v63  }
0x122: {  	s28 =	simm.s32 $0x16200  }
0x123: {  	[tilespmem:s28], [sflag:$0x2] =	stream.indirect_vreg.gather [hbm4b:s5+s3], $0x80, v3, vm0, $0xb8;
	[tilespmem:$0x19500] =	vst v63  }
0x124: {  	v3 =	vld [tilespmem:$0x1A0];
	_ =	sdelay $0x4  }
0x125: {  	v61 =	vshll.u32 v3, $0x1  }
0x126: {  	v3 =	vand.u32 $0x7, v3;
	v4 =	vand.u32 $0xFFFFFFF0, v61  }
0x127: {  	v3 =	vor.u32 v3, v4  }
0x128: {  	v4 =	vperm.xlane v3, v0;
	_ =	sdelay $0x1  }
0x129: {  	v3 =	vperm.xlane v3, v2;
	v4 =	vadd.s32 v1, v4;
	_ =	sdelay $0x1  }
0x12a: {  	v3 =	vadd.s32 v1, v3;
	_ =	sdelay $0x1  }
0x12b: {  	s29 =	simm.s32 $0x16A00  }
0x12c: {  	[tilespmem:s29], [sflag:$0x2] =	stream.indirect_vreg.gather [hbm4b:s5+s3], $0x80, v4, vm0, $0xb8;
	[tilespmem:$0x19500] =	vst v63  }
0x12d: {  	s30 =	simm.s32 $0x17200  }
0x12e: {  	[tilespmem:s30], [sflag:$0x2] =	stream.indirect_vreg.gather [hbm4b:s5+s3], $0x80, v3, vm0, $0xb8;
	[tilespmem:$0x19500] =	vst v63  }
0x12f: {  	v3 =	vld [tilespmem:$0x1B0];
	_ =	sdelay $0x4  }
0x130: {  	v62 =	vshll.u32 v3, $0x1  }
0x131: {  	v3 =	vand.u32 $0x7, v3;
	v4 =	vand.u32 $0xFFFFFFF0, v62  }
0x132: {  	v3 =	vor.u32 v3, v4  }
0x133: {  	v4 =	vperm.xlane v3, v0;
	_ =	sdelay $0x1  }
0x134: {  	v3 =	vperm.xlane v3, v2;
	v4 =	vadd.s32 v1, v4;
	_ =	sdelay $0x1  }
0x135: {  	v3 =	vadd.s32 v1, v3;
	_ =	sdelay $0x1  }
0x136: {  	s31 =	simm.s32 $0x17A00  }
0x137: {  	[tilespmem:s31], [sflag:$0x2] =	stream.indirect_vreg.gather [hbm4b:s5+s3], $0x80, v4, vm0, $0xb8;
	[tilespmem:$0x19500] =	vst v63  }
0x138: {  	_ = 	snop  }
0x139: {  	[tilespmem:s13], [sflag:$0x2] =	stream.indirect_vreg.gather [hbm4b:s5+s3], $0x80, v3, vm0, $0xb8;
	[tilespmem:$0x19500] =	vst v63  }
0x13a: {  	v3 =	vld.msk [tilespmem:$0x1C0], $0xff;
	_ =	sdelay $0x4  }
0x13b: {  	v63 =	vshll.u32 v3, $0x1  }
0x13c: {  	v3 =	vand.u32 $0x7, v3;
	v4 =	vand.u32 $0xFFFFFFF0, v63  }
0x13d: {  	v3 =	vor.u32 v3, v4  }
0x13e: {  	v3 =	vperm.xlane v3, v0;
	_ =	sdelay $0x1  }
0x13f: {  	v3 =	vadd.s32 v1, v3;
	_ =	sdelay $0x3  }
0x140: {  	s23 =	simm.s32 $0x0  }
0x141: {  	[tilespmem:s14], [sflag:$0x2] =	stream.indirect_vreg.gather [hbm4b:s5+s3], $0x80, v3, vm0, $0xb8;
	[tilespmem:$0x19500] =	vst v63  }
.LBB2_2:
0x142: {  	_ =	swait.ge [sflag:s15], $0x8000  }
0x143: {  	[sflag:s15] =	ssyncset.done $0x0  }
0x144: {  	[sflag:s15] =	ssyncadd.s32 $0xFFFF8000  }
0x145: {  	s0 =	simm.s32 $0x0;
	_ =	swait.ge [sflag:s15], $0x4800  }
0x146: {  	s1 =	sand.u32 $0xF800, s0;
	s0 =	sand.u32 $0x200, s0;
	[sflag:s15] =	ssyncset.done $0x0  }
0x147: {  	s24 =	sor.u32 s0, s1;
	[sflag:s15] =	ssyncadd.s32 $0xFFFFB800  }
0x148: {  	v6 =	vld [tilespmem:s24+$0x2B0]  }
0x149: {  	v7 =	vld [tilespmem:s24+$0x230]  }
0x14a: {  	v3 =	vld [tilespmem:s24+$0x2A0]  }
0x14b: {  	v9 =	vld [tilespmem:s24+$0x220]  }
0x14c: {  	v10 =	vld [tilespmem:s24+$0x3E0]  }
0x14d: {  	v11 =	vld [tilespmem:s24+$0x360]  }
0x14e: {  	v12 =	vld [tilespmem:s24+$0x380]  }
0x14f: {  	v13 =	vld [tilespmem:s24+$0x280]  }
0x150: {  	v14 =	vld [tilespmem:s24+$0x200]  }
0x151: {  	v15 =	vld [tilespmem:s24+$0x240]  }
0x152: {  	v16 =	vld [tilespmem:s24+$0x2C0]  }
0x153: {  	v19 =	vld [tilespmem:s24+$0x250]  }
0x154: {  	v20 =	vld [tilespmem:s24+$0x2D0]  }
0x155: {  	p0 =	por $0x0, $0x0;
	s0 =	simm.s32 $0x1;
	v21 =	vld [tilespmem:s24+$0x260]  }
0x156: {  	s0 =	simm.s32 @!p0 $0x0;
	v22 =	vld [tilespmem:s24+$0x2E0]  }
0x157: {  	s0 =	sshll.u32 s0, $0x9;
	v23 =	vld [tilespmem:s24+$0x270]  }
0x158: {  	s0 =	sadd.s32 $0x0, s0;
	v25 =	vld [tilespmem:s24+$0x2F0]  }
0x159: {  	v27 =	vld [tilespmem:s24+$0x300];
	s29 =	sadd.s32 $0x180, s0;
	s10 =	sor.u32 $0x410, s0  }
0x15a: {  	s26 =	sor.u32 $0x400, s0;
	s9 =	sadd.s32 $0x80, s0;
	s6 =	sor.u32 $0x410, s29;
	v32 =	vld [tilespmem:s10+$0x200];
	v9 =	vadd.bf16 v3, v9  }
0x15b: {  	s0 =	sadd.s32 $0x100, s0;
	s30 =	sor.u32 $0x400, s9;
	s9 =	sor.u32 $0x410, s9;
	v30 =	vld [tilespmem:s6+$0x200];
	v11 =	vadd.bf16 v10, v11;
	v6 =	vadd.bf16 v6, v7  }
0x15c: {  	s31 =	sor.u32 $0x400, s0;
	s0 =	sor.u32 $0x410, s0;
	v33 =	vld [tilespmem:s9+$0x200];
	v15 =	vadd.bf16 v16, v15;
	v24 =	vadd.bf16 v13, v14  }
0x15d: {  	v34 =	vld [tilespmem:s0+$0x200];
	v3 =	vimm.f32 $0.0e+00;
	v20 =	vadd.bf16 v20, v19;
	v21 =	vadd.bf16 v22, v21  }
0x15e: {  	v23 =	vadd.bf16 v25, v23;
	v12 =	vadd.bf16 v12, v27;
	v10 =	vshll.u32 v9, $0x10  }
0x15f: {  	v4 =	vld [tilespmem:s24+$0x390];
	v9 =	vand.u32 $0xFFFF0000, v9;
	v14 =	vshll.u32 v15, $0x10;
	v19 =	vand.u32 $0xFFFF0000, v15  }
0x160: {  	v5 =	vld [tilespmem:s24+$0x3B0];
	v26 =	vshll.u32 v20, $0x10;
	v29 =	vand.u32 $0xFFFF0000, v24;
	v22 =	vshll.u32 v11, $0x10  }
0x161: {  	v18 =	vld [tilespmem:s24+$0x3F0];
	v11 =	vand.u32 $0xFFFF0000, v11;
	v24 =	vshll.u32 v24, $0x10;
	v32 =	vadd.bf16 v33, v32  }
0x162: {  	v17 =	vld [tilespmem:s26+$0x200];
	v27 =	vshll.u32 v23, $0x10;
	v30 =	vadd.bf16 v30, v34;
	v10 =	vadd.f32 v10, v3  }
0x163: {  	v25 =	vld [tilespmem:s30+$0x200];
	v7 =	vadd.f32 v9, v3;
	v9 =	vshll.u32 v6, $0x10;
	v6 =	vand.u32 $0xFFFF0000, v6  }
0x164: {  	v38 =	vshll.u32 v12, $0x10;
	v15 =	vadd.f32 v14, v3;
	v13 =	vadd.f32 v6, v3;
	v6 =	vld [tilespmem:s24+$0x370]  }
0x165: {  	v8 =	vld [tilespmem:s24+$0x3D0];
	v12 =	vand.u32 $0xFFFF0000, v12;
	v14 =	vadd.f32 v19, v3;
	v19 =	vadd.f32 v26, v3  }
0x166: {  	v36 =	vld [tilespmem:s24+$0x3A0];
	v26 =	vshll.u32 v21, $0x10;
	v28 =	vadd.f32 v24, v3;
	v27 =	vadd.f32 v27, v3  }
0x167: {  	v41 =	vld [tilespmem:s24+$0x310];
	v35 =	vadd.f32 v29, v3;
	v21 =	vand.u32 $0xFFFF0000, v21;
	v9 =	vadd.f32 v9, v3  }
0x168: {  	v42 =	vld [tilespmem:s24+$0x350];
	v26 =	vadd.f32 v26, v3;
	v34 =	vshll.u32 v32, $0x10;
	v17 =	vadd.bf16 v25, v17  }
0x169: {  	s1 =	sor.u32 $0x400, s29;
	v37 =	vld [tilespmem:s31+$0x200];
	v25 =	vimm.f32 $0.0e+00;
	v6 =	vadd.bf16 v18, v6;
	v18 =	vand.u32 $0xFFFF0000, v23  }
0x16a: {  	v39 =	vld [tilespmem:s1+$0x200];
	v40 =	vand.u32 $0xFFFF0000, v17;
	v24 =	vadd.f32 v18, v3;
	v18 =	vadd.f32 v12, v35  }
0x16b: {  	v16 =	vld [tilespmem:s24+$0x340];
	v12 =	vand.u32 $0xFFFF0000, v20;
	v20 =	vadd.f32 v21, v3;
	v35 =	vshll.u32 v17, $0x10  }
0x16c: {  	v33 =	vld [tilespmem:s24+$0x320];
	v17 =	vimm.f32 $0.0e+00;
	v21 =	vimm.f32 $0.0e+00;
	v31 =	vshll.u32 v6, $0x10  }
0x16d: {  	s25 =	simm.s32 $0x0;
	v29 =	vld [tilespmem:s24+$0x210];
	v23 =	vand.u32 $0xFFFF0000, v6;
	v6 =	vadd.f32 v31, v27;
	v27 =	vadd.f32 v12, v3  }
0x16e: {  	s28 =	simm.s32 $0x200;
	p0 =	por !p0, !p0;
	s26 =	simm.s32 $0x400;
	v31 =	vld [tilespmem:s24+$0x290];
	v12 =	vadd.f32 v11, v20;
	v11 =	vimm.f32 $0.0e+00;
	v20 =	vimm.f32 $0.0e+00  }
.LBB2_3:
0x16f: {  	s0 =	simm.s32 $0x1  }
0x170: {  	s1 =	sand.u32 $0xF800, s26;
	s6 =	sand.u32 $0x200, s28;
	v28 =	vadd.f32 v38, v28;
	v38 =	vld [tilespmem:s24+$0x330];
	v37 =	vadd.bf16 v39, v37;
	v39 =	vand.u32 $0xFFFF0000, v30;
	s0 =	simm.s32 @!p0 $0x0  }
0x171: {  	s25 =	sadd.s32 $0x2, s25;
	v3 =	vadd.f32 v35, v3;
	v32 =	vand.u32 $0xFFFF0000, v32;
	v17 =	vadd.f32 v34, v17;
	s0 =	sshll.u32 s0, $0x9;
	v34 =	vld [tilespmem:s24+$0x3C0];
	s24 =	sor.u32 s6, s1  }
0x172: {  	v30 =	vshll.u32 v30, $0x10;
	p1 =	slt.u32 s25, $0x62;
	v11 =	vadd.f32 v32, v11;
	v32 =	vand.u32 $0xFFFF0000, v37;
	s1 =	sadd.s32 s0, s26;
	v35 =	vld [tilespmem:s24+$0x2B0]  }
0x173: {  	v26 =	vadd.f32 v22, v26;
	v22 =	vshll.u32 v37, $0x10;
	v41 =	vadd.bf16 v4, v41;
	s6 =	sor.u32 $0x400, s1;
	s0 =	sadd.s32 $0x80, s1;
	v4 =	vld [tilespmem:s24+$0x390]  }
0x174: {  	v11 =	vadd.f32 v39, v11;
	v42 =	vadd.bf16 v8, v42;
	v37 =	vld [tilespmem:s24+$0x230];
	s30 =	sor.u32 $0x400, s0  }
0x175: {  	v3 =	vadd.f32 v22, v3;
	s29 =	sor.u32 $0x410, s0;
	v38 =	vadd.bf16 v5, v38;
	v5 =	vld [tilespmem:s24+$0x3B0]  }
0x176: {  	s10 =	sor.u32 $0x410, s1;
	s9 =	sadd.s32 $0x100, s1;
	v39 =	vand.u32 $0xFFFF0000, v41;
	v8 =	vshll.u32 v42, $0x10;
	v22 =	vld [tilespmem:s24+$0x2A0];
	v16 =	vadd.bf16 v34, v16  }
0x177: {  	v25 =	vadd.f32 v40, v25;
	v17 =	vadd.f32 v30, v17;
	s31 =	sadd.s32 $0x180, s1;
	s0 =	sor.u32 $0x400, s9;
	v40 =	vshll.u32 v38, $0x10;
	v34 =	vld [tilespmem:s24+$0x220]  }
0x178: {  	v33 =	vadd.bf16 v36, v33;
	s1 =	sor.u32 $0x400, s31;
	v19 =	vadd.f32 v8, v19;
	v30 =	vld [tilespmem:s24+$0x3E0];
	v36 =	vshll.u32 v16, $0x10  }
0x179: {  	v24 =	vadd.f32 v23, v24;
	v25 =	vadd.f32 v32, v25;
	s9 =	sor.u32 $0x410, s9;
	v41 =	vshll.u32 v41, $0x10;
	v8 =	vld [tilespmem:s24+$0x3D0]  }
0x17a: {  	v29 =	vadd.bf16 v31, v29;
	v31 =	vshll.u32 v33, $0x10;
	s31 =	sor.u32 $0x410, s31;
	v32 =	vand.u32 $0xFFFF0000, v42;
	v23 =	vld [tilespmem:s24+$0x360]  }
0x17b: {  	v27 =	vadd.f32 v32, v27;
	v16 =	vand.u32 $0xFFFF0000, v16;
	v15 =	vadd.f32 v36, v15;
	v42 =	vld [tilespmem:s24+$0x380]  }
0x17c: {  	v10 =	vadd.f32 v31, v10;
	v31 =	vand.u32 $0xFFFF0000, v38;
	v36 =	vand.u32 $0xFFFF0000, v29;
	v32 =	vld [tilespmem:s6+$0x200]  }
0x17d: {  	v33 =	vand.u32 $0xFFFF0000, v33;
	v13 =	vadd.f32 v31, v13;
	v14 =	vadd.f32 v16, v14;
	v38 =	vld [tilespmem:s24+$0x3F0]  }
0x17e: {  	v7 =	vadd.f32 v33, v7;
	v29 =	vshll.u32 v29, $0x10;
	v20 =	vadd.f32 v36, v20;
	v16 =	vld [tilespmem:s24+$0x340]  }
0x17f: {  	v21 =	vadd.f32 v29, v21;
	v31 =	vld [tilespmem:s24+$0x280];
	v23 =	vadd.bf16 v30, v23  }
0x180: {  	v9 =	vadd.f32 v40, v9;
	v30 =	vld [tilespmem:s31+$0x200]  }
0x181: {  	v21 =	vadd.f32 v41, v21;
	v20 =	vadd.f32 v39, v20;
	v29 =	vld [tilespmem:s24+$0x200]  }
0x182: {  	v33 =	vld [tilespmem:s24+$0x240]  }
0x183: {  	v36 =	vld [tilespmem:s24+$0x2C0]  }
0x184: {  	v22 =	vadd.bf16 v22, v34;
	v34 =	vld [tilespmem:s24+$0x250]  }
0x185: {  	v39 =	vld [tilespmem:s24+$0x2D0]  }
0x186: {  	v35 =	vadd.bf16 v35, v37;
	v40 =	vshll.u32 v22, $0x10;
	v22 =	vand.u32 $0xFFFF0000, v22;
	v37 =	vld [tilespmem:s24+$0x260]  }
0x187: {  	v10 =	vadd.f32 v40, v10;
	v7 =	vadd.f32 v22, v7;
	v22 =	vld [tilespmem:s24+$0x2E0]  }
0x188: {  	v40 =	vshll.u32 v35, $0x10;
	v35 =	vand.u32 $0xFFFF0000, v35;
	v33 =	vadd.bf16 v36, v33;
	v36 =	vld [tilespmem:s24+$0x270]  }
0x189: {  	v9 =	vadd.f32 v40, v9;
	v29 =	vadd.bf16 v31, v29;
	v31 =	vld [tilespmem:s24+$0x2F0]  }
0x18a: {  	v40 =	vshll.u32 v33, $0x10;
	v33 =	vand.u32 $0xFFFF0000, v33;
	v34 =	vadd.bf16 v39, v34;
	v39 =	vld [tilespmem:s24+$0x300]  }
0x18b: {  	v13 =	vadd.f32 v35, v13;
	v41 =	vand.u32 $0xFFFF0000, v29;
	v15 =	vadd.f32 v40, v15;
	v35 =	vld [tilespmem:s24+$0x370]  }
0x18c: {  	v14 =	vadd.f32 v33, v14;
	v33 =	vshll.u32 v34, $0x10;
	v40 =	vadd.bf16 v22, v37;
	v43 =	vld [tilespmem:s10+$0x200]  }
0x18d: {  	v22 =	vshll.u32 v23, $0x10;
	v19 =	vadd.f32 v33, v19;
	v33 =	vld [tilespmem:s30+$0x200]  }
0x18e: {  	v44 =	vand.u32 $0xFFFF0000, v23;
	v37 =	vshll.u32 v40, $0x10;
	v31 =	vadd.bf16 v31, v36;
	v36 =	vld [tilespmem:s29+$0x200]  }
0x18f: {  	v23 =	vshll.u32 v29, $0x10;
	v26 =	vadd.f32 v37, v26;
	v42 =	vadd.bf16 v42, v39;
	v37 =	vld [tilespmem:s0+$0x200]  }
0x190: {  	v29 =	vshll.u32 v31, $0x10;
	v45 =	vand.u32 $0xFFFF0000, v31;
	v31 =	vadd.bf16 v38, v35;
	v39 =	vld [tilespmem:s1+$0x200]  }
0x191: {  	v28 =	vadd.f32 v23, v28;
	v6 =	vadd.f32 v29, v6;
	v38 =	vshll.u32 v42, $0x10;
	v46 =	vld [tilespmem:s9+$0x200]  }
0x192: {  	v18 =	vadd.f32 v41, v18;
	v29 =	vld [tilespmem:s24+$0x210];
	v35 =	vshll.u32 v31, $0x10;
	v23 =	vand.u32 $0xFFFF0000, v31  }
.Ltmp2:
0x193: {  	v24 =	vadd.f32 v45, v24;
	v41 =	vand.u32 $0xFFFF0000, v42;
	v31 =	vld [tilespmem:s24+$0x290];
	v6 =	vadd.f32 v35, v6;
	(pc) =	sbr.rel @p1 .LBB2_3-.Ltmp2, $4  }
0x194: {  	v18 =	vadd.f32 v41, v18;
	v35 =	vand.u32 $0xFFFF0000, v40;
	v40 =	vadd.bf16 v33, v32;
	v33 =	vld [tilespmem:s24+$0x320]  }
0x195: {  	v34 =	vand.u32 $0xFFFF0000, v34;
	v32 =	vadd.bf16 v36, v43;
	v12 =	vadd.f32 v35, v12;
	v36 =	vld [tilespmem:s24+$0x3A0]  }
0x196: {  	v27 =	vadd.f32 v34, v27;
	v35 =	vshll.u32 v40, $0x10;
	v41 =	vld [tilespmem:s24+$0x310];
	v30 =	vadd.bf16 v30, v46  }
0x197: {  	s28 =	sadd.s32 $0x200, s28;
	p0 =	por !p0, !p0;
	s26 =	sadd.s32 $0x400, s26;
	v40 =	vand.u32 $0xFFFF0000, v40;
	v34 =	vshll.u32 v32, $0x10;
	v12 =	vadd.f32 v44, v12;
	v42 =	vld [tilespmem:s24+$0x350]  }
0x198: {  	v37 =	vadd.bf16 v39, v37  }
0x199: {  	v25 =	vadd.f32 v40, v25  }
0x19a: {  	v39 =	vand.u32 $0xFFFF0000, v37  }
0x19b: {  	v25 =	vadd.f32 v39, v25;
	_ =	sdelay $0x1  }
0x19c: {  	v39 =	vmax.f32 v25, $1.000000000e+00  }
0x19d: {  	v39 =	vbroadcast v39, $0xC;
	_ =	sdelay $0x1  }
0x19e: {  	(erf) = vrcp.f32 v39;
	_ =	sdelay $0x3  }
0x19f: {  	v29 =	vadd.bf16 v31, v29;
	_ =	sdelay $0x1  }
0x1a0: {  	v31 =	vshll.u32 v29, $0x10  }
0x1a1: {  	v59 =	vld [tilespmem:s24+$0x330];
	v28 =	vadd.f32 v38, v28;
	v33 =	vadd.bf16 v36, v33  }
0x1a2: {  	v60 =	vld [tilespmem:s24+$0x3C0];
	p0 =	seq.s32 s23, $0x0;
	v29 =	vand.u32 $0xFFFF0000, v29;
	v4 =	vadd.bf16 v4, v41;
	v21 =	vadd.f32 v31, v21  }
0x1a3: {  	s0 =	simm.s32 @!p0 $0x3;
	v20 =	vadd.f32 v29, v20;
	v8 =	vadd.bf16 v8, v42;
	v31 =	vpop (erf)  }
0x1a4: {  	v63 =	vshll.u32 v33, $0x10;
	v61 =	vand.u32 $0xFFFF0000, v4;
	v4 =	vshll.u32 v4, $0x10;
	_ =	swait.ge @!p0 [sflag:s0], $0x180  }
0x1a5: {  	v36 =	vand.u32 $0xFFFF0000, v33;
	v4 =	vadd.f32 v4, v21;
	v62 =	vmul.f32 v31, v28;
	[sflag:s0] =	ssyncset.done @!p0 $0x0  }
0x1a6: {  	v5 =	vadd.bf16 v5, v59;
	v20 =	vadd.f32 v61, v20;
	v18 =	vmul.f32 v31, v18;
	[sflag:s0] =	ssyncadd.s32 @!p0 $0xFFFFFE80  }
0x1a7: {  	v16 =	vadd.bf16 v60, v16;
	v10 =	vadd.f32 v63, v10;
	v4 =	vmul.f32 v31, v4;
	[tilespmem:$0x19200] =	vst v62  }
0x1a8: {  	v7 =	vadd.f32 v36, v7;
	v38 =	vshll.u32 v5, $0x10;
	v39 =	vmul.f32 v31, v20;
	[tilespmem:$0x19320] =	vst v18  }
0x1a9: {  	v5 =	vand.u32 $0xFFFF0000, v5;
	v9 =	vadd.f32 v38, v9;
	v40 =	vmul.f32 v31, v10;
	[tilespmem:$0x19210] =	vst v4  }
0x1aa: {  	v42 =	vand.u32 $0xFFFF0000, v16;
	v5 =	vadd.f32 v5, v13;
	v7 =	vmul.f32 v31, v7;
	[tilespmem:$0x19330] =	vst v39  }
0x1ab: {  	v44 =	vshll.u32 v8, $0x10;
	v13 =	vadd.f32 v42, v14;
	v43 =	vmul.f32 v31, v9;
	[tilespmem:$0x19220] =	vst v40  }
0x1ac: {  	v8 =	vand.u32 $0xFFFF0000, v8;
	v45 =	vadd.f32 v44, v19;
	v5 =	vmul.f32 v31, v5;
	[tilespmem:$0x19340] =	vst v7  }
0x1ad: {  	v8 =	vadd.f32 v8, v27;
	v47 =	vmul.f32 v31, v13;
	[tilespmem:$0x19230] =	vst v43  }
0x1ae: {  	v48 =	vadd.f32 v22, v26;
	v49 =	vmul.f32 v31, v45;
	[tilespmem:$0x19350] =	vst v5  }
0x1af: {  	v50 =	vmul.f32 v31, v8;
	[tilespmem:$0x19360] =	vst v47  }
0x1b0: {  	v3 =	vadd.f32 v35, v3;
	v51 =	vand.u32 $0xFFFF0000, v32;
	v52 =	vmul.f32 v31, v48;
	[tilespmem:$0x19250] =	vst v49  }
0x1b1: {  	v54 =	vadd.f32 v23, v24;
	v53 =	vshll.u32 v37, $0x10;
	v55 =	vmul.f32 v31, v12;
	[tilespmem:$0x19370] =	vst v50  }
0x1b2: {  	v56 =	vadd.f32 v34, v17;
	v3 =	vadd.f32 v53, v3;
	v57 =	vmul.f32 v31, v6;
	[tilespmem:$0x19260] =	vst v52  }
0x1b3: {  	s30 =	sshll.u32 s23, $0x1;
	v58 =	vadd.f32 v51, v11;
	v41 =	vshll.u32 v16, $0x10;
	v60 =	vmul.f32 v31, v54;
	[tilespmem:$0x19400] =	vst v55  }
0x1b4: {  	s24 =	sadd.s32 s4, s30;
	v59 =	vshll.u32 v30, $0x10;
	v10 =	vadd.f32 v41, v15;
	v3 =	vmul.f32 v31, v3;
	[tilespmem:$0x19270] =	vst v57  }
0x1b5: {  	v61 =	vand.u32 $0xFFFF0000, v30;
	v63 =	vmul.f32 v31, v25;
	s0 =	sshrl.u32 s24, $0x3;
	v7 =	vadd.f32 v59, v56;
	[tilespmem:$0x19410] =	vst v60  }
0x1b6: {  	s1 =	sshll.u32 s23, $0x8;
	v46 =	vmul.f32 v31, v10;
	v62 =	vadd.f32 v61, v58;
	s0 =	smul.u32 $0xC00, s0;
	[tilespmem:$0x19300] =	vst v3  }
0x1b7: {  	s1 =	sand.u32 $0x300, s1;
	[tilespmem:$0x19420] =	vst v63;
	v3 =	vmul.f32 v31, v7  }
0x1b8: {  	[tilespmem:$0x19240] =	vst v46;
	v4 =	vmul.f32 v31, v62;
	s0 =	sor.u32 s1, s0  }
0x1b9: {  	s25 =	sshrl.u32 s0, $0x3;
	[tilespmem:$0x19310] =	vst v3  }
0x1ba: {  	p1 =	seq.s32 s23, $0x3F;
	[tilespmem:$0x19430] =	vst v4;
	s0 =	sadd.s32 s7, s25  }
0x1bb: {  	[hbm4b:s0+s3] =	stream.linear.scatter [tilespmem:s16], [sflag:$0x3], $0x80, $0x38;
	[tilespmem:$0x19500] =	vst v63  }
.Ltmp3:
0x1bc: {  	_ = 	snop;
	(pc) =	sbr.rel @p1 .LBB2_6-.Ltmp3, $4  }
0x1bd: {  	s31 =	sadd.s32 $0x80, s0  }
0x1be: {  	[hbm4b:s31+s3] =	stream.linear.scatter [tilespmem:s17], [sflag:$0x3], $0x80, $0x38;
	[tilespmem:$0x19500] =	vst v63  }
0x1bf: {  	s0 =	sadd.s32 $0x100, s0  }
0x1c0: {  	[hbm4b:s0+s3] =	stream.linear.scatter [tilespmem:s18], [sflag:$0x3], $0x80, $0x38;
	[tilespmem:$0x19500] =	vst v63  }
0x1c1: {  	s0 =	sadd.s32 $0x2, s24  }
0x1c2: {  	s1 =	sshll.u32 s0, $0x4  }
0x1c3: {  	s0 =	sshll.u32 s0, $0x5;
	s1 =	sand.u32 $0x60, s1  }
0x1c4: {  	s0 =	sand.u32 $0xFFFFF00, s0;
	s1 =	sadd.s32 s2, s1  }
0x1c5: {  	s0 =	sadd.s32 s0, s1  }
0x1c6: {  	[tilespmem:s3], [sflag:$0x5] =	stream.linear.gather [hbm4b:s0+s3], $0x80, $0x38;
	[tilespmem:$0x19500] =	vst v63  }
0x1c7: {  	s28 =	simm.s32 $0x100;
	s0 =	sadd.s32 $0x80, s0  }
0x1c8: {  	[tilespmem:s28], [sflag:$0x5] =	stream.linear.gather [hbm4b:s0+s3], $0x80, $0x38;
	[tilespmem:$0x19500] =	vst v63  }
0x1c9: {  	_ =	swait.ge [sflag:s12], $0x100  }
0x1ca: {  	[sflag:s12] =	ssyncset.done $0x0  }
0x1cb: {  	[sflag:s12] =	ssyncadd.s32 $0xFFFFFF00  }
0x1cc: {  	v3 =	vld [tilespmem:$0x0];
	_ =	sdelay $0x4  }
0x1cd: {  	v4 =	vshll.u32 v3, $0x1  }
0x1ce: {  	v3 =	vand.u32 $0x7, v3;
	v4 =	vand.u32 $0xFFFFFFF0, v4  }
0x1cf: {  	v3 =	vor.u32 v3, v4  }
0x1d0: {  	v4 =	vperm.xlane v3, v0;
	_ =	sdelay $0x1  }
0x1d1: {  	v3 =	vperm.xlane v3, v2;
	v4 =	vadd.s32 v1, v4;
	_ =	sdelay $0x1  }
0x1d2: {  	v3 =	vadd.s32 v1, v3;
	_ =	sdelay $0x1  }
0x1d3: {  	s29 =	simm.s32 $0x200  }
0x1d4: {  	[tilespmem:s29], [sflag:$0x1] =	stream.indirect_vreg.gather [hbm4b:s5+s3], $0x80, v4, vm0, $0xb8;
	[tilespmem:$0x19500] =	vst v63  }
0x1d5: {  	s30 =	simm.s32 $0xA00  }
0x1d6: {  	[tilespmem:s30], [sflag:$0x1] =	stream.indirect_vreg.gather [hbm4b:s5+s3], $0x80, v3, vm0, $0xb8;
	[tilespmem:$0x19500] =	vst v63  }
0x1d7: {  	v3 =	vld [tilespmem:$0x10];
	_ =	sdelay $0x4  }
0x1d8: {  	v52 =	vshll.u32 v3, $0x1  }
0x1d9: {  	v3 =	vand.u32 $0x7, v3;
	v4 =	vand.u32 $0xFFFFFFF0, v52  }
0x1da: {  	v3 =	vor.u32 v3, v4  }
0x1db: {  	v4 =	vperm.xlane v3, v0;
	_ =	sdelay $0x1  }
0x1dc: {  	v3 =	vperm.xlane v3, v2;
	v4 =	vadd.s32 v1, v4;
	_ =	sdelay $0x1  }
0x1dd: {  	v3 =	vadd.s32 v1, v3;
	_ =	sdelay $0x1  }
0x1de: {  	s31 =	simm.s32 $0x1200  }
0x1df: {  	[tilespmem:s31], [sflag:$0x1] =	stream.indirect_vreg.gather [hbm4b:s5+s3], $0x80, v4, vm0, $0xb8;
	[tilespmem:$0x19500] =	vst v63  }
0x1e0: {  	s1 =	simm.s32 $0x1A00  }
0x1e1: {  	[tilespmem:s1], [sflag:$0x1] =	stream.indirect_vreg.gather [hbm4b:s5+s3], $0x80, v3, vm0, $0xb8;
	[tilespmem:$0x19500] =	vst v63  }
0x1e2: {  	v3 =	vld [tilespmem:$0x20];
	_ =	sdelay $0x4  }
0x1e3: {  	v53 =	vshll.u32 v3, $0x1  }
0x1e4: {  	v3 =	vand.u32 $0x7, v3;
	v4 =	vand.u32 $0xFFFFFFF0, v53  }
0x1e5: {  	v3 =	vor.u32 v3, v4  }
0x1e6: {  	v4 =	vperm.xlane v3, v0;
	_ =	sdelay $0x1  }
0x1e7: {  	v3 =	vperm.xlane v3, v2;
	v4 =	vadd.s32 v1, v4;
	_ =	sdelay $0x1  }
0x1e8: {  	v3 =	vadd.s32 v1, v3;
	_ =	sdelay $0x1  }
0x1e9: {  	s6 =	simm.s32 $0x2200  }
0x1ea: {  	[tilespmem:s6], [sflag:$0x1] =	stream.indirect_vreg.gather [hbm4b:s5+s3], $0x80, v4, vm0, $0xb8;
	[tilespmem:$0x19500] =	vst v63  }
0x1eb: {  	s8 =	simm.s32 $0x2A00  }
0x1ec: {  	[tilespmem:s8], [sflag:$0x1] =	stream.indirect_vreg.gather [hbm4b:s5+s3], $0x80, v3, vm0, $0xb8;
	[tilespmem:$0x19500] =	vst v63  }
0x1ed: {  	v3 =	vld [tilespmem:$0x30];
	_ =	sdelay $0x4  }
0x1ee: {  	v54 =	vshll.u32 v3, $0x1  }
0x1ef: {  	v3 =	vand.u32 $0x7, v3;
	v4 =	vand.u32 $0xFFFFFFF0, v54  }
0x1f0: {  	v3 =	vor.u32 v3, v4  }
0x1f1: {  	v4 =	vperm.xlane v3, v0;
	_ =	sdelay $0x1  }
0x1f2: {  	v3 =	vperm.xlane v3, v2;
	v4 =	vadd.s32 v1, v4;
	_ =	sdelay $0x1  }
0x1f3: {  	v3 =	vadd.s32 v1, v3;
	_ =	sdelay $0x1  }
0x1f4: {  	s9 =	simm.s32 $0x3200  }
0x1f5: {  	[tilespmem:s9], [sflag:$0x1] =	stream.indirect_vreg.gather [hbm4b:s5+s3], $0x80, v4, vm0, $0xb8;
	[tilespmem:$0x19500] =	vst v63  }
0x1f6: {  	s10 =	simm.s32 $0x3A00  }
0x1f7: {  	[tilespmem:s10], [sflag:$0x1] =	stream.indirect_vreg.gather [hbm4b:s5+s3], $0x80, v3, vm0, $0xb8;
	[tilespmem:$0x19500] =	vst v63  }
0x1f8: {  	v3 =	vld [tilespmem:$0x40];
	_ =	sdelay $0x4  }
0x1f9: {  	v55 =	vshll.u32 v3, $0x1  }
0x1fa: {  	v3 =	vand.u32 $0x7, v3;
	v4 =	vand.u32 $0xFFFFFFF0, v55  }
0x1fb: {  	v3 =	vor.u32 v3, v4  }
0x1fc: {  	v4 =	vperm.xlane v3, v0;
	_ =	sdelay $0x1  }
0x1fd: {  	v3 =	vperm.xlane v3, v2;
	v4 =	vadd.s32 v1, v4;
	_ =	sdelay $0x1  }
0x1fe: {  	v3 =	vadd.s32 v1, v3;
	_ =	sdelay $0x1  }
0x1ff: {  	s11 =	simm.s32 $0x4200  }
0x200: {  	[tilespmem:s11], [sflag:$0x1] =	stream.indirect_vreg.gather [hbm4b:s5+s3], $0x80, v4, vm0, $0xb8;
	[tilespmem:$0x19500] =	vst v63  }
0x201: {  	s26 =	simm.s32 $0x4A00  }
0x202: {  	[tilespmem:s26], [sflag:$0x1] =	stream.indirect_vreg.gather [hbm4b:s5+s3], $0x80, v3, vm0, $0xb8;
	[tilespmem:$0x19500] =	vst v63  }
0x203: {  	v3 =	vld [tilespmem:$0x50];
	_ =	sdelay $0x4  }
0x204: {  	v56 =	vshll.u32 v3, $0x1  }
0x205: {  	v3 =	vand.u32 $0x7, v3;
	v4 =	vand.u32 $0xFFFFFFF0, v56  }
0x206: {  	v3 =	vor.u32 v3, v4  }
0x207: {  	v4 =	vperm.xlane v3, v0;
	_ =	sdelay $0x1  }
0x208: {  	v3 =	vperm.xlane v3, v2;
	v4 =	vadd.s32 v1, v4;
	_ =	sdelay $0x1  }
0x209: {  	v3 =	vadd.s32 v1, v3;
	_ =	sdelay $0x1  }
0x20a: {  	s28 =	simm.s32 $0x5200  }
0x20b: {  	[tilespmem:s28], [sflag:$0x1] =	stream.indirect_vreg.gather [hbm4b:s5+s3], $0x80, v4, vm0, $0xb8;
	[tilespmem:$0x19500] =	vst v63  }
0x20c: {  	s29 =	simm.s32 $0x5A00  }
0x20d: {  	[tilespmem:s29], [sflag:$0x1] =	stream.indirect_vreg.gather [hbm4b:s5+s3], $0x80, v3, vm0, $0xb8;
	[tilespmem:$0x19500] =	vst v63  }
0x20e: {  	v3 =	vld [tilespmem:$0x60];
	_ =	sdelay $0x4  }
0x20f: {  	v57 =	vshll.u32 v3, $0x1  }
0x210: {  	v3 =	vand.u32 $0x7, v3;
	v4 =	vand.u32 $0xFFFFFFF0, v57  }
0x211: {  	v3 =	vor.u32 v3, v4  }
0x212: {  	v4 =	vperm.xlane v3, v0;
	_ =	sdelay $0x1  }
0x213: {  	v3 =	vperm.xlane v3, v2;
	v4 =	vadd.s32 v1, v4;
	_ =	sdelay $0x1  }
0x214: {  	v3 =	vadd.s32 v1, v3;
	_ =	sdelay $0x1  }
0x215: {  	s30 =	simm.s32 $0x6200  }
0x216: {  	[tilespmem:s30], [sflag:$0x1] =	stream.indirect_vreg.gather [hbm4b:s5+s3], $0x80, v4, vm0, $0xb8;
	[tilespmem:$0x19500] =	vst v63  }
0x217: {  	s31 =	simm.s32 $0x6A00  }
0x218: {  	[tilespmem:s31], [sflag:$0x1] =	stream.indirect_vreg.gather [hbm4b:s5+s3], $0x80, v3, vm0, $0xb8;
	[tilespmem:$0x19500] =	vst v63  }
0x219: {  	v3 =	vld [tilespmem:$0x70];
	_ =	sdelay $0x4  }
0x21a: {  	v58 =	vshll.u32 v3, $0x1  }
0x21b: {  	v3 =	vand.u32 $0x7, v3;
	v4 =	vand.u32 $0xFFFFFFF0, v58  }
0x21c: {  	v3 =	vor.u32 v3, v4  }
0x21d: {  	v4 =	vperm.xlane v3, v0;
	_ =	sdelay $0x1  }
0x21e: {  	v3 =	vperm.xlane v3, v2;
	v4 =	vadd.s32 v1, v4;
	_ =	sdelay $0x1  }
0x21f: {  	v3 =	vadd.s32 v1, v3;
	_ =	sdelay $0x1  }
0x220: {  	s1 =	simm.s32 $0x7200  }
0x221: {  	[tilespmem:s1], [sflag:$0x1] =	stream.indirect_vreg.gather [hbm4b:s5+s3], $0x80, v4, vm0, $0xb8;
	[tilespmem:$0x19500] =	vst v63  }
0x222: {  	s6 =	simm.s32 $0x7A00  }
0x223: {  	[tilespmem:s6], [sflag:$0x1] =	stream.indirect_vreg.gather [hbm4b:s5+s3], $0x80, v3, vm0, $0xb8;
	[tilespmem:$0x19500] =	vst v63  }
0x224: {  	v3 =	vld [tilespmem:$0x100];
	_ =	sdelay $0x4  }
0x225: {  	v59 =	vshll.u32 v3, $0x1  }
0x226: {  	v3 =	vand.u32 $0x7, v3;
	v4 =	vand.u32 $0xFFFFFFF0, v59  }
0x227: {  	v3 =	vor.u32 v3, v4  }
0x228: {  	v4 =	vperm.xlane v3, v0;
	_ =	sdelay $0x1  }
0x229: {  	v3 =	vperm.xlane v3, v2;
	v4 =	vadd.s32 v1, v4;
	_ =	sdelay $0x1  }
0x22a: {  	v3 =	vadd.s32 v1, v3;
	_ =	sdelay $0x1  }
0x22b: {  	s8 =	simm.s32 $0x8200  }
0x22c: {  	[tilespmem:s8], [sflag:$0x1] =	stream.indirect_vreg.gather [hbm4b:s5+s3], $0x80, v4, vm0, $0xb8;
	[tilespmem:$0x19500] =	vst v63  }
0x22d: {  	s9 =	simm.s32 $0x8A00  }
0x22e: {  	[tilespmem:s9], [sflag:$0x1] =	stream.indirect_vreg.gather [hbm4b:s5+s3], $0x80, v3, vm0, $0xb8;
	[tilespmem:$0x19500] =	vst v63  }
0x22f: {  	v3 =	vld [tilespmem:$0x110];
	_ =	sdelay $0x4  }
0x230: {  	v60 =	vshll.u32 v3, $0x1  }
0x231: {  	v3 =	vand.u32 $0x7, v3;
	v4 =	vand.u32 $0xFFFFFFF0, v60  }
0x232: {  	v3 =	vor.u32 v3, v4  }
0x233: {  	v4 =	vperm.xlane v3, v0;
	_ =	sdelay $0x1  }
0x234: {  	v3 =	vperm.xlane v3, v2;
	v4 =	vadd.s32 v1, v4;
	_ =	sdelay $0x1  }
0x235: {  	v3 =	vadd.s32 v1, v3;
	_ =	sdelay $0x1  }
0x236: {  	s10 =	simm.s32 $0x9200  }
0x237: {  	[tilespmem:s10], [sflag:$0x1] =	stream.indirect_vreg.gather [hbm4b:s5+s3], $0x80, v4, vm0, $0xb8;
	[tilespmem:$0x19500] =	vst v63  }
0x238: {  	s11 =	simm.s32 $0x9A00  }
0x239: {  	[tilespmem:s11], [sflag:$0x1] =	stream.indirect_vreg.gather [hbm4b:s5+s3], $0x80, v3, vm0, $0xb8;
	[tilespmem:$0x19500] =	vst v63  }
0x23a: {  	v3 =	vld [tilespmem:$0x120];
	_ =	sdelay $0x4  }
0x23b: {  	v61 =	vshll.u32 v3, $0x1  }
0x23c: {  	v3 =	vand.u32 $0x7, v3;
	v4 =	vand.u32 $0xFFFFFFF0, v61  }
0x23d: {  	v3 =	vor.u32 v3, v4  }
0x23e: {  	v4 =	vperm.xlane v3, v0;
	_ =	sdelay $0x1  }
0x23f: {  	v3 =	vperm.xlane v3, v2;
	v4 =	vadd.s32 v1, v4;
	_ =	sdelay $0x1  }
0x240: {  	v3 =	vadd.s32 v1, v3;
	_ =	sdelay $0x1  }
0x241: {  	s26 =	simm.s32 $0xA200  }
0x242: {  	[tilespmem:s26], [sflag:$0x1] =	stream.indirect_vreg.gather [hbm4b:s5+s3], $0x80, v4, vm0, $0xb8;
	[tilespmem:$0x19500] =	vst v63  }
0x243: {  	s28 =	simm.s32 $0xAA00  }
0x244: {  	[tilespmem:s28], [sflag:$0x1] =	stream.indirect_vreg.gather [hbm4b:s5+s3], $0x80, v3, vm0, $0xb8;
	[tilespmem:$0x19500] =	vst v63  }
0x245: {  	v3 =	vld [tilespmem:$0x130];
	_ =	sdelay $0x4  }
0x246: {  	v62 =	vshll.u32 v3, $0x1  }
0x247: {  	v3 =	vand.u32 $0x7, v3;
	v4 =	vand.u32 $0xFFFFFFF0, v62  }
0x248: {  	v3 =	vor.u32 v3, v4  }
0x249: {  	v4 =	vperm.xlane v3, v0;
	_ =	sdelay $0x1  }
0x24a: {  	v3 =	vperm.xlane v3, v2;
	v4 =	vadd.s32 v1, v4;
	_ =	sdelay $0x1  }
0x24b: {  	v3 =	vadd.s32 v1, v3;
	_ =	sdelay $0x1  }
0x24c: {  	s29 =	simm.s32 $0xB200  }
0x24d: {  	[tilespmem:s29], [sflag:$0x1] =	stream.indirect_vreg.gather [hbm4b:s5+s3], $0x80, v4, vm0, $0xb8;
	[tilespmem:$0x19500] =	vst v63  }
0x24e: {  	s30 =	simm.s32 $0xBA00  }
0x24f: {  	[tilespmem:s30], [sflag:$0x1] =	stream.indirect_vreg.gather [hbm4b:s5+s3], $0x80, v3, vm0, $0xb8;
	[tilespmem:$0x19500] =	vst v63  }
0x250: {  	v3 =	vld.msk [tilespmem:$0x140], $0xff;
	_ =	sdelay $0x4  }
0x251: {  	v63 =	vshll.u32 v3, $0x1  }
0x252: {  	v3 =	vand.u32 $0x7, v3;
	v4 =	vand.u32 $0xFFFFFFF0, v63  }
0x253: {  	v3 =	vor.u32 v3, v4  }
0x254: {  	v3 =	vperm.xlane v3, v0;
	_ =	sdelay $0x1  }
0x255: {  	v3 =	vadd.s32 v1, v3;
	_ =	sdelay $0x3  }
0x256: {  	s31 =	simm.s32 $0xC200  }
0x257: {  	[tilespmem:s31], [sflag:$0x1] =	stream.indirect_vreg.gather [hbm4b:s5+s3], $0x80, v3, vm0, $0xb8;
	[tilespmem:$0x19500] =	vst v63  }
.LBB2_6:
0x258: {  	_ =	swait.ge [sflag:s19], $0x8000  }
0x259: {  	[sflag:s19] =	ssyncset.done $0x0  }
0x25a: {  	[sflag:s19] =	ssyncadd.s32 $0xFFFF8000  }
0x25b: {  	s0 =	simm.s32 $0x0;
	_ =	swait.ge [sflag:s19], $0x4800  }
0x25c: {  	s1 =	sand.u32 $0xF800, s0;
	s0 =	sand.u32 $0x200, s0;
	[sflag:s19] =	ssyncset.done $0x0  }
0x25d: {  	s26 =	sor.u32 s0, s1;
	[sflag:s19] =	ssyncadd.s32 $0xFFFFB800  }
0x25e: {  	v6 =	vld [tilespmem:s26+$0xCAB0]  }
0x25f: {  	v7 =	vld [tilespmem:s26+$0xCA30]  }
0x260: {  	v3 =	vld [tilespmem:s26+$0xCAA0]  }
0x261: {  	v9 =	vld [tilespmem:s26+$0xCA20]  }
0x262: {  	v10 =	vld [tilespmem:s26+$0xCBE0]  }
0x263: {  	v11 =	vld [tilespmem:s26+$0xCB60]  }
0x264: {  	v12 =	vld [tilespmem:s26+$0xCB80]  }
0x265: {  	v13 =	vld [tilespmem:s26+$0xCA80]  }
0x266: {  	v14 =	vld [tilespmem:s26+$0xCA00]  }
0x267: {  	v15 =	vld [tilespmem:s26+$0xCA40]  }
0x268: {  	v16 =	vld [tilespmem:s26+$0xCAC0]  }
0x269: {  	v19 =	vld [tilespmem:s26+$0xCA50]  }
0x26a: {  	v20 =	vld [tilespmem:s26+$0xCAD0]  }
0x26b: {  	p2 =	por $0x0, $0x0;
	s0 =	simm.s32 $0x1;
	v21 =	vld [tilespmem:s26+$0xCA60]  }
0x26c: {  	s0 =	simm.s32 @!p2 $0x0;
	v22 =	vld [tilespmem:s26+$0xCAE0]  }
0x26d: {  	s0 =	sshll.u32 s0, $0x9;
	v23 =	vld [tilespmem:s26+$0xCA70]  }
0x26e: {  	s0 =	sadd.s32 $0x0, s0;
	v25 =	vld [tilespmem:s26+$0xCAF0]  }
0x26f: {  	s6 =	sor.u32 $0x400, s0;
	v27 =	vld [tilespmem:s26+$0xCB00]  }
0x270: {  	s8 =	sadd.s32 $0x180, s0;
	s10 =	sor.u32 $0x410, s0;
	v17 =	vld [tilespmem:s6+$0xCA00]  }
0x271: {  	s9 =	sadd.s32 $0x80, s0;
	s6 =	sor.u32 $0x410, s8;
	v32 =	vld [tilespmem:s10+$0xCA00];
	v9 =	vadd.bf16 v3, v9  }
0x272: {  	s0 =	sadd.s32 $0x100, s0;
	s11 =	sor.u32 $0x400, s9;
	s9 =	sor.u32 $0x410, s9;
	v30 =	vld [tilespmem:s6+$0xCA00];
	v11 =	vadd.bf16 v10, v11;
	v6 =	vadd.bf16 v6, v7  }
0x273: {  	s31 =	sor.u32 $0x400, s0;
	s0 =	sor.u32 $0x410, s0;
	v33 =	vld [tilespmem:s9+$0xCA00];
	v15 =	vadd.bf16 v16, v15;
	v24 =	vadd.bf16 v13, v14  }
0x274: {  	v34 =	vld [tilespmem:s0+$0xCA00];
	v3 =	vimm.f32 $0.0e+00;
	v20 =	vadd.bf16 v20, v19;
	v21 =	vadd.bf16 v22, v21  }
0x275: {  	v23 =	vadd.bf16 v25, v23;
	v12 =	vadd.bf16 v12, v27;
	v10 =	vshll.u32 v9, $0x10  }
0x276: {  	v9 =	vand.u32 $0xFFFF0000, v9;
	v14 =	vshll.u32 v15, $0x10;
	v19 =	vand.u32 $0xFFFF0000, v15  }
0x277: {  	v4 =	vld [tilespmem:s26+$0xCB90];
	v26 =	vshll.u32 v20, $0x10;
	v29 =	vand.u32 $0xFFFF0000, v24;
	v22 =	vshll.u32 v11, $0x10  }
0x278: {  	v5 =	vld [tilespmem:s26+$0xCBB0];
	v11 =	vand.u32 $0xFFFF0000, v11;
	v24 =	vshll.u32 v24, $0x10;
	v32 =	vadd.bf16 v33, v32  }
0x279: {  	v18 =	vld [tilespmem:s26+$0xCBF0];
	v27 =	vshll.u32 v23, $0x10;
	v30 =	vadd.bf16 v30, v34;
	v10 =	vadd.f32 v10, v3  }
0x27a: {  	v25 =	vld [tilespmem:s11+$0xCA00];
	v7 =	vadd.f32 v9, v3;
	v9 =	vshll.u32 v6, $0x10;
	v6 =	vand.u32 $0xFFFF0000, v6  }
0x27b: {  	v38 =	vshll.u32 v12, $0x10;
	v15 =	vadd.f32 v14, v3;
	v13 =	vadd.f32 v6, v3;
	v6 =	vld [tilespmem:s26+$0xCB70]  }
0x27c: {  	v8 =	vld [tilespmem:s26+$0xCBD0];
	v12 =	vand.u32 $0xFFFF0000, v12;
	v14 =	vadd.f32 v19, v3;
	v19 =	vadd.f32 v26, v3  }
0x27d: {  	v36 =	vld [tilespmem:s26+$0xCBA0];
	v26 =	vshll.u32 v21, $0x10;
	v28 =	vadd.f32 v24, v3;
	v27 =	vadd.f32 v27, v3  }
0x27e: {  	v41 =	vld [tilespmem:s26+$0xCB10];
	v35 =	vadd.f32 v29, v3;
	v21 =	vand.u32 $0xFFFF0000, v21;
	v9 =	vadd.f32 v9, v3  }
0x27f: {  	v42 =	vld [tilespmem:s26+$0xCB50];
	v26 =	vadd.f32 v26, v3;
	v34 =	vshll.u32 v32, $0x10;
	v17 =	vadd.bf16 v25, v17  }
0x280: {  	s1 =	sor.u32 $0x400, s8;
	v37 =	vld [tilespmem:s31+$0xCA00];
	v25 =	vimm.f32 $0.0e+00;
	v6 =	vadd.bf16 v18, v6;
	v18 =	vand.u32 $0xFFFF0000, v23  }
0x281: {  	v39 =	vld [tilespmem:s1+$0xCA00];
	v40 =	vand.u32 $0xFFFF0000, v17;
	v24 =	vadd.f32 v18, v3;
	v18 =	vadd.f32 v12, v35  }
0x282: {  	v16 =	vld [tilespmem:s26+$0xCB40];
	v12 =	vand.u32 $0xFFFF0000, v20;
	v20 =	vadd.f32 v21, v3;
	v35 =	vshll.u32 v17, $0x10  }
0x283: {  	v33 =	vld [tilespmem:s26+$0xCB20];
	v17 =	vimm.f32 $0.0e+00;
	v21 =	vimm.f32 $0.0e+00;
	v31 =	vshll.u32 v6, $0x10  }
0x284: {  	s28 =	simm.s32 $0x0;
	v29 =	vld [tilespmem:s26+$0xCA10];
	v23 =	vand.u32 $0xFFFF0000, v6;
	v6 =	vadd.f32 v31, v27;
	v27 =	vadd.f32 v12, v3  }
0x285: {  	s29 =	simm.s32 $0x400;
	s30 =	simm.s32 $0x200;
	p2 =	por !p2, !p2;
	v31 =	vld [tilespmem:s26+$0xCA90];
	v12 =	vadd.f32 v11, v20;
	v11 =	vimm.f32 $0.0e+00;
	v20 =	vimm.f32 $0.0e+00  }
.LBB2_7:
0x286: {  	s0 =	simm.s32 $0x1  }
0x287: {  	s1 =	sand.u32 $0xF800, s29;
	s6 =	sand.u32 $0x200, s30;
	v28 =	vadd.f32 v38, v28;
	v38 =	vld [tilespmem:s26+$0xCB30];
	v37 =	vadd.bf16 v39, v37;
	v39 =	vand.u32 $0xFFFF0000, v30;
	s0 =	simm.s32 @!p2 $0x0  }
0x288: {  	s28 =	sadd.s32 $0x2, s28;
	v3 =	vadd.f32 v35, v3;
	v32 =	vand.u32 $0xFFFF0000, v32;
	v17 =	vadd.f32 v34, v17;
	s0 =	sshll.u32 s0, $0x9;
	v34 =	vld [tilespmem:s26+$0xCBC0];
	s26 =	sor.u32 s6, s1  }
0x289: {  	v30 =	vshll.u32 v30, $0x10;
	p3 =	slt.u32 s28, $0x62;
	v11 =	vadd.f32 v32, v11;
	v32 =	vand.u32 $0xFFFF0000, v37;
	s9 =	sadd.s32 s0, s29;
	v35 =	vld [tilespmem:s26+$0xCAB0]  }
0x28a: {  	v26 =	vadd.f32 v22, v26;
	v22 =	vshll.u32 v37, $0x10;
	v41 =	vadd.bf16 v4, v41;
	s8 =	sor.u32 $0x400, s9;
	s1 =	sadd.s32 $0x80, s9;
	v4 =	vld [tilespmem:s26+$0xCB90]  }
0x28b: {  	v11 =	vadd.f32 v39, v11;
	v42 =	vadd.bf16 v8, v42;
	v37 =	vld [tilespmem:s26+$0xCA30];
	s0 =	sor.u32 $0x400, s1  }
0x28c: {  	v3 =	vadd.f32 v22, v3;
	s31 =	sor.u32 $0x410, s1;
	v38 =	vadd.bf16 v5, v38;
	v5 =	vld [tilespmem:s26+$0xCBB0]  }
0x28d: {  	s6 =	sor.u32 $0x410, s9;
	s10 =	sadd.s32 $0x100, s9;
	v39 =	vand.u32 $0xFFFF0000, v41;
	v8 =	vshll.u32 v42, $0x10;
	v22 =	vld [tilespmem:s26+$0xCAA0];
	v16 =	vadd.bf16 v34, v16  }
0x28e: {  	v25 =	vadd.f32 v40, v25;
	v17 =	vadd.f32 v30, v17;
	s11 =	sadd.s32 $0x180, s9;
	s1 =	sor.u32 $0x400, s10;
	v40 =	vshll.u32 v38, $0x10;
	v34 =	vld [tilespmem:s26+$0xCA20]  }
0x28f: {  	v33 =	vadd.bf16 v36, v33;
	s9 =	sor.u32 $0x400, s11;
	v19 =	vadd.f32 v8, v19;
	v30 =	vld [tilespmem:s26+$0xCBE0];
	v36 =	vshll.u32 v16, $0x10  }
0x290: {  	v24 =	vadd.f32 v23, v24;
	v25 =	vadd.f32 v32, v25;
	s10 =	sor.u32 $0x410, s10;
	v41 =	vshll.u32 v41, $0x10;
	v8 =	vld [tilespmem:s26+$0xCBD0]  }
0x291: {  	v29 =	vadd.bf16 v31, v29;
	v31 =	vshll.u32 v33, $0x10;
	s11 =	sor.u32 $0x410, s11;
	v32 =	vand.u32 $0xFFFF0000, v42;
	v23 =	vld [tilespmem:s26+$0xCB60]  }
0x292: {  	v27 =	vadd.f32 v32, v27;
	v16 =	vand.u32 $0xFFFF0000, v16;
	v15 =	vadd.f32 v36, v15;
	v42 =	vld [tilespmem:s26+$0xCB80]  }
0x293: {  	v10 =	vadd.f32 v31, v10;
	v31 =	vand.u32 $0xFFFF0000, v38;
	v36 =	vand.u32 $0xFFFF0000, v29;
	v32 =	vld [tilespmem:s8+$0xCA00]  }
0x294: {  	v33 =	vand.u32 $0xFFFF0000, v33;
	v13 =	vadd.f32 v31, v13;
	v14 =	vadd.f32 v16, v14;
	v38 =	vld [tilespmem:s26+$0xCBF0]  }
0x295: {  	v7 =	vadd.f32 v33, v7;
	v29 =	vshll.u32 v29, $0x10;
	v20 =	vadd.f32 v36, v20;
	v16 =	vld [tilespmem:s26+$0xCB40]  }
0x296: {  	v21 =	vadd.f32 v29, v21;
	v31 =	vld [tilespmem:s26+$0xCA80];
	v23 =	vadd.bf16 v30, v23  }
0x297: {  	v9 =	vadd.f32 v40, v9;
	v30 =	vld [tilespmem:s11+$0xCA00]  }
0x298: {  	v21 =	vadd.f32 v41, v21;
	v20 =	vadd.f32 v39, v20;
	v29 =	vld [tilespmem:s26+$0xCA00]  }
0x299: {  	v33 =	vld [tilespmem:s26+$0xCA40]  }
0x29a: {  	v36 =	vld [tilespmem:s26+$0xCAC0]  }
0x29b: {  	v22 =	vadd.bf16 v22, v34;
	v34 =	vld [tilespmem:s26+$0xCA50]  }
0x29c: {  	v39 =	vld [tilespmem:s26+$0xCAD0]  }
0x29d: {  	v35 =	vadd.bf16 v35, v37;
	v40 =	vshll.u32 v22, $0x10;
	v22 =	vand.u32 $0xFFFF0000, v22;
	v37 =	vld [tilespmem:s26+$0xCA60]  }
0x29e: {  	v10 =	vadd.f32 v40, v10;
	v7 =	vadd.f32 v22, v7;
	v22 =	vld [tilespmem:s26+$0xCAE0]  }
0x29f: {  	v40 =	vshll.u32 v35, $0x10;
	v35 =	vand.u32 $0xFFFF0000, v35;
	v33 =	vadd.bf16 v36, v33;
	v36 =	vld [tilespmem:s26+$0xCA70]  }
0x2a0: {  	v9 =	vadd.f32 v40, v9;
	v29 =	vadd.bf16 v31, v29;
	v31 =	vld [tilespmem:s26+$0xCAF0]  }
0x2a1: {  	v40 =	vshll.u32 v33, $0x10;
	v33 =	vand.u32 $0xFFFF0000, v33;
	v34 =	vadd.bf16 v39, v34;
	v39 =	vld [tilespmem:s26+$0xCB00]  }
0x2a2: {  	v13 =	vadd.f32 v35, v13;
	v41 =	vand.u32 $0xFFFF0000, v29;
	v15 =	vadd.f32 v40, v15;
	v35 =	vld [tilespmem:s26+$0xCB70]  }
0x2a3: {  	v14 =	vadd.f32 v33, v14;
	v33 =	vshll.u32 v34, $0x10;
	v40 =	vadd.bf16 v22, v37;
	v43 =	vld [tilespmem:s6+$0xCA00]  }
0x2a4: {  	v22 =	vshll.u32 v23, $0x10;
	v19 =	vadd.f32 v33, v19;
	v33 =	vld [tilespmem:s0+$0xCA00]  }
0x2a5: {  	v44 =	vand.u32 $0xFFFF0000, v23;
	v37 =	vshll.u32 v40, $0x10;
	v31 =	vadd.bf16 v31, v36;
	v36 =	vld [tilespmem:s31+$0xCA00]  }
0x2a6: {  	v23 =	vshll.u32 v29, $0x10;
	v26 =	vadd.f32 v37, v26;
	v42 =	vadd.bf16 v42, v39;
	v37 =	vld [tilespmem:s1+$0xCA00]  }
0x2a7: {  	v29 =	vshll.u32 v31, $0x10;
	v45 =	vand.u32 $0xFFFF0000, v31;
	v31 =	vadd.bf16 v38, v35;
	v39 =	vld [tilespmem:s9+$0xCA00]  }
0x2a8: {  	v28 =	vadd.f32 v23, v28;
	v6 =	vadd.f32 v29, v6;
	v38 =	vshll.u32 v42, $0x10;
	v46 =	vld [tilespmem:s10+$0xCA00]  }
0x2a9: {  	v18 =	vadd.f32 v41, v18;
	v29 =	vld [tilespmem:s26+$0xCA10];
	v35 =	vshll.u32 v31, $0x10;
	v23 =	vand.u32 $0xFFFF0000, v31  }
.Ltmp4:
0x2aa: {  	v24 =	vadd.f32 v45, v24;
	v41 =	vand.u32 $0xFFFF0000, v42;
	v31 =	vld [tilespmem:s26+$0xCA90];
	v6 =	vadd.f32 v35, v6;
	(pc) =	sbr.rel @p3 .LBB2_7-.Ltmp4, $4  }
0x2ab: {  	v18 =	vadd.f32 v41, v18;
	v35 =	vand.u32 $0xFFFF0000, v40;
	v40 =	vadd.bf16 v33, v32;
	v33 =	vld [tilespmem:s26+$0xCB20]  }
0x2ac: {  	v34 =	vand.u32 $0xFFFF0000, v34;
	v32 =	vadd.bf16 v36, v43;
	v12 =	vadd.f32 v35, v12;
	v36 =	vld [tilespmem:s26+$0xCBA0]  }
0x2ad: {  	v27 =	vadd.f32 v34, v27;
	v35 =	vshll.u32 v40, $0x10;
	v41 =	vld [tilespmem:s26+$0xCB10];
	v30 =	vadd.bf16 v30, v46  }
0x2ae: {  	s30 =	sadd.s32 $0x200, s30;
	p2 =	por !p2, !p2;
	s29 =	sadd.s32 $0x400, s29;
	v40 =	vand.u32 $0xFFFF0000, v40;
	v34 =	vshll.u32 v32, $0x10;
	v12 =	vadd.f32 v44, v12;
	v42 =	vld [tilespmem:s26+$0xCB50]  }
0x2af: {  	v37 =	vadd.bf16 v39, v37  }
0x2b0: {  	v25 =	vadd.f32 v40, v25  }
0x2b1: {  	v39 =	vand.u32 $0xFFFF0000, v37  }
0x2b2: {  	v25 =	vadd.f32 v39, v25;
	_ =	sdelay $0x1  }
0x2b3: {  	v39 =	vmax.f32 v25, $1.000000000e+00  }
0x2b4: {  	v39 =	vbroadcast v39, $0xC;
	_ =	sdelay $0x1  }
0x2b5: {  	(erf) = vrcp.f32 v39;
	_ =	sdelay $0x3  }
0x2b6: {  	v29 =	vadd.bf16 v31, v29;
	_ =	sdelay $0x1  }
0x2b7: {  	v31 =	vshll.u32 v29, $0x10  }
0x2b8: {  	v59 =	vld [tilespmem:s26+$0xCB30];
	v28 =	vadd.f32 v38, v28;
	v33 =	vadd.bf16 v36, v33  }
0x2b9: {  	v60 =	vld [tilespmem:s26+$0xCBC0];
	v29 =	vand.u32 $0xFFFF0000, v29;
	v4 =	vadd.bf16 v4, v41;
	v21 =	vadd.f32 v31, v21  }
0x2ba: {  	s0 =	simm.s32 @!p0 $0x4;
	v20 =	vadd.f32 v29, v20;
	v8 =	vadd.bf16 v8, v42;
	v31 =	vpop (erf)  }
0x2bb: {  	v63 =	vshll.u32 v33, $0x10;
	v61 =	vand.u32 $0xFFFF0000, v4;
	v4 =	vshll.u32 v4, $0x10;
	_ =	swait.ge @!p0 [sflag:s0], $0x180  }
0x2bc: {  	v36 =	vand.u32 $0xFFFF0000, v33;
	v4 =	vadd.f32 v4, v21;
	v62 =	vmul.f32 v31, v28;
	[sflag:s0] =	ssyncset.done @!p0 $0x0  }
0x2bd: {  	v5 =	vadd.bf16 v5, v59;
	v20 =	vadd.f32 v61, v20;
	v18 =	vmul.f32 v31, v18;
	[sflag:s0] =	ssyncadd.s32 @!p0 $0xFFFFFE80  }
0x2be: {  	v16 =	vadd.bf16 v60, v16;
	v10 =	vadd.f32 v63, v10;
	v4 =	vmul.f32 v31, v4;
	[tilespmem:$0x19280] =	vst v62  }
0x2bf: {  	v7 =	vadd.f32 v36, v7;
	v38 =	vshll.u32 v5, $0x10;
	v39 =	vmul.f32 v31, v20;
	[tilespmem:$0x193A0] =	vst v18  }
0x2c0: {  	v5 =	vand.u32 $0xFFFF0000, v5;
	v9 =	vadd.f32 v38, v9;
	v40 =	vmul.f32 v31, v10;
	[tilespmem:$0x19290] =	vst v4  }
0x2c1: {  	v42 =	vand.u32 $0xFFFF0000, v16;
	v5 =	vadd.f32 v5, v13;
	v7 =	vmul.f32 v31, v7;
	[tilespmem:$0x193B0] =	vst v39  }
0x2c2: {  	v44 =	vshll.u32 v8, $0x10;
	v13 =	vadd.f32 v42, v14;
	v43 =	vmul.f32 v31, v9;
	[tilespmem:$0x192A0] =	vst v40  }
0x2c3: {  	v8 =	vand.u32 $0xFFFF0000, v8;
	v45 =	vadd.f32 v44, v19;
	v5 =	vmul.f32 v31, v5;
	[tilespmem:$0x193C0] =	vst v7  }
0x2c4: {  	v8 =	vadd.f32 v8, v27;
	v47 =	vmul.f32 v31, v13;
	[tilespmem:$0x192B0] =	vst v43  }
0x2c5: {  	v48 =	vadd.f32 v22, v26;
	v49 =	vmul.f32 v31, v45;
	[tilespmem:$0x193D0] =	vst v5  }
0x2c6: {  	v50 =	vmul.f32 v31, v8;
	[tilespmem:$0x193E0] =	vst v47  }
0x2c7: {  	v3 =	vadd.f32 v35, v3;
	v51 =	vand.u32 $0xFFFF0000, v32;
	v52 =	vmul.f32 v31, v48;
	[tilespmem:$0x192D0] =	vst v49  }
0x2c8: {  	v54 =	vadd.f32 v23, v24;
	v53 =	vshll.u32 v37, $0x10;
	v55 =	vmul.f32 v31, v12;
	[tilespmem:$0x193F0] =	vst v50  }
0x2c9: {  	v56 =	vadd.f32 v34, v17;
	v3 =	vadd.f32 v53, v3;
	v57 =	vmul.f32 v31, v6;
	[tilespmem:$0x192E0] =	vst v52  }
0x2ca: {  	v58 =	vadd.f32 v51, v11;
	v41 =	vshll.u32 v16, $0x10;
	v60 =	vmul.f32 v31, v54;
	[tilespmem:$0x19480] =	vst v55  }
0x2cb: {  	v59 =	vshll.u32 v30, $0x10;
	v10 =	vadd.f32 v41, v15;
	v3 =	vmul.f32 v31, v3;
	[tilespmem:$0x192F0] =	vst v57  }
0x2cc: {  	v61 =	vand.u32 $0xFFFF0000, v30;
	v63 =	vmul.f32 v31, v25;
	v7 =	vadd.f32 v59, v56;
	[tilespmem:$0x19490] =	vst v60  }
0x2cd: {  	v46 =	vmul.f32 v31, v10;
	v62 =	vadd.f32 v61, v58;
	[tilespmem:$0x19380] =	vst v3  }
0x2ce: {  	[tilespmem:$0x194A0] =	vst v63;
	v3 =	vmul.f32 v31, v7  }
0x2cf: {  	[tilespmem:$0x192C0] =	vst v46;
	v4 =	vmul.f32 v31, v62  }
0x2d0: {  	s30 =	sadd.s32 s25, s7;
	[tilespmem:$0x19390] =	vst v3  }
0x2d1: {  	s1 =	sadd.s32 $0x10, s30;
	[tilespmem:$0x194B0] =	vst v4  }
0x2d2: {  	[hbm4b:s1+s3] =	stream.linear.scatter [tilespmem:s20], [sflag:$0x4], $0x80, $0x38;
	[tilespmem:$0x19500] =	vst v63  }
.Ltmp5:
0x2d3: {  	_ = 	snop;
	(pc) =	sbr.rel @p1 .LBB2_10-.Ltmp5, $4  }
0x2d4: {  	s31 =	sadd.s32 $0x90, s30  }
0x2d5: {  	[hbm4b:s31+s3] =	stream.linear.scatter [tilespmem:s21], [sflag:$0x4], $0x80, $0x38;
	[tilespmem:$0x19500] =	vst v63  }
0x2d6: {  	s0 =	sadd.s32 $0x110, s30  }
0x2d7: {  	[hbm4b:s0+s3] =	stream.linear.scatter [tilespmem:s22], [sflag:$0x4], $0x80, $0x38;
	[tilespmem:$0x19500] =	vst v63  }
0x2d8: {  	s0 =	sadd.s32 $0x3, s24  }
0x2d9: {  	s1 =	sshll.u32 s0, $0x4  }
0x2da: {  	s0 =	sshll.u32 s0, $0x5;
	s1 =	sand.u32 $0x70, s1  }
0x2db: {  	s0 =	sand.u32 $0xFFFFF00, s0;
	s1 =	sadd.s32 s2, s1  }
0x2dc: {  	s6 =	simm.s32 $0x80;
	s0 =	sadd.s32 s0, s1  }
0x2dd: {  	[tilespmem:s6], [sflag:$0x5] =	stream.linear.gather [hbm4b:s0+s3], $0x80, $0x38;
	[tilespmem:$0x19500] =	vst v63  }
0x2de: {  	s8 =	simm.s32 $0x180;
	s0 =	sadd.s32 $0x80, s0  }
0x2df: {  	[tilespmem:s8], [sflag:$0x5] =	stream.linear.gather [hbm4b:s0+s3], $0x80, $0x38;
	[tilespmem:$0x19500] =	vst v63  }
0x2e0: {  	_ =	swait.ge [sflag:s12], $0x100  }
0x2e1: {  	[sflag:s12] =	ssyncset.done $0x0  }
0x2e2: {  	[sflag:s12] =	ssyncadd.s32 $0xFFFFFF00  }
0x2e3: {  	v3 =	vld [tilespmem:$0x80];
	_ =	sdelay $0x4  }
0x2e4: {  	v4 =	vshll.u32 v3, $0x1  }
0x2e5: {  	v3 =	vand.u32 $0x7, v3;
	v4 =	vand.u32 $0xFFFFFFF0, v4  }
0x2e6: {  	v3 =	vor.u32 v3, v4  }
0x2e7: {  	v4 =	vperm.xlane v3, v0;
	_ =	sdelay $0x1  }
0x2e8: {  	v3 =	vperm.xlane v3, v2;
	v4 =	vadd.s32 v1, v4;
	_ =	sdelay $0x1  }
0x2e9: {  	v3 =	vadd.s32 v1, v3;
	_ =	sdelay $0x1  }
0x2ea: {  	s9 =	simm.s32 $0xCA00  }
0x2eb: {  	[tilespmem:s9], [sflag:$0x2] =	stream.indirect_vreg.gather [hbm4b:s5+s3], $0x80, v4, vm0, $0xb8;
	[tilespmem:$0x19500] =	vst v63  }
0x2ec: {  	s10 =	simm.s32 $0xD200  }
0x2ed: {  	[tilespmem:s10], [sflag:$0x2] =	stream.indirect_vreg.gather [hbm4b:s5+s3], $0x80, v3, vm0, $0xb8;
	[tilespmem:$0x19500] =	vst v63  }
0x2ee: {  	v3 =	vld [tilespmem:$0x90];
	_ =	sdelay $0x4  }
0x2ef: {  	v52 =	vshll.u32 v3, $0x1  }
0x2f0: {  	v3 =	vand.u32 $0x7, v3;
	v4 =	vand.u32 $0xFFFFFFF0, v52  }
0x2f1: {  	v3 =	vor.u32 v3, v4  }
0x2f2: {  	v4 =	vperm.xlane v3, v0;
	_ =	sdelay $0x1  }
0x2f3: {  	v3 =	vperm.xlane v3, v2;
	v4 =	vadd.s32 v1, v4;
	_ =	sdelay $0x1  }
0x2f4: {  	v3 =	vadd.s32 v1, v3;
	_ =	sdelay $0x1  }
0x2f5: {  	s11 =	simm.s32 $0xDA00  }
0x2f6: {  	[tilespmem:s11], [sflag:$0x2] =	stream.indirect_vreg.gather [hbm4b:s5+s3], $0x80, v4, vm0, $0xb8;
	[tilespmem:$0x19500] =	vst v63  }
0x2f7: {  	s24 =	simm.s32 $0xE200  }
0x2f8: {  	[tilespmem:s24], [sflag:$0x2] =	stream.indirect_vreg.gather [hbm4b:s5+s3], $0x80, v3, vm0, $0xb8;
	[tilespmem:$0x19500] =	vst v63  }
0x2f9: {  	v3 =	vld [tilespmem:$0xA0];
	_ =	sdelay $0x4  }
0x2fa: {  	v53 =	vshll.u32 v3, $0x1  }
0x2fb: {  	v3 =	vand.u32 $0x7, v3;
	v4 =	vand.u32 $0xFFFFFFF0, v53  }
0x2fc: {  	v3 =	vor.u32 v3, v4  }
0x2fd: {  	v4 =	vperm.xlane v3, v0;
	_ =	sdelay $0x1  }
0x2fe: {  	v3 =	vperm.xlane v3, v2;
	v4 =	vadd.s32 v1, v4;
	_ =	sdelay $0x1  }
0x2ff: {  	v3 =	vadd.s32 v1, v3;
	_ =	sdelay $0x1  }
0x300: {  	s25 =	simm.s32 $0xEA00  }
0x301: {  	[tilespmem:s25], [sflag:$0x2] =	stream.indirect_vreg.gather [hbm4b:s5+s3], $0x80, v4, vm0, $0xb8;
	[tilespmem:$0x19500] =	vst v63  }
0x302: {  	s26 =	simm.s32 $0xF200  }
0x303: {  	[tilespmem:s26], [sflag:$0x2] =	stream.indirect_vreg.gather [hbm4b:s5+s3], $0x80, v3, vm0, $0xb8;
	[tilespmem:$0x19500] =	vst v63  }
0x304: {  	v3 =	vld [tilespmem:$0xB0];
	_ =	sdelay $0x4  }
0x305: {  	v54 =	vshll.u32 v3, $0x1  }
0x306: {  	v3 =	vand.u32 $0x7, v3;
	v4 =	vand.u32 $0xFFFFFFF0, v54  }
0x307: {  	v3 =	vor.u32 v3, v4  }
0x308: {  	v4 =	vperm.xlane v3, v0;
	_ =	sdelay $0x1  }
0x309: {  	v3 =	vperm.xlane v3, v2;
	v4 =	vadd.s32 v1, v4;
	_ =	sdelay $0x1  }
0x30a: {  	v3 =	vadd.s32 v1, v3;
	_ =	sdelay $0x1  }
0x30b: {  	s28 =	simm.s32 $0xFA00  }
0x30c: {  	[tilespmem:s28], [sflag:$0x2] =	stream.indirect_vreg.gather [hbm4b:s5+s3], $0x80, v4, vm0, $0xb8;
	[tilespmem:$0x19500] =	vst v63  }
0x30d: {  	s29 =	simm.s32 $0x10200  }
0x30e: {  	[tilespmem:s29], [sflag:$0x2] =	stream.indirect_vreg.gather [hbm4b:s5+s3], $0x80, v3, vm0, $0xb8;
	[tilespmem:$0x19500] =	vst v63  }
0x30f: {  	v3 =	vld [tilespmem:$0xC0];
	_ =	sdelay $0x4  }
0x310: {  	v55 =	vshll.u32 v3, $0x1  }
0x311: {  	v3 =	vand.u32 $0x7, v3;
	v4 =	vand.u32 $0xFFFFFFF0, v55  }
0x312: {  	v3 =	vor.u32 v3, v4  }
0x313: {  	v4 =	vperm.xlane v3, v0;
	_ =	sdelay $0x1  }
0x314: {  	v3 =	vperm.xlane v3, v2;
	v4 =	vadd.s32 v1, v4;
	_ =	sdelay $0x1  }
0x315: {  	v3 =	vadd.s32 v1, v3;
	_ =	sdelay $0x1  }
0x316: {  	s30 =	simm.s32 $0x10A00  }
0x317: {  	[tilespmem:s30], [sflag:$0x2] =	stream.indirect_vreg.gather [hbm4b:s5+s3], $0x80, v4, vm0, $0xb8;
	[tilespmem:$0x19500] =	vst v63  }
0x318: {  	s31 =	simm.s32 $0x11200  }
0x319: {  	[tilespmem:s31], [sflag:$0x2] =	stream.indirect_vreg.gather [hbm4b:s5+s3], $0x80, v3, vm0, $0xb8;
	[tilespmem:$0x19500] =	vst v63  }
0x31a: {  	v3 =	vld [tilespmem:$0xD0];
	_ =	sdelay $0x4  }
0x31b: {  	v56 =	vshll.u32 v3, $0x1  }
0x31c: {  	v3 =	vand.u32 $0x7, v3;
	v4 =	vand.u32 $0xFFFFFFF0, v56  }
0x31d: {  	v3 =	vor.u32 v3, v4  }
0x31e: {  	v4 =	vperm.xlane v3, v0;
	_ =	sdelay $0x1  }
0x31f: {  	v3 =	vperm.xlane v3, v2;
	v4 =	vadd.s32 v1, v4;
	_ =	sdelay $0x1  }
0x320: {  	v3 =	vadd.s32 v1, v3;
	_ =	sdelay $0x1  }
0x321: {  	s1 =	simm.s32 $0x11A00  }
0x322: {  	[tilespmem:s1], [sflag:$0x2] =	stream.indirect_vreg.gather [hbm4b:s5+s3], $0x80, v4, vm0, $0xb8;
	[tilespmem:$0x19500] =	vst v63  }
0x323: {  	s6 =	simm.s32 $0x12200  }
0x324: {  	[tilespmem:s6], [sflag:$0x2] =	stream.indirect_vreg.gather [hbm4b:s5+s3], $0x80, v3, vm0, $0xb8;
	[tilespmem:$0x19500] =	vst v63  }
0x325: {  	v3 =	vld [tilespmem:$0xE0];
	_ =	sdelay $0x4  }
0x326: {  	v57 =	vshll.u32 v3, $0x1  }
0x327: {  	v3 =	vand.u32 $0x7, v3;
	v4 =	vand.u32 $0xFFFFFFF0, v57  }
0x328: {  	v3 =	vor.u32 v3, v4  }
0x329: {  	v4 =	vperm.xlane v3, v0;
	_ =	sdelay $0x1  }
0x32a: {  	v3 =	vperm.xlane v3, v2;
	v4 =	vadd.s32 v1, v4;
	_ =	sdelay $0x1  }
0x32b: {  	v3 =	vadd.s32 v1, v3;
	_ =	sdelay $0x1  }
0x32c: {  	s8 =	simm.s32 $0x12A00  }
0x32d: {  	[tilespmem:s8], [sflag:$0x2] =	stream.indirect_vreg.gather [hbm4b:s5+s3], $0x80, v4, vm0, $0xb8;
	[tilespmem:$0x19500] =	vst v63  }
0x32e: {  	s9 =	simm.s32 $0x13200  }
0x32f: {  	[tilespmem:s9], [sflag:$0x2] =	stream.indirect_vreg.gather [hbm4b:s5+s3], $0x80, v3, vm0, $0xb8;
	[tilespmem:$0x19500] =	vst v63  }
0x330: {  	v3 =	vld [tilespmem:$0xF0];
	_ =	sdelay $0x4  }
0x331: {  	v58 =	vshll.u32 v3, $0x1  }
0x332: {  	v3 =	vand.u32 $0x7, v3;
	v4 =	vand.u32 $0xFFFFFFF0, v58  }
0x333: {  	v3 =	vor.u32 v3, v4  }
0x334: {  	v4 =	vperm.xlane v3, v0;
	_ =	sdelay $0x1  }
0x335: {  	v3 =	vperm.xlane v3, v2;
	v4 =	vadd.s32 v1, v4;
	_ =	sdelay $0x1  }
0x336: {  	v3 =	vadd.s32 v1, v3;
	_ =	sdelay $0x1  }
0x337: {  	s10 =	simm.s32 $0x13A00  }
0x338: {  	[tilespmem:s10], [sflag:$0x2] =	stream.indirect_vreg.gather [hbm4b:s5+s3], $0x80, v4, vm0, $0xb8;
	[tilespmem:$0x19500] =	vst v63  }
0x339: {  	s11 =	simm.s32 $0x14200  }
0x33a: {  	[tilespmem:s11], [sflag:$0x2] =	stream.indirect_vreg.gather [hbm4b:s5+s3], $0x80, v3, vm0, $0xb8;
	[tilespmem:$0x19500] =	vst v63  }
0x33b: {  	v3 =	vld [tilespmem:$0x180];
	_ =	sdelay $0x4  }
0x33c: {  	v59 =	vshll.u32 v3, $0x1  }
0x33d: {  	v3 =	vand.u32 $0x7, v3;
	v4 =	vand.u32 $0xFFFFFFF0, v59  }
0x33e: {  	v3 =	vor.u32 v3, v4  }
0x33f: {  	v4 =	vperm.xlane v3, v0;
	_ =	sdelay $0x1  }
0x340: {  	v3 =	vperm.xlane v3, v2;
	v4 =	vadd.s32 v1, v4;
	_ =	sdelay $0x1  }
0x341: {  	v3 =	vadd.s32 v1, v3;
	_ =	sdelay $0x1  }
0x342: {  	s24 =	simm.s32 $0x14A00  }
0x343: {  	[tilespmem:s24], [sflag:$0x2] =	stream.indirect_vreg.gather [hbm4b:s5+s3], $0x80, v4, vm0, $0xb8;
	[tilespmem:$0x19500] =	vst v63  }
0x344: {  	s25 =	simm.s32 $0x15200  }
0x345: {  	[tilespmem:s25], [sflag:$0x2] =	stream.indirect_vreg.gather [hbm4b:s5+s3], $0x80, v3, vm0, $0xb8;
	[tilespmem:$0x19500] =	vst v63  }
0x346: {  	v3 =	vld [tilespmem:$0x190];
	_ =	sdelay $0x4  }
0x347: {  	v60 =	vshll.u32 v3, $0x1  }
0x348: {  	v3 =	vand.u32 $0x7, v3;
	v4 =	vand.u32 $0xFFFFFFF0, v60  }
0x349: {  	v3 =	vor.u32 v3, v4  }
0x34a: {  	v4 =	vperm.xlane v3, v0;
	_ =	sdelay $0x1  }
0x34b: {  	v3 =	vperm.xlane v3, v2;
	v4 =	vadd.s32 v1, v4;
	_ =	sdelay $0x1  }
0x34c: {  	v3 =	vadd.s32 v1, v3;
	_ =	sdelay $0x1  }
0x34d: {  	s26 =	simm.s32 $0x15A00  }
0x34e: {  	[tilespmem:s26], [sflag:$0x2] =	stream.indirect_vreg.gather [hbm4b:s5+s3], $0x80, v4, vm0, $0xb8;
	[tilespmem:$0x19500] =	vst v63  }
0x34f: {  	s28 =	simm.s32 $0x16200  }
0x350: {  	[tilespmem:s28], [sflag:$0x2] =	stream.indirect_vreg.gather [hbm4b:s5+s3], $0x80, v3, vm0, $0xb8;
	[tilespmem:$0x19500] =	vst v63  }
0x351: {  	v3 =	vld [tilespmem:$0x1A0];
	_ =	sdelay $0x4  }
0x352: {  	v61 =	vshll.u32 v3, $0x1  }
0x353: {  	v3 =	vand.u32 $0x7, v3;
	v4 =	vand.u32 $0xFFFFFFF0, v61  }
0x354: {  	v3 =	vor.u32 v3, v4  }
0x355: {  	v4 =	vperm.xlane v3, v0;
	_ =	sdelay $0x1  }
0x356: {  	v3 =	vperm.xlane v3, v2;
	v4 =	vadd.s32 v1, v4;
	_ =	sdelay $0x1  }
0x357: {  	v3 =	vadd.s32 v1, v3;
	_ =	sdelay $0x1  }
0x358: {  	s29 =	simm.s32 $0x16A00  }
0x359: {  	[tilespmem:s29], [sflag:$0x2] =	stream.indirect_vreg.gather [hbm4b:s5+s3], $0x80, v4, vm0, $0xb8;
	[tilespmem:$0x19500] =	vst v63  }
0x35a: {  	s30 =	simm.s32 $0x17200  }
0x35b: {  	[tilespmem:s30], [sflag:$0x2] =	stream.indirect_vreg.gather [hbm4b:s5+s3], $0x80, v3, vm0, $0xb8;
	[tilespmem:$0x19500] =	vst v63  }
0x35c: {  	v3 =	vld [tilespmem:$0x1B0];
	_ =	sdelay $0x4  }
0x35d: {  	v62 =	vshll.u32 v3, $0x1  }
0x35e: {  	v3 =	vand.u32 $0x7, v3;
	v4 =	vand.u32 $0xFFFFFFF0, v62  }
0x35f: {  	v3 =	vor.u32 v3, v4  }
0x360: {  	v4 =	vperm.xlane v3, v0;
	_ =	sdelay $0x1  }
0x361: {  	v3 =	vperm.xlane v3, v2;
	v4 =	vadd.s32 v1, v4;
	_ =	sdelay $0x1  }
0x362: {  	v3 =	vadd.s32 v1, v3;
	_ =	sdelay $0x1  }
0x363: {  	s31 =	simm.s32 $0x17A00  }
0x364: {  	[tilespmem:s31], [sflag:$0x2] =	stream.indirect_vreg.gather [hbm4b:s5+s3], $0x80, v4, vm0, $0xb8;
	[tilespmem:$0x19500] =	vst v63  }
0x365: {  	_ = 	snop  }
0x366: {  	[tilespmem:s13], [sflag:$0x2] =	stream.indirect_vreg.gather [hbm4b:s5+s3], $0x80, v3, vm0, $0xb8;
	[tilespmem:$0x19500] =	vst v63  }
0x367: {  	v3 =	vld.msk [tilespmem:$0x1C0], $0xff;
	_ =	sdelay $0x4  }
0x368: {  	v63 =	vshll.u32 v3, $0x1  }
0x369: {  	v3 =	vand.u32 $0x7, v3;
	v4 =	vand.u32 $0xFFFFFFF0, v63  }
0x36a: {  	v3 =	vor.u32 v3, v4  }
0x36b: {  	v3 =	vperm.xlane v3, v0;
	_ =	sdelay $0x1  }
0x36c: {  	v3 =	vadd.s32 v1, v3  }
.Ltmp6:
0x36d: {  	_ = 	snop;
	(pc) =	sbr.rel .LBB2_2-.Ltmp6, $3  }
0x36e: {  	_ =	sdelay $0x1  }
0x36f: {  	s23 =	sadd.s32 $0x1, s23  }
0x370: {  	[tilespmem:s14], [sflag:$0x2] =	stream.indirect_vreg.gather [hbm4b:s5+s3], $0x80, v3, vm0, $0xb8;
	[tilespmem:$0x19500] =	vst v63  }
.LBB2_11:
0x371: {  	_ =	sfence.sel $0x180000  }
0x372: {  	[bflag:$0x0] =	sbarrier.arrive $0xFFFF  }
0x373: {  	_ =	strace $0x90000047  }
0x374: {  	s0 =	stileid.u32;
	[bflag:$0x2] =	sbarrier.arrive $0xFFFF  }
0x375: {  	p0 =	sne.s32 s0, $0x0;
	s0 =	rddreg [dreg:$0x2]  }
0x376: {  	s0 =	sadd.s32 @!p0 $0x100000, s0  }
0x377: {  	[sflag:s0] =	ssyncadd.tile.s32 @!p0 $0x1;
	_ =	shalt  }
.Lfunc_end2:
_tile_overlayer_lowered:
.L_overlay_start_2:
0x378: {  	(tag) =	ssettag $0x2  }
0x379: {  	s0 =	rddreg [dreg:$0x0];
	s2 =	stileid.u32  }
0x37a: {  	s1 =	rddreg [dreg:$0x1];
	p0 =	sne.s32 s2, $0x0  }
0x37b: {  	s3 =	rddreg [dreg:$0x2];
	[bflag:$0x3] =	sbarrier.arrive $0xFFFF;
	s2 =	simm.s32 @!p0 $0x1C05  }
0x37c: {  	[timem:s3], [sflag:s2] =	dma.local @!p0 [hbm:s0], s1  }
0x37d: {  	s0 =	simm.s32 @!p0 $0x5  }
0x37e: {  	_ =	swait.ge @!p0 [sflag:s0], s1  }
0x37f: {  	s1 =	ssub.s32 @!p0 $0x0, s1;
	[sflag:s0] =	ssyncset.done @!p0 $0x0  }
0x380: {  	[sflag:s0] =	ssyncadd.s32 @!p0 s1  }
0x381: {  	[bflag:$0x3] =	sbarrier.arrive $0xFFFF  }
0x382: {  	_ =	shalt  }

</sc_bundles>
